<compile_context>
chip_gen: v7x
topology: tpu7x:2x2x1
jax: 0.10.2.dev20260603
libtpu: 0.0.44.dev20260713+nightly
codegen_flags: <defaults>
</compile_context>

<pallas_src>
import functools

import jax
import jax.numpy as jnp
from jax import lax
from jax.experimental import pallas as pl
from jax.experimental.pallas import tpu as pltpu
from jax.experimental.pallas import tpu_sc as plsc

_D = 128
_NC = 2
_NS = 16
_NW = _NC * _NS
_CH = 32
_NB = 14


@jax.jit
def _embed(idx2, wte):
    nw, n_per_w = idx2.shape
    ch = _CH
    n_ch = n_per_w // ch
    n_rows = nw * n_per_w
    n_grp = n_ch // _NB
    n_tail = n_ch % _NB
    m = n_grp * _NB

    mesh = plsc.VectorSubcoreMesh(
        core_axis_name="c", subcore_axis_name="s", num_cores=_NC,
        num_subcores=_NS)

    @functools.partial(
        pl.kernel,
        mesh=mesh,
        out_type=jax.ShapeDtypeStruct((n_rows, _D), jnp.float32),
        scratch_types=[
            pltpu.VMEM((n_ch * ch,), jnp.int32),
            pltpu.VMEM((_NB, ch, _D), jnp.float32),
            pltpu.SemaphoreType.DMA((_NB,)),
            pltpu.SemaphoreType.DMA((_NB,)),
        ],
    )
    def k(idx_hbm, table_hbm, out_hbm, idx_v, rows_v, gsems, ssems):
        wid = lax.axis_index("s") * _NC + lax.axis_index("c")
        base = wid * n_per_w
        pltpu.sync_copy(idx_hbm.at[wid], idx_v)

        def g_start(j, b):
            pltpu.async_copy(table_hbm.at[idx_v.at[pl.ds(j * ch, ch)]],
                             rows_v.at[b], gsems.at[b])

        def g_wait(j, b):
            pltpu.make_async_copy(table_hbm.at[idx_v.at[pl.ds(j * ch, ch)]],
                                  rows_v.at[b], gsems.at[b]).wait()

        def s_start(j, b):
            pltpu.async_copy(rows_v.at[b],
                             out_hbm.at[pl.ds(base + j * ch, ch)],
                             ssems.at[b])

        def s_wait(j, b):
            pltpu.make_async_copy(rows_v.at[b],
                                  out_hbm.at[pl.ds(base + j * ch, ch)],
                                  ssems.at[b]).wait()

        for b in range(_NB):
            g_start(b, b)

        def group(g, carry):
            for b in range(_NB):
                j = g * _NB + b
                g_wait(j, b)
                s_start(j, b)
            for b in range(_NB):
                j = g * _NB + b
                s_wait(j, b)
                g_start(j + _NB, b)
            return carry

        lax.fori_loop(0, n_grp - 1, group, 0)

        j0 = (n_grp - 1) * _NB
        for b in range(_NB):
            g_wait(j0 + b, b)
            s_start(j0 + b, b)
        for t in range(n_tail):
            s_wait(j0 + t, t)
            g_start(m + t, t)
        for b in range(n_tail, _NB):
            s_wait(j0 + b, b)
        for t in range(n_tail):
            g_wait(m + t, t)
            s_start(m + t, t)
        for t in range(n_tail):
            s_wait(m + t, t)

    return k(idx2, wte)


def kernel(input_ids, wte):
    b, s = input_ids.shape
    n = b * s
    idx2 = input_ids.astype(jnp.int32).reshape(_NW, n // _NW)
    out = _embed(idx2, wte)
    return out.reshape(b, s, _D)

# --- scband reference (transcript-rebuilt; emitter-appended) ---
"""Pipeline reference for scband-embedding-59201829208723 (READ-ONLY COPY).

The authoritative reference and input builder live on the scoring server;
editing this copy changes nothing except your own understanding.
"""

import jax, jax.numpy as jnp
import numpy as np

VOCAB = 100000
N_EMBD = 128
BATCH = 1024
SEQ = 200

def setup_inputs(seed: int = 0) -> dict:
    key = jax.random.key(seed)
    k_idx, k_w = jax.random.split(key)
    input_ids = jax.random.randint(k_idx, (BATCH, SEQ), 0, VOCAB, dtype=jnp.int64 if jax.config.jax_enable_x64 else jnp.int32)
    wte = jax.random.normal(k_w, (VOCAB, N_EMBD), dtype=jnp.float32) * 0.02
    return {"input_ids": input_ids, "wte": wte}

def reference(input_ids, wte):
    # forward: view(-1, last_dim) then embedding lookup; dropout p=0.0 (eval/identity)
    input_shape = input_ids.shape
    ids = input_ids.reshape(-1, input_shape[-1])
    hidden_states = jnp.take(wte, ids, axis=0)
    return hidden_states

if __name__ == "__main__":
    import jax
    _d = setup_inputs()
    print(jax.jit(kernel)(*tuple(_d.values())))

</pallas_src>

<mosaic_0001>
#map = affine_map<(d0, d1) -> (0, 0)>
module attributes {stable_mosaic.version = 14 : i64} {
  func.func @k(%arg0: i32, %arg1: i32, %arg2: memref<32x6400xi32, #tpu.memory_space<hbm>>, %arg3: memref<100000x128xf32, #tpu.memory_space<hbm>>, %arg4: memref<204800x128xf32, #tpu.memory_space<hbm>>, %arg5: memref<6400xi32, #tpu.memory_space<vmem>>, %arg6: memref<14x32x128xf32, #tpu.memory_space<vmem>>, %arg7: memref<14x!tpu.dma_semaphore, #tpu.memory_space<semaphore_mem>>, %arg8: memref<14x!tpu.dma_semaphore, #tpu.memory_space<semaphore_mem>>) attributes {dimension_semantics = [#tpu.dimension_semantics<core_parallel>, #tpu.dimension_semantics<subcore_parallel>], iteration_bounds = array<i64: 2, 16>, scalar_prefetch = 0 : i64, scratch_operands = 4 : i64, tpu.core_type = #tpu.core_type<sc_vector_subcore>, window_params = [{transform_indices = #map}, {transform_indices = #map}, {transform_indices = #map}]} {
    %mul3A = arith.constant 2 : i32
    %mul3A_0 = arith.muli %arg1, %mul3A : i32
    %add3A = arith.addi %mul3A_0, %arg0 : i32
    %mul3A_1 = arith.constant 6400 : i32
    %mul3A_2 = arith.muli %add3A, %mul3A_1 : i32
    "tpu.region"() ({
      %run_scoped3A = tpu.sem_alloc : memref<!tpu.dma_semaphore, #tpu.memory_space<semaphore_mem>>
      %dma_start3A_1122 = arith.constant 0 : i32
      %dma_start3A_1123 = tpu.memref_slice %arg2[%add3A, %dma_start3A_1122] : memref<32x6400xi32, #tpu.memory_space<hbm>> -> memref<1x6400xi32, #tpu.memory_space<hbm>>
      %dma_start3A_1124 = tpu.memref_squeeze %dma_start3A_1123 : memref<1x6400xi32, #tpu.memory_space<hbm>> -> memref<6400xi32, #tpu.memory_space<hbm>>
      %dma_start3A_1125 = arith.constant 0 : i32
      %dma_start3A_1126 = tpu.memref_slice %arg2[%add3A, %dma_start3A_1125] : memref<32x6400xi32, #tpu.memory_space<hbm>> -> memref<1x6400xi32, #tpu.memory_space<hbm>>
      %dma_start3A_1127 = tpu.memref_squeeze %dma_start3A_1126 : memref<1x6400xi32, #tpu.memory_space<hbm>> -> memref<6400xi32, #tpu.memory_space<hbm>>
      tpu.enqueue_dma source(%dma_start3A_1127 : memref<6400xi32, #tpu.memory_space<hbm>>) target(%arg5 : memref<6400xi32, #tpu.memory_space<vmem>>) target_semaphore(%run_scoped3A : memref<!tpu.dma_semaphore, #tpu.memory_space<semaphore_mem>>)
      %dma_wait3A_1128 = arith.constant 0 : i32
      %dma_wait3A_1129 = tpu.memref_slice %arg2[%add3A, %dma_wait3A_1128] : memref<32x6400xi32, #tpu.memory_space<hbm>> -> memref<1x6400xi32, #tpu.memory_space<hbm>>
      %dma_wait3A_1130 = tpu.memref_squeeze %dma_wait3A_1129 : memref<1x6400xi32, #tpu.memory_space<hbm>> -> memref<6400xi32, #tpu.memory_space<hbm>>
      %dma_wait3A_1131 = arith.constant 0 : i32
      %dma_wait3A_1132 = tpu.memref_slice %arg2[%add3A, %dma_wait3A_1131] : memref<32x6400xi32, #tpu.memory_space<hbm>> -> memref<1x6400xi32, #tpu.memory_space<hbm>>
      %dma_wait3A_1133 = tpu.memref_squeeze %dma_wait3A_1132 : memref<1x6400xi32, #tpu.memory_space<hbm>> -> memref<6400xi32, #tpu.memory_space<hbm>>
      tpu.wait_dma2 semaphore(%run_scoped3A : memref<!tpu.dma_semaphore, #tpu.memory_space<semaphore_mem>>) src(%dma_wait3A_1133 : memref<6400xi32, #tpu.memory_space<hbm>>) dst(%arg5 : memref<6400xi32, #tpu.memory_space<vmem>>)
      tpu.yield
    }) : () -> ()
    %dma_start3A = arith.constant 0 : i32
    %dma_start3A_3 = arith.constant 0 : i32
    %dma_start3A_4 = arith.constant 0 : i32
    %dma_start3A_5 = arith.constant 0 : i32
    %dma_start3A_6 = tpu.memref_slice %arg6[%dma_start3A, %dma_start3A_4, %dma_start3A_5] : memref<14x32x128xf32, #tpu.memory_space<vmem>> -> memref<1x32x128xf32, #tpu.memory_space<vmem>>
    %dma_start3A_7 = tpu.memref_squeeze %dma_start3A_6 : memref<1x32x128xf32, #tpu.memory_space<vmem>> -> memref<32x128xf32, #tpu.memory_space<vmem>>
    %dma_start3A_8 = arith.constant 0 : i32
    %dma_start3A_9 = tpu.memref_slice %arg5[%dma_start3A_8] : memref<6400xi32, #tpu.memory_space<vmem>> -> memref<32xi32, #tpu.memory_space<vmem>>
    %dma_start3A_10 = arith.constant 0 : i32
    %dma_start3A_11 = arith.constant 0 : i32
    %dma_start3A_12 = tpu.memref_slice %arg3[%dma_start3A_10, %dma_start3A_11] : memref<100000x128xf32, #tpu.memory_space<hbm>> -> memref<100000x128xf32, #tpu.memory_space<hbm>>
    %dma_start3A_13 = tpu.memref_slice %arg7[%dma_start3A_3] : memref<14x!tpu.dma_semaphore, #tpu.memory_space<semaphore_mem>> -> memref<1x!tpu.dma_semaphore, #tpu.memory_space<semaphore_mem>>
    %dma_start3A_14 = tpu.memref_squeeze %dma_start3A_13 : memref<1x!tpu.dma_semaphore, #tpu.memory_space<semaphore_mem>> -> memref<!tpu.dma_semaphore, #tpu.memory_space<semaphore_mem>>
    tpu.enqueue_indirect_dma source(%dma_start3A_12 : memref<100000x128xf32, #tpu.memory_space<hbm>>) target(%dma_start3A_7 : memref<32x128xf32, #tpu.memory_space<vmem>>) offsets(%dma_start3A_9 : memref<32xi32, #tpu.memory_space<vmem>>) semaphore(%dma_start3A_14 : memref<!tpu.dma_semaphore, #tpu.memory_space<semaphore_mem>>)
    %dma_start3A_15 = arith.constant 1 : i32
    %dma_start3A_16 = arith.constant 1 : i32
    %dma_start3A_17 = arith.constant 0 : i32
    %dma_start3A_18 = arith.constant 0 : i32
    %dma_start3A_19 = tpu.memref_slice %arg6[%dma_start3A_15, %dma_start3A_17, %dma_start3A_18] : memref<14x32x128xf32, #tpu.memory_space<vmem>> -> memref<1x32x128xf32, #tpu.memory_space<vmem>>
    %dma_start3A_20 = tpu.memref_squeeze %dma_start3A_19 : memref<1x32x128xf32, #tpu.memory_space<vmem>> -> memref<32x128xf32, #tpu.memory_space<vmem>>
    %dma_start3A_21 = arith.constant 32 : i32
    %dma_start3A_22 = tpu.memref_slice %arg5[%dma_start3A_21] : memref<6400xi32, #tpu.memory_space<vmem>> -> memref<32xi32, #tpu.memory_space<vmem>>
    %dma_start3A_23 = arith.constant 0 : i32
    %dma_start3A_24 = arith.constant 0 : i32
    %dma_start3A_25 = tpu.memref_slice %arg3[%dma_start3A_23, %dma_start3A_24] : memref<100000x128xf32, #tpu.memory_space<hbm>> -> memref<100000x128xf32, #tpu.memory_space<hbm>>
    %dma_start3A_26 = tpu.memref_slice %arg7[%dma_start3A_16] : memref<14x!tpu.dma_semaphore, #tpu.memory_space<semaphore_mem>> -> memref<1x!tpu.dma_semaphore, #tpu.memory_space<semaphore_mem>>
    %dma_start3A_27 = tpu.memref_squeeze %dma_start3A_26 : memref<1x!tpu.dma_semaphore, #tpu.memory_space<semaphore_mem>> -> memref<!tpu.dma_semaphore, #tpu.memory_space<semaphore_mem>>
    tpu.enqueue_indirect_dma source(%dma_start3A_25 : memref<100000x128xf32, #tpu.memory_space<hbm>>) target(%dma_start3A_20 : memref<32x128xf32, #tpu.memory_space<vmem>>) offsets(%dma_start3A_22 : memref<32xi32, #tpu.memory_space<vmem>>) semaphore(%dma_start3A_27 : memref<!tpu.dma_semaphore, #tpu.memory_space<semaphore_mem>>)
    %dma_start3A_28 = arith.constant 2 : i32
    %dma_start3A_29 = arith.constant 2 : i32
    %dma_start3A_30 = arith.constant 0 : i32
    %dma_start3A_31 = arith.constant 0 : i32
    %dma_start3A_32 = tpu.memref_slice %arg6[%dma_start3A_28, %dma_start3A_30, %dma_start3A_31] : memref<14x32x128xf32, #tpu.memory_space<vmem>> -> memref<1x32x128xf32, #tpu.memory_space<vmem>>
    %dma_start3A_33 = tpu.memref_squeeze %dma_start3A_32 : memref<1x32x128xf32, #tpu.memory_space<vmem>> -> memref<32x128xf32, #tpu.memory_space<vmem>>
    %dma_start3A_34 = arith.constant 64 : i32
    %dma_start3A_35 = tpu.memref_slice %arg5[%dma_start3A_34] : memref<6400xi32, #tpu.memory_space<vmem>> -> memref<32xi32, #tpu.memory_space<vmem>>
    %dma_start3A_36 = arith.constant 0 : i32
    %dma_start3A_37 = arith.constant 0 : i32
    %dma_start3A_38 = tpu.memref_slice %arg3[%dma_start3A_36, %dma_start3A_37] : memref<100000x128xf32, #tpu.memory_space<hbm>> -> memref<100000x128xf32, #tpu.memory_space<hbm>>
    %dma_start3A_39 = tpu.memref_slice %arg7[%dma_start3A_29] : memref<14x!tpu.dma_semaphore, #tpu.memory_space<semaphore_mem>> -> memref<1x!tpu.dma_semaphore, #tpu.memory_space<semaphore_mem>>
    %dma_start3A_40 = tpu.memref_squeeze %dma_start3A_39 : memref<1x!tpu.dma_semaphore, #tpu.memory_space<semaphore_mem>> -> memref<!tpu.dma_semaphore, #tpu.memory_space<semaphore_mem>>
    tpu.enqueue_indirect_dma source(%dma_start3A_38 : memref<100000x128xf32, #tpu.memory_space<hbm>>) target(%dma_start3A_33 : memref<32x128xf32, #tpu.memory_space<vmem>>) offsets(%dma_start3A_35 : memref<32xi32, #tpu.memory_space<vmem>>) semaphore(%dma_start3A_40 : memref<!tpu.dma_semaphore, #tpu.memory_space<semaphore_mem>>)
    %dma_start3A_41 = arith.constant 3 : i32
    %dma_start3A_42 = arith.constant 3 : i32
    %dma_start3A_43 = arith.constant 0 : i32
    %dma_start3A_44 = arith.constant 0 : i32
    %dma_start3A_45 = tpu.memref_slice %arg6[%dma_start3A_41, %dma_start3A_43, %dma_start3A_44] : memref<14x32x128xf32, #tpu.memory_space<vmem>> -> memref<1x32x128xf32, #tpu.memory_space<vmem>>
    %dma_start3A_46 = tpu.memref_squeeze %dma_start3A_45 : memref<1x32x128xf32, #tpu.memory_space<vmem>> -> memref<32x128xf32, #tpu.memory_space<vmem>>
    %dma_start3A_47 = arith.constant 96 : i32
    %dma_start3A_48 = tpu.memref_slice %arg5[%dma_start3A_47] : memref<6400xi32, #tpu.memory_space<vmem>> -> memref<32xi32, #tpu.memory_space<vmem>>
    %dma_start3A_49 = arith.constant 0 : i32
    %dma_start3A_50 = arith.constant 0 : i32
    %dma_start3A_51 = tpu.memref_slice %arg3[%dma_start3A_49, %dma_start3A_50] : memref<100000x128xf32, #tpu.memory_space<hbm>> -> memref<100000x128xf32, #tpu.memory_space<hbm>>
    %dma_start3A_52 = tpu.memref_slice %arg7[%dma_start3A_42] : memref<14x!tpu.dma_semaphore, #tpu.memory_space<semaphore_mem>> -> memref<1x!tpu.dma_semaphore, #tpu.memory_space<semaphore_mem>>
    %dma_start3A_53 = tpu.memref_squeeze %dma_start3A_52 : memref<1x!tpu.dma_semaphore, #tpu.memory_space<semaphore_mem>> -> memref<!tpu.dma_semaphore, #tpu.memory_space<semaphore_mem>>
    tpu.enqueue_indirect_dma source(%dma_start3A_51 : memref<100000x128xf32, #tpu.memory_space<hbm>>) target(%dma_start3A_46 : memref<32x128xf32, #tpu.memory_space<vmem>>) offsets(%dma_start3A_48 : memref<32xi32, #tpu.memory_space<vmem>>) semaphore(%dma_start3A_53 : memref<!tpu.dma_semaphore, #tpu.memory_space<semaphore_mem>>)
    %dma_start3A_54 = arith.constant 4 : i32
    %dma_start3A_55 = arith.constant 4 : i32
    %dma_start3A_56 = arith.constant 0 : i32
    %dma_start3A_57 = arith.constant 0 : i32
    %dma_start3A_58 = tpu.memref_slice %arg6[%dma_start3A_54, %dma_start3A_56, %dma_start3A_57] : memref<14x32x128xf32, #tpu.memory_space<vmem>> -> memref<1x32x128xf32, #tpu.memory_space<vmem>>
    %dma_start3A_59 = tpu.memref_squeeze %dma_start3A_58 : memref<1x32x128xf32, #tpu.memory_space<vmem>> -> memref<32x128xf32, #tpu.memory_space<vmem>>
    %dma_start3A_60 = arith.constant 128 : i32
    %dma_start3A_61 = tpu.memref_slice %arg5[%dma_start3A_60] : memref<6400xi32, #tpu.memory_space<vmem>> -> memref<32xi32, #tpu.memory_space<vmem>>
    %dma_start3A_62 = arith.constant 0 : i32
    %dma_start3A_63 = arith.constant 0 : i32
    %dma_start3A_64 = tpu.memref_slice %arg3[%dma_start3A_62, %dma_start3A_63] : memref<100000x128xf32, #tpu.memory_space<hbm>> -> memref<100000x128xf32, #tpu.memory_space<hbm>>
    %dma_start3A_65 = tpu.memref_slice %arg7[%dma_start3A_55] : memref<14x!tpu.dma_semaphore, #tpu.memory_space<semaphore_mem>> -> memref<1x!tpu.dma_semaphore, #tpu.memory_space<semaphore_mem>>
    %dma_start3A_66 = tpu.memref_squeeze %dma_start3A_65 : memref<1x!tpu.dma_semaphore, #tpu.memory_space<semaphore_mem>> -> memref<!tpu.dma_semaphore, #tpu.memory_space<semaphore_mem>>
    tpu.enqueue_indirect_dma source(%dma_start3A_64 : memref<100000x128xf32, #tpu.memory_space<hbm>>) target(%dma_start3A_59 : memref<32x128xf32, #tpu.memory_space<vmem>>) offsets(%dma_start3A_61 : memref<32xi32, #tpu.memory_space<vmem>>) semaphore(%dma_start3A_66 : memref<!tpu.dma_semaphore, #tpu.memory_space<semaphore_mem>>)
    %dma_start3A_67 = arith.constant 5 : i32
    %dma_start3A_68 = arith.constant 5 : i32
    %dma_start3A_69 = arith.constant 0 : i32
    %dma_start3A_70 = arith.constant 0 : i32
    %dma_start3A_71 = tpu.memref_slice %arg6[%dma_start3A_67, %dma_start3A_69, %dma_start3A_70] : memref<14x32x128xf32, #tpu.memory_space<vmem>> -> memref<1x32x128xf32, #tpu.memory_space<vmem>>
    %dma_start3A_72 = tpu.memref_squeeze %dma_start3A_71 : memref<1x32x128xf32, #tpu.memory_space<vmem>> -> memref<32x128xf32, #tpu.memory_space<vmem>>
    %dma_start3A_73 = arith.constant 160 : i32
    %dma_start3A_74 = tpu.memref_slice %arg5[%dma_start3A_73] : memref<6400xi32, #tpu.memory_space<vmem>> -> memref<32xi32, #tpu.memory_space<vmem>>
    %dma_start3A_75 = arith.constant 0 : i32
    %dma_start3A_76 = arith.constant 0 : i32
    %dma_start3A_77 = tpu.memref_slice %arg3[%dma_start3A_75, %dma_start3A_76] : memref<100000x128xf32, #tpu.memory_space<hbm>> -> memref<100000x128xf32, #tpu.memory_space<hbm>>
    %dma_start3A_78 = tpu.memref_slice %arg7[%dma_start3A_68] : memref<14x!tpu.dma_semaphore, #tpu.memory_space<semaphore_mem>> -> memref<1x!tpu.dma_semaphore, #tpu.memory_space<semaphore_mem>>
    %dma_start3A_79 = tpu.memref_squeeze %dma_start3A_78 : memref<1x!tpu.dma_semaphore, #tpu.memory_space<semaphore_mem>> -> memref<!tpu.dma_semaphore, #tpu.memory_space<semaphore_mem>>
    tpu.enqueue_indirect_dma source(%dma_start3A_77 : memref<100000x128xf32, #tpu.memory_space<hbm>>) target(%dma_start3A_72 : memref<32x128xf32, #tpu.memory_space<vmem>>) offsets(%dma_start3A_74 : memref<32xi32, #tpu.memory_space<vmem>>) semaphore(%dma_start3A_79 : memref<!tpu.dma_semaphore, #tpu.memory_space<semaphore_mem>>)
    %dma_start3A_80 = arith.constant 6 : i32
    %dma_start3A_81 = arith.constant 6 : i32
    %dma_start3A_82 = arith.constant 0 : i32
    %dma_start3A_83 = arith.constant 0 : i32
    %dma_start3A_84 = tpu.memref_slice %arg6[%dma_start3A_80, %dma_start3A_82, %dma_start3A_83] : memref<14x32x128xf32, #tpu.memory_space<vmem>> -> memref<1x32x128xf32, #tpu.memory_space<vmem>>
    %dma_start3A_85 = tpu.memref_squeeze %dma_start3A_84 : memref<1x32x128xf32, #tpu.memory_space<vmem>> -> memref<32x128xf32, #tpu.memory_space<vmem>>
    %dma_start3A_86 = arith.constant 192 : i32
    %dma_start3A_87 = tpu.memref_slice %arg5[%dma_start3A_86] : memref<6400xi32, #tpu.memory_space<vmem>> -> memref<32xi32, #tpu.memory_space<vmem>>
    %dma_start3A_88 = arith.constant 0 : i32
    %dma_start3A_89 = arith.constant 0 : i32
    %dma_start3A_90 = tpu.memref_slice %arg3[%dma_start3A_88, %dma_start3A_89] : memref<100000x128xf32, #tpu.memory_space<hbm>> -> memref<100000x128xf32, #tpu.memory_space<hbm>>
    %dma_start3A_91 = tpu.memref_slice %arg7[%dma_start3A_81] : memref<14x!tpu.dma_semaphore, #tpu.memory_space<semaphore_mem>> -> memref<1x!tpu.dma_semaphore, #tpu.memory_space<semaphore_mem>>
    %dma_start3A_92 = tpu.memref_squeeze %dma_start3A_91 : memref<1x!tpu.dma_semaphore, #tpu.memory_space<semaphore_mem>> -> memref<!tpu.dma_semaphore, #tpu.memory_space<semaphore_mem>>
    tpu.enqueue_indirect_dma source(%dma_start3A_90 : memref<100000x128xf32, #tpu.memory_space<hbm>>) target(%dma_start3A_85 : memref<32x128xf32, #tpu.memory_space<vmem>>) offsets(%dma_start3A_87 : memref<32xi32, #tpu.memory_space<vmem>>) semaphore(%dma_start3A_92 : memref<!tpu.dma_semaphore, #tpu.memory_space<semaphore_mem>>)
    %dma_start3A_93 = arith.constant 7 : i32
    %dma_start3A_94 = arith.constant 7 : i32
    %dma_start3A_95 = arith.constant 0 : i32
    %dma_start3A_96 = arith.constant 0 : i32
    %dma_start3A_97 = tpu.memref_slice %arg6[%dma_start3A_93, %dma_start3A_95, %dma_start3A_96] : memref<14x32x128xf32, #tpu.memory_space<vmem>> -> memref<1x32x128xf32, #tpu.memory_space<vmem>>
    %dma_start3A_98 = tpu.memref_squeeze %dma_start3A_97 : memref<1x32x128xf32, #tpu.memory_space<vmem>> -> memref<32x128xf32, #tpu.memory_space<vmem>>
    %dma_start3A_99 = arith.constant 224 : i32
    %dma_start3A_100 = tpu.memref_slice %arg5[%dma_start3A_99] : memref<6400xi32, #tpu.memory_space<vmem>> -> memref<32xi32, #tpu.memory_space<vmem>>
    %dma_start3A_101 = arith.constant 0 : i32
    %dma_start3A_102 = arith.constant 0 : i32
    %dma_start3A_103 = tpu.memref_slice %arg3[%dma_start3A_101, %dma_start3A_102] : memref<100000x128xf32, #tpu.memory_space<hbm>> -> memref<100000x128xf32, #tpu.memory_space<hbm>>
    %dma_start3A_104 = tpu.memref_slice %arg7[%dma_start3A_94] : memref<14x!tpu.dma_semaphore, #tpu.memory_space<semaphore_mem>> -> memref<1x!tpu.dma_semaphore, #tpu.memory_space<semaphore_mem>>
    %dma_start3A_105 = tpu.memref_squeeze %dma_start3A_104 : memref<1x!tpu.dma_semaphore, #tpu.memory_space<semaphore_mem>> -> memref<!tpu.dma_semaphore, #tpu.memory_space<semaphore_mem>>
    tpu.enqueue_indirect_dma source(%dma_start3A_103 : memref<100000x128xf32, #tpu.memory_space<hbm>>) target(%dma_start3A_98 : memref<32x128xf32, #tpu.memory_space<vmem>>) offsets(%dma_start3A_100 : memref<32xi32, #tpu.memory_space<vmem>>) semaphore(%dma_start3A_105 : memref<!tpu.dma_semaphore, #tpu.memory_space<semaphore_mem>>)
    %dma_start3A_106 = arith.constant 8 : i32
    %dma_start3A_107 = arith.constant 8 : i32
    %dma_start3A_108 = arith.constant 0 : i32
    %dma_start3A_109 = arith.constant 0 : i32
    %dma_start3A_110 = tpu.memref_slice %arg6[%dma_start3A_106, %dma_start3A_108, %dma_start3A_109] : memref<14x32x128xf32, #tpu.memory_space<vmem>> -> memref<1x32x128xf32, #tpu.memory_space<vmem>>
    %dma_start3A_111 = tpu.memref_squeeze %dma_start3A_110 : memref<1x32x128xf32, #tpu.memory_space<vmem>> -> memref<32x128xf32, #tpu.memory_space<vmem>>
    %dma_start3A_112 = arith.constant 256 : i32
    %dma_start3A_113 = tpu.memref_slice %arg5[%dma_start3A_112] : memref<6400xi32, #tpu.memory_space<vmem>> -> memref<32xi32, #tpu.memory_space<vmem>>
    %dma_start3A_114 = arith.constant 0 : i32
    %dma_start3A_115 = arith.constant 0 : i32
    %dma_start3A_116 = tpu.memref_slice %arg3[%dma_start3A_114, %dma_start3A_115] : memref<100000x128xf32, #tpu.memory_space<hbm>> -> memref<100000x128xf32, #tpu.memory_space<hbm>>
    %dma_start3A_117 = tpu.memref_slice %arg7[%dma_start3A_107] : memref<14x!tpu.dma_semaphore, #tpu.memory_space<semaphore_mem>> -> memref<1x!tpu.dma_semaphore, #tpu.memory_space<semaphore_mem>>
    %dma_start3A_118 = tpu.memref_squeeze %dma_start3A_117 : memref<1x!tpu.dma_semaphore, #tpu.memory_space<semaphore_mem>> -> memref<!tpu.dma_semaphore, #tpu.memory_space<semaphore_mem>>
    tpu.enqueue_indirect_dma source(%dma_start3A_116 : memref<100000x128xf32, #tpu.memory_space<hbm>>) target(%dma_start3A_111 : memref<32x128xf32, #tpu.memory_space<vmem>>) offsets(%dma_start3A_113 : memref<32xi32, #tpu.memory_space<vmem>>) semaphore(%dma_start3A_118 : memref<!tpu.dma_semaphore, #tpu.memory_space<semaphore_mem>>)
    %dma_start3A_119 = arith.constant 9 : i32
    %dma_start3A_120 = arith.constant 9 : i32
    %dma_start3A_121 = arith.constant 0 : i32
    %dma_start3A_122 = arith.constant 0 : i32
    %dma_start3A_123 = tpu.memref_slice %arg6[%dma_start3A_119, %dma_start3A_121, %dma_start3A_122] : memref<14x32x128xf32, #tpu.memory_space<vmem>> -> memref<1x32x128xf32, #tpu.memory_space<vmem>>
    %dma_start3A_124 = tpu.memref_squeeze %dma_start3A_123 : memref<1x32x128xf32, #tpu.memory_space<vmem>> -> memref<32x128xf32, #tpu.memory_space<vmem>>
    %dma_start3A_125 = arith.constant 288 : i32
    %dma_start3A_126 = tpu.memref_slice %arg5[%dma_start3A_125] : memref<6400xi32, #tpu.memory_space<vmem>> -> memref<32xi32, #tpu.memory_space<vmem>>
    %dma_start3A_127 = arith.constant 0 : i32
    %dma_start3A_128 = arith.constant 0 : i32
    %dma_start3A_129 = tpu.memref_slice %arg3[%dma_start3A_127, %dma_start3A_128] : memref<100000x128xf32, #tpu.memory_space<hbm>> -> memref<100000x128xf32, #tpu.memory_space<hbm>>
    %dma_start3A_130 = tpu.memref_slice %arg7[%dma_start3A_120] : memref<14x!tpu.dma_semaphore, #tpu.memory_space<semaphore_mem>> -> memref<1x!tpu.dma_semaphore, #tpu.memory_space<semaphore_mem>>
    %dma_start3A_131 = tpu.memref_squeeze %dma_start3A_130 : memref<1x!tpu.dma_semaphore, #tpu.memory_space<semaphore_mem>> -> memref<!tpu.dma_semaphore, #tpu.memory_space<semaphore_mem>>
    tpu.enqueue_indirect_dma source(%dma_start3A_129 : memref<100000x128xf32, #tpu.memory_space<hbm>>) target(%dma_start3A_124 : memref<32x128xf32, #tpu.memory_space<vmem>>) offsets(%dma_start3A_126 : memref<32xi32, #tpu.memory_space<vmem>>) semaphore(%dma_start3A_131 : memref<!tpu.dma_semaphore, #tpu.memory_space<semaphore_mem>>)
    %dma_start3A_132 = arith.constant 10 : i32
    %dma_start3A_133 = arith.constant 10 : i32
    %dma_start3A_134 = arith.constant 0 : i32
    %dma_start3A_135 = arith.constant 0 : i32
    %dma_start3A_136 = tpu.memref_slice %arg6[%dma_start3A_132, %dma_start3A_134, %dma_start3A_135] : memref<14x32x128xf32, #tpu.memory_space<vmem>> -> memref<1x32x128xf32, #tpu.memory_space<vmem>>
    %dma_start3A_137 = tpu.memref_squeeze %dma_start3A_136 : memref<1x32x128xf32, #tpu.memory_space<vmem>> -> memref<32x128xf32, #tpu.memory_space<vmem>>
    %dma_start3A_138 = arith.constant 320 : i32
    %dma_start3A_139 = tpu.memref_slice %arg5[%dma_start3A_138] : memref<6400xi32, #tpu.memory_space<vmem>> -> memref<32xi32, #tpu.memory_space<vmem>>
    %dma_start3A_140 = arith.constant 0 : i32
    %dma_start3A_141 = arith.constant 0 : i32
    %dma_start3A_142 = tpu.memref_slice %arg3[%dma_start3A_140, %dma_start3A_141] : memref<100000x128xf32, #tpu.memory_space<hbm>> -> memref<100000x128xf32, #tpu.memory_space<hbm>>
    %dma_start3A_143 = tpu.memref_slice %arg7[%dma_start3A_133] : memref<14x!tpu.dma_semaphore, #tpu.memory_space<semaphore_mem>> -> memref<1x!tpu.dma_semaphore, #tpu.memory_space<semaphore_mem>>
    %dma_start3A_144 = tpu.memref_squeeze %dma_start3A_143 : memref<1x!tpu.dma_semaphore, #tpu.memory_space<semaphore_mem>> -> memref<!tpu.dma_semaphore, #tpu.memory_space<semaphore_mem>>
    tpu.enqueue_indirect_dma source(%dma_start3A_142 : memref<100000x128xf32, #tpu.memory_space<hbm>>) target(%dma_start3A_137 : memref<32x128xf32, #tpu.memory_space<vmem>>) offsets(%dma_start3A_139 : memref<32xi32, #tpu.memory_space<vmem>>) semaphore(%dma_start3A_144 : memref<!tpu.dma_semaphore, #tpu.memory_space<semaphore_mem>>)
    %dma_start3A_145 = arith.constant 11 : i32
    %dma_start3A_146 = arith.constant 11 : i32
    %dma_start3A_147 = arith.constant 0 : i32
    %dma_start3A_148 = arith.constant 0 : i32
    %dma_start3A_149 = tpu.memref_slice %arg6[%dma_start3A_145, %dma_start3A_147, %dma_start3A_148] : memref<14x32x128xf32, #tpu.memory_space<vmem>> -> memref<1x32x128xf32, #tpu.memory_space<vmem>>
    %dma_start3A_150 = tpu.memref_squeeze %dma_start3A_149 : memref<1x32x128xf32, #tpu.memory_space<vmem>> -> memref<32x128xf32, #tpu.memory_space<vmem>>
    %dma_start3A_151 = arith.constant 352 : i32
    %dma_start3A_152 = tpu.memref_slice %arg5[%dma_start3A_151] : memref<6400xi32, #tpu.memory_space<vmem>> -> memref<32xi32, #tpu.memory_space<vmem>>
    %dma_start3A_153 = arith.constant 0 : i32
    %dma_start3A_154 = arith.constant 0 : i32
    %dma_start3A_155 = tpu.memref_slice %arg3[%dma_start3A_153, %dma_start3A_154] : memref<100000x128xf32, #tpu.memory_space<hbm>> -> memref<100000x128xf32, #tpu.memory_space<hbm>>
    %dma_start3A_156 = tpu.memref_slice %arg7[%dma_start3A_146] : memref<14x!tpu.dma_semaphore, #tpu.memory_space<semaphore_mem>> -> memref<1x!tpu.dma_semaphore, #tpu.memory_space<semaphore_mem>>
    %dma_start3A_157 = tpu.memref_squeeze %dma_start3A_156 : memref<1x!tpu.dma_semaphore, #tpu.memory_space<semaphore_mem>> -> memref<!tpu.dma_semaphore, #tpu.memory_space<semaphore_mem>>
    tpu.enqueue_indirect_dma source(%dma_start3A_155 : memref<100000x128xf32, #tpu.memory_space<hbm>>) target(%dma_start3A_150 : memref<32x128xf32, #tpu.memory_space<vmem>>) offsets(%dma_start3A_152 : memref<32xi32, #tpu.memory_space<vmem>>) semaphore(%dma_start3A_157 : memref<!tpu.dma_semaphore, #tpu.memory_space<semaphore_mem>>)
    %dma_start3A_158 = arith.constant 12 : i32
    %dma_start3A_159 = arith.constant 12 : i32
    %dma_start3A_160 = arith.constant 0 : i32
    %dma_start3A_161 = arith.constant 0 : i32
    %dma_start3A_162 = tpu.memref_slice %arg6[%dma_start3A_158, %dma_start3A_160, %dma_start3A_161] : memref<14x32x128xf32, #tpu.memory_space<vmem>> -> memref<1x32x128xf32, #tpu.memory_space<vmem>>
    %dma_start3A_163 = tpu.memref_squeeze %dma_start3A_162 : memref<1x32x128xf32, #tpu.memory_space<vmem>> -> memref<32x128xf32, #tpu.memory_space<vmem>>
    %dma_start3A_164 = arith.constant 384 : i32
    %dma_start3A_165 = tpu.memref_slice %arg5[%dma_start3A_164] : memref<6400xi32, #tpu.memory_space<vmem>> -> memref<32xi32, #tpu.memory_space<vmem>>
    %dma_start3A_166 = arith.constant 0 : i32
    %dma_start3A_167 = arith.constant 0 : i32
    %dma_start3A_168 = tpu.memref_slice %arg3[%dma_start3A_166, %dma_start3A_167] : memref<100000x128xf32, #tpu.memory_space<hbm>> -> memref<100000x128xf32, #tpu.memory_space<hbm>>
    %dma_start3A_169 = tpu.memref_slice %arg7[%dma_start3A_159] : memref<14x!tpu.dma_semaphore, #tpu.memory_space<semaphore_mem>> -> memref<1x!tpu.dma_semaphore, #tpu.memory_space<semaphore_mem>>
    %dma_start3A_170 = tpu.memref_squeeze %dma_start3A_169 : memref<1x!tpu.dma_semaphore, #tpu.memory_space<semaphore_mem>> -> memref<!tpu.dma_semaphore, #tpu.memory_space<semaphore_mem>>
    tpu.enqueue_indirect_dma source(%dma_start3A_168 : memref<100000x128xf32, #tpu.memory_space<hbm>>) target(%dma_start3A_163 : memref<32x128xf32, #tpu.memory_space<vmem>>) offsets(%dma_start3A_165 : memref<32xi32, #tpu.memory_space<vmem>>) semaphore(%dma_start3A_170 : memref<!tpu.dma_semaphore, #tpu.memory_space<semaphore_mem>>)
    %dma_start3A_171 = arith.constant 13 : i32
    %dma_start3A_172 = arith.constant 13 : i32
    %dma_start3A_173 = arith.constant 0 : i32
    %dma_start3A_174 = arith.constant 0 : i32
    %dma_start3A_175 = tpu.memref_slice %arg6[%dma_start3A_171, %dma_start3A_173, %dma_start3A_174] : memref<14x32x128xf32, #tpu.memory_space<vmem>> -> memref<1x32x128xf32, #tpu.memory_space<vmem>>
    %dma_start3A_176 = tpu.memref_squeeze %dma_start3A_175 : memref<1x32x128xf32, #tpu.memory_space<vmem>> -> memref<32x128xf32, #tpu.memory_space<vmem>>
    %dma_start3A_177 = arith.constant 416 : i32
    %dma_start3A_178 = tpu.memref_slice %arg5[%dma_start3A_177] : memref<6400xi32, #tpu.memory_space<vmem>> -> memref<32xi32, #tpu.memory_space<vmem>>
    %dma_start3A_179 = arith.constant 0 : i32
    %dma_start3A_180 = arith.constant 0 : i32
    %dma_start3A_181 = tpu.memref_slice %arg3[%dma_start3A_179, %dma_start3A_180] : memref<100000x128xf32, #tpu.memory_space<hbm>> -> memref<100000x128xf32, #tpu.memory_space<hbm>>
    %dma_start3A_182 = tpu.memref_slice %arg7[%dma_start3A_172] : memref<14x!tpu.dma_semaphore, #tpu.memory_space<semaphore_mem>> -> memref<1x!tpu.dma_semaphore, #tpu.memory_space<semaphore_mem>>
    %dma_start3A_183 = tpu.memref_squeeze %dma_start3A_182 : memref<1x!tpu.dma_semaphore, #tpu.memory_space<semaphore_mem>> -> memref<!tpu.dma_semaphore, #tpu.memory_space<semaphore_mem>>
    tpu.enqueue_indirect_dma source(%dma_start3A_181 : memref<100000x128xf32, #tpu.memory_space<hbm>>) target(%dma_start3A_176 : memref<32x128xf32, #tpu.memory_space<vmem>>) offsets(%dma_start3A_178 : memref<32xi32, #tpu.memory_space<vmem>>) semaphore(%dma_start3A_183 : memref<!tpu.dma_semaphore, #tpu.memory_space<semaphore_mem>>)
    %scan3A = arith.constant 0 : i32
    %scan3A_184 = arith.constant 0 : i32
    %scan3A_185 = arith.constant 13 : i32
    %scan3A_186 = arith.addi %scan3A_184, %scan3A_185 : i32
    %scan3A_187 = arith.constant 1 : i32
    scf.for %scan3A_1122 = %scan3A_184 to %scan3A_186 step %scan3A_187  : i32 {
      %mul3A_1123 = arith.constant 14 : i32
      %mul3A_1124 = arith.muli %scan3A_1122, %mul3A_1123 : i32
      %add3A_1125 = arith.constant 0 : i32
      %add3A_1126 = arith.addi %mul3A_1124, %add3A_1125 : i32
      %mul3A_1127 = arith.constant 32 : i32
      %mul3A_1128 = arith.muli %add3A_1126, %mul3A_1127 : i32
      %dma_wait3A_1129 = arith.constant 0 : i32
      %dma_wait3A_1130 = arith.constant 0 : i32
      %dma_wait3A_1131 = arith.constant 0 : i32
      %dma_wait3A_1132 = arith.constant 0 : i32
      %dma_wait3A_1133 = tpu.memref_slice %arg6[%dma_wait3A_1129, %dma_wait3A_1131, %dma_wait3A_1132] : memref<14x32x128xf32, #tpu.memory_space<vmem>> -> memref<1x32x128xf32, #tpu.memory_space<vmem>>
      %dma_wait3A_1134 = tpu.memref_squeeze %dma_wait3A_1133 : memref<1x32x128xf32, #tpu.memory_space<vmem>> -> memref<32x128xf32, #tpu.memory_space<vmem>>
      %dma_wait3A_1135 = tpu.memref_slice %arg5[%mul3A_1128] : memref<6400xi32, #tpu.memory_space<vmem>> -> memref<32xi32, #tpu.memory_space<vmem>>
      %dma_wait3A_1136 = arith.constant 0 : i32
      %dma_wait3A_1137 = arith.constant 0 : i32
      %dma_wait3A_1138 = tpu.memref_slice %arg3[%dma_wait3A_1136, %dma_wait3A_1137] : memref<100000x128xf32, #tpu.memory_space<hbm>> -> memref<100000x128xf32, #tpu.memory_space<hbm>>
      %dma_wait3A_1139 = tpu.memref_slice %arg7[%dma_wait3A_1130] : memref<14x!tpu.dma_semaphore, #tpu.memory_space<semaphore_mem>> -> memref<1x!tpu.dma_semaphore, #tpu.memory_space<semaphore_mem>>
      %dma_wait3A_1140 = tpu.memref_squeeze %dma_wait3A_1139 : memref<1x!tpu.dma_semaphore, #tpu.memory_space<semaphore_mem>> -> memref<!tpu.dma_semaphore, #tpu.memory_space<semaphore_mem>>
      tpu.wait_indirect_dma semaphore(%dma_wait3A_1140 : memref<!tpu.dma_semaphore, #tpu.memory_space<semaphore_mem>>) src(%dma_wait3A_1138 : memref<100000x128xf32, #tpu.memory_space<hbm>>) dst(%dma_wait3A_1134 : memref<32x128xf32, #tpu.memory_space<vmem>>)
      %mul3A_1141 = arith.constant 32 : i32
      %mul3A_1142 = arith.muli %add3A_1126, %mul3A_1141 : i32
      %add3A_1143 = arith.addi %mul3A_2, %mul3A_1142 : i32
      %dma_start3A_1144 = arith.constant 0 : i32
      %dma_start3A_1145 = arith.constant 0 : i32
      %dma_start3A_1146 = arith.constant 0 : i32
      %dma_start3A_1147 = arith.constant 0 : i32
      %dma_start3A_1148 = tpu.memref_slice %arg6[%dma_start3A_1144, %dma_start3A_1146, %dma_start3A_1147] : memref<14x32x128xf32, #tpu.memory_space<vmem>> -> memref<1x32x128xf32, #tpu.memory_space<vmem>>
      %dma_start3A_1149 = tpu.memref_squeeze %dma_start3A_1148 : memref<1x32x128xf32, #tpu.memory_space<vmem>> -> memref<32x128xf32, #tpu.memory_space<vmem>>
      %dma_start3A_1150 = arith.constant 0 : i32
      %dma_start3A_1151 = tpu.memref_slice %arg4[%add3A_1143, %dma_start3A_1150] : memref<204800x128xf32, #tpu.memory_space<hbm>> -> memref<32x128xf32, #tpu.memory_space<hbm>>
      %dma_start3A_1152 = tpu.memref_slice %arg8[%dma_start3A_1145] : memref<14x!tpu.dma_semaphore, #tpu.memory_space<semaphore_mem>> -> memref<1x!tpu.dma_semaphore, #tpu.memory_space<semaphore_mem>>
      %dma_start3A_1153 = tpu.memref_squeeze %dma_start3A_1152 : memref<1x!tpu.dma_semaphore, #tpu.memory_space<semaphore_mem>> -> memref<!tpu.dma_semaphore, #tpu.memory_space<semaphore_mem>>
      %dma_start3A_1154 = arith.constant 0 : i32
      %dma_start3A_1155 = tpu.memref_slice %arg4[%add3A_1143, %dma_start3A_1154] : memref<204800x128xf32, #tpu.memory_space<hbm>> -> memref<32x128xf32, #tpu.memory_space<hbm>>
      %dma_start3A_1156 = arith.constant 0 : i32
      %dma_start3A_1157 = arith.constant 0 : i32
      %dma_start3A_1158 = tpu.memref_slice %arg6[%dma_start3A_1144, %dma_start3A_1156, %dma_start3A_1157] : memref<14x32x128xf32, #tpu.memory_space<vmem>> -> memref<1x32x128xf32, #tpu.memory_space<vmem>>
      %dma_start3A_1159 = tpu.memref_squeeze %dma_start3A_1158 : memref<1x32x128xf32, #tpu.memory_space<vmem>> -> memref<32x128xf32, #tpu.memory_space<vmem>>
      tpu.enqueue_dma source(%dma_start3A_1159 : memref<32x128xf32, #tpu.memory_space<vmem>>) target(%dma_start3A_1155 : memref<32x128xf32, #tpu.memory_space<hbm>>) target_semaphore(%dma_start3A_1153 : memref<!tpu.dma_semaphore, #tpu.memory_space<semaphore_mem>>)
      %mul3A_1160 = arith.constant 14 : i32
      %mul3A_1161 = arith.muli %scan3A_1122, %mul3A_1160 : i32
      %add3A_1162 = arith.constant 1 : i32
      %add3A_1163 = arith.addi %mul3A_1161, %add3A_1162 : i32
      %mul3A_1164 = arith.constant 32 : i32
      %mul3A_1165 = arith.muli %add3A_1163, %mul3A_1164 : i32
      %dma_wait3A_1166 = arith.constant 1 : i32
      %dma_wait3A_1167 = arith.constant 1 : i32
      %dma_wait3A_1168 = arith.constant 0 : i32
      %dma_wait3A_1169 = arith.constant 0 : i32
      %dma_wait3A_1170 = tpu.memref_slice %arg6[%dma_wait3A_1166, %dma_wait3A_1168, %dma_wait3A_1169] : memref<14x32x128xf32, #tpu.memory_space<vmem>> -> memref<1x32x128xf32, #tpu.memory_space<vmem>>
      %dma_wait3A_1171 = tpu.memref_squeeze %dma_wait3A_1170 : memref<1x32x128xf32, #tpu.memory_space<vmem>> -> memref<32x128xf32, #tpu.memory_space<vmem>>
      %dma_wait3A_1172 = tpu.memref_slice %arg5[%mul3A_1165] : memref<6400xi32, #tpu.memory_space<vmem>> -> memref<32xi32, #tpu.memory_space<vmem>>
      %dma_wait3A_1173 = arith.constant 0 : i32
      %dma_wait3A_1174 = arith.constant 0 : i32
      %dma_wait3A_1175 = tpu.memref_slice %arg3[%dma_wait3A_1173, %dma_wait3A_1174] : memref<100000x128xf32, #tpu.memory_space<hbm>> -> memref<100000x128xf32, #tpu.memory_space<hbm>>
      %dma_wait3A_1176 = tpu.memref_slice %arg7[%dma_wait3A_1167] : memref<14x!tpu.dma_semaphore, #tpu.memory_space<semaphore_mem>> -> memref<1x!tpu.dma_semaphore, #tpu.memory_space<semaphore_mem>>
      %dma_wait3A_1177 = tpu.memref_squeeze %dma_wait3A_1176 : memref<1x!tpu.dma_semaphore, #tpu.memory_space<semaphore_mem>> -> memref<!tpu.dma_semaphore, #tpu.memory_space<semaphore_mem>>
      tpu.wait_indirect_dma semaphore(%dma_wait3A_1177 : memref<!tpu.dma_semaphore, #tpu.memory_space<semaphore_mem>>) src(%dma_wait3A_1175 : memref<100000x128xf32, #tpu.memory_space<hbm>>) dst(%dma_wait3A_1171 : memref<32x128xf32, #tpu.memory_space<vmem>>)
      %mul3A_1178 = arith.constant 32 : i32
      %mul3A_1179 = arith.muli %add3A_1163, %mul3A_1178 : i32
      %add3A_1180 = arith.addi %mul3A_2, %mul3A_1179 : i32
      %dma_start3A_1181 = arith.constant 1 : i32
      %dma_start3A_1182 = arith.constant 1 : i32
      %dma_start3A_1183 = arith.constant 0 : i32
      %dma_start3A_1184 = arith.constant 0 : i32
      %dma_start3A_1185 = tpu.memref_slice %arg6[%dma_start3A_1181, %dma_start3A_1183, %dma_start3A_1184] : memref<14x32x128xf32, #tpu.memory_space<vmem>> -> memref<1x32x128xf32, #tpu.memory_space<vmem>>
      %dma_start3A_1186 = tpu.memref_squeeze %dma_start3A_1185 : memref<1x32x128xf32, #tpu.memory_space<vmem>> -> memref<32x128xf32, #tpu.memory_space<vmem>>
      %dma_start3A_1187 = arith.constant 0 : i32
      %dma_start3A_1188 = tpu.memref_slice %arg4[%add3A_1180, %dma_start3A_1187] : memref<204800x128xf32, #tpu.memory_space<hbm>> -> memref<32x128xf32, #tpu.memory_space<hbm>>
      %dma_start3A_1189 = tpu.memref_slice %arg8[%dma_start3A_1182] : memref<14x!tpu.dma_semaphore, #tpu.memory_space<semaphore_mem>> -> memref<1x!tpu.dma_semaphore, #tpu.memory_space<semaphore_mem>>
      %dma_start3A_1190 = tpu.memref_squeeze %dma_start3A_1189 : memref<1x!tpu.dma_semaphore, #tpu.memory_space<semaphore_mem>> -> memref<!tpu.dma_semaphore, #tpu.memory_space<semaphore_mem>>
      %dma_start3A_1191 = arith.constant 0 : i32
      %dma_start3A_1192 = tpu.memref_slice %arg4[%add3A_1180, %dma_start3A_1191] : memref<204800x128xf32, #tpu.memory_space<hbm>> -> memref<32x128xf32, #tpu.memory_space<hbm>>
      %dma_start3A_1193 = arith.constant 0 : i32
      %dma_start3A_1194 = arith.constant 0 : i32
      %dma_start3A_1195 = tpu.memref_slice %arg6[%dma_start3A_1181, %dma_start3A_1193, %dma_start3A_1194] : memref<14x32x128xf32, #tpu.memory_space<vmem>> -> memref<1x32x128xf32, #tpu.memory_space<vmem>>
      %dma_start3A_1196 = tpu.memref_squeeze %dma_start3A_1195 : memref<1x32x128xf32, #tpu.memory_space<vmem>> -> memref<32x128xf32, #tpu.memory_space<vmem>>
      tpu.enqueue_dma source(%dma_start3A_1196 : memref<32x128xf32, #tpu.memory_space<vmem>>) target(%dma_start3A_1192 : memref<32x128xf32, #tpu.memory_space<hbm>>) target_semaphore(%dma_start3A_1190 : memref<!tpu.dma_semaphore, #tpu.memory_space<semaphore_mem>>)
      %mul3A_1197 = arith.constant 14 : i32
      %mul3A_1198 = arith.muli %scan3A_1122, %mul3A_1197 : i32
      %add3A_1199 = arith.constant 2 : i32
      %add3A_1200 = arith.addi %mul3A_1198, %add3A_1199 : i32
      %mul3A_1201 = arith.constant 32 : i32
      %mul3A_1202 = arith.muli %add3A_1200, %mul3A_1201 : i32
      %dma_wait3A_1203 = arith.constant 2 : i32
      %dma_wait3A_1204 = arith.constant 2 : i32
      %dma_wait3A_1205 = arith.constant 0 : i32
      %dma_wait3A_1206 = arith.constant 0 : i32
      %dma_wait3A_1207 = tpu.memref_slice %arg6[%dma_wait3A_1203, %dma_wait3A_1205, %dma_wait3A_1206] : memref<14x32x128xf32, #tpu.memory_space<vmem>> -> memref<1x32x128xf32, #tpu.memory_space<vmem>>
      %dma_wait3A_1208 = tpu.memref_squeeze %dma_wait3A_1207 : memref<1x32x128xf32, #tpu.memory_space<vmem>> -> memref<32x128xf32, #tpu.memory_space<vmem>>
      %dma_wait3A_1209 = tpu.memref_slice %arg5[%mul3A_1202] : memref<6400xi32, #tpu.memory_space<vmem>> -> memref<32xi32, #tpu.memory_space<vmem>>
      %dma_wait3A_1210 = arith.constant 0 : i32
      %dma_wait3A_1211 = arith.constant 0 : i32
      %dma_wait3A_1212 = tpu.memref_slice %arg3[%dma_wait3A_1210, %dma_wait3A_1211] : memref<100000x128xf32, #tpu.memory_space<hbm>> -> memref<100000x128xf32, #tpu.memory_space<hbm>>
      %dma_wait3A_1213 = tpu.memref_slice %arg7[%dma_wait3A_1204] : memref<14x!tpu.dma_semaphore, #tpu.memory_space<semaphore_mem>> -> memref<1x!tpu.dma_semaphore, #tpu.memory_space<semaphore_mem>>
      %dma_wait3A_1214 = tpu.memref_squeeze %dma_wait3A_1213 : memref<1x!tpu.dma_semaphore, #tpu.memory_space<semaphore_mem>> -> memref<!tpu.dma_semaphore, #tpu.memory_space<semaphore_mem>>
      tpu.wait_indirect_dma semaphore(%dma_wait3A_1214 : memref<!tpu.dma_semaphore, #tpu.memory_space<semaphore_mem>>) src(%dma_wait3A_1212 : memref<100000x128xf32, #tpu.memory_space<hbm>>) dst(%dma_wait3A_1208 : memref<32x128xf32, #tpu.memory_space<vmem>>)
      %mul3A_1215 = arith.constant 32 : i32
      %mul3A_1216 = arith.muli %add3A_1200, %mul3A_1215 : i32
      %add3A_1217 = arith.addi %mul3A_2, %mul3A_1216 : i32
      %dma_start3A_1218 = arith.constant 2 : i32
      %dma_start3A_1219 = arith.constant 2 : i32
      %dma_start3A_1220 = arith.constant 0 : i32
      %dma_start3A_1221 = arith.constant 0 : i32
      %dma_start3A_1222 = tpu.memref_slice %arg6[%dma_start3A_1218, %dma_start3A_1220, %dma_start3A_1221] : memref<14x32x128xf32, #tpu.memory_space<vmem>> -> memref<1x32x128xf32, #tpu.memory_space<vmem>>
      %dma_start3A_1223 = tpu.memref_squeeze %dma_start3A_1222 : memref<1x32x128xf32, #tpu.memory_space<vmem>> -> memref<32x128xf32, #tpu.memory_space<vmem>>
      %dma_start3A_1224 = arith.constant 0 : i32
      %dma_start3A_1225 = tpu.memref_slice %arg4[%add3A_1217, %dma_start3A_1224] : memref<204800x128xf32, #tpu.memory_space<hbm>> -> memref<32x128xf32, #tpu.memory_space<hbm>>
      %dma_start3A_1226 = tpu.memref_slice %arg8[%dma_start3A_1219] : memref<14x!tpu.dma_semaphore, #tpu.memory_space<semaphore_mem>> -> memref<1x!tpu.dma_semaphore, #tpu.memory_space<semaphore_mem>>
      %dma_start3A_1227 = tpu.memref_squeeze %dma_start3A_1226 : memref<1x!tpu.dma_semaphore, #tpu.memory_space<semaphore_mem>> -> memref<!tpu.dma_semaphore, #tpu.memory_space<semaphore_mem>>
      %dma_start3A_1228 = arith.constant 0 : i32
      %dma_start3A_1229 = tpu.memref_slice %arg4[%add3A_1217, %dma_start3A_1228] : memref<204800x128xf32, #tpu.memory_space<hbm>> -> memref<32x128xf32, #tpu.memory_space<hbm>>
      %dma_start3A_1230 = arith.constant 0 : i32
      %dma_start3A_1231 = arith.constant 0 : i32
      %dma_start3A_1232 = tpu.memref_slice %arg6[%dma_start3A_1218, %dma_start3A_1230, %dma_start3A_1231] : memref<14x32x128xf32, #tpu.memory_space<vmem>> -> memref<1x32x128xf32, #tpu.memory_space<vmem>>
      %dma_start3A_1233 = tpu.memref_squeeze %dma_start3A_1232 : memref<1x32x128xf32, #tpu.memory_space<vmem>> -> memref<32x128xf32, #tpu.memory_space<vmem>>
      tpu.enqueue_dma source(%dma_start3A_1233 : memref<32x128xf32, #tpu.memory_space<vmem>>) target(%dma_start3A_1229 : memref<32x128xf32, #tpu.memory_space<hbm>>) target_semaphore(%dma_start3A_1227 : memref<!tpu.dma_semaphore, #tpu.memory_space<semaphore_mem>>)
      %mul3A_1234 = arith.constant 14 : i32
      %mul3A_1235 = arith.muli %scan3A_1122, %mul3A_1234 : i32
      %add3A_1236 = arith.constant 3 : i32
      %add3A_1237 = arith.addi %mul3A_1235, %add3A_1236 : i32
      %mul3A_1238 = arith.constant 32 : i32
      %mul3A_1239 = arith.muli %add3A_1237, %mul3A_1238 : i32
      %dma_wait3A_1240 = arith.constant 3 : i32
      %dma_wait3A_1241 = arith.constant 3 : i32
      %dma_wait3A_1242 = arith.constant 0 : i32
      %dma_wait3A_1243 = arith.constant 0 : i32
      %dma_wait3A_1244 = tpu.memref_slice %arg6[%dma_wait3A_1240, %dma_wait3A_1242, %dma_wait3A_1243] : memref<14x32x128xf32, #tpu.memory_space<vmem>> -> memref<1x32x128xf32, #tpu.memory_space<vmem>>
      %dma_wait3A_1245 = tpu.memref_squeeze %dma_wait3A_1244 : memref<1x32x128xf32, #tpu.memory_space<vmem>> -> memref<32x128xf32, #tpu.memory_space<vmem>>
      %dma_wait3A_1246 = tpu.memref_slice %arg5[%mul3A_1239] : memref<6400xi32, #tpu.memory_space<vmem>> -> memref<32xi32, #tpu.memory_space<vmem>>
      %dma_wait3A_1247 = arith.constant 0 : i32
      %dma_wait3A_1248 = arith.constant 0 : i32
      %dma_wait3A_1249 = tpu.memref_slice %arg3[%dma_wait3A_1247, %dma_wait3A_1248] : memref<100000x128xf32, #tpu.memory_space<hbm>> -> memref<100000x128xf32, #tpu.memory_space<hbm>>
      %dma_wait3A_1250 = tpu.memref_slice %arg7[%dma_wait3A_1241] : memref<14x!tpu.dma_semaphore, #tpu.memory_space<semaphore_mem>> -> memref<1x!tpu.dma_semaphore, #tpu.memory_space<semaphore_mem>>
      %dma_wait3A_1251 = tpu.memref_squeeze %dma_wait3A_1250 : memref<1x!tpu.dma_semaphore, #tpu.memory_space<semaphore_mem>> -> memref<!tpu.dma_semaphore, #tpu.memory_space<semaphore_mem>>
      tpu.wait_indirect_dma semaphore(%dma_wait3A_1251 : memref<!tpu.dma_semaphore, #tpu.memory_space<semaphore_mem>>) src(%dma_wait3A_1249 : memref<100000x128xf32, #tpu.memory_space<hbm>>) dst(%dma_wait3A_1245 : memref<32x128xf32, #tpu.memory_space<vmem>>)
      %mul3A_1252 = arith.constant 32 : i32
      %mul3A_1253 = arith.muli %add3A_1237, %mul3A_1252 : i32
      %add3A_1254 = arith.addi %mul3A_2, %mul3A_1253 : i32
      %dma_start3A_1255 = arith.constant 3 : i32
      %dma_start3A_1256 = arith.constant 3 : i32
      %dma_start3A_1257 = arith.constant 0 : i32
      %dma_start3A_1258 = arith.constant 0 : i32
      %dma_start3A_1259 = tpu.memref_slice %arg6[%dma_start3A_1255, %dma_start3A_1257, %dma_start3A_1258] : memref<14x32x128xf32, #tpu.memory_space<vmem>> -> memref<1x32x128xf32, #tpu.memory_space<vmem>>
      %dma_start3A_1260 = tpu.memref_squeeze %dma_start3A_1259 : memref<1x32x128xf32, #tpu.memory_space<vmem>> -> memref<32x128xf32, #tpu.memory_space<vmem>>
      %dma_start3A_1261 = arith.constant 0 : i32
      %dma_start3A_1262 = tpu.memref_slice %arg4[%add3A_1254, %dma_start3A_1261] : memref<204800x128xf32, #tpu.memory_space<hbm>> -> memref<32x128xf32, #tpu.memory_space<hbm>>
      %dma_start3A_1263 = tpu.memref_slice %arg8[%dma_start3A_1256] : memref<14x!tpu.dma_semaphore, #tpu.memory_space<semaphore_mem>> -> memref<1x!tpu.dma_semaphore, #tpu.memory_space<semaphore_mem>>
      %dma_start3A_1264 = tpu.memref_squeeze %dma_start3A_1263 : memref<1x!tpu.dma_semaphore, #tpu.memory_space<semaphore_mem>> -> memref<!tpu.dma_semaphore, #tpu.memory_space<semaphore_mem>>
      %dma_start3A_1265 = arith.constant 0 : i32
      %dma_start3A_1266 = tpu.memref_slice %arg4[%add3A_1254, %dma_start3A_1265] : memref<204800x128xf32, #tpu.memory_space<hbm>> -> memref<32x128xf32, #tpu.memory_space<hbm>>
      %dma_start3A_1267 = arith.constant 0 : i32
      %dma_start3A_1268 = arith.constant 0 : i32
      %dma_start3A_1269 = tpu.memref_slice %arg6[%dma_start3A_1255, %dma_start3A_1267, %dma_start3A_1268] : memref<14x32x128xf32, #tpu.memory_space<vmem>> -> memref<1x32x128xf32, #tpu.memory_space<vmem>>
      %dma_start3A_1270 = tpu.memref_squeeze %dma_start3A_1269 : memref<1x32x128xf32, #tpu.memory_space<vmem>> -> memref<32x128xf32, #tpu.memory_space<vmem>>
      tpu.enqueue_dma source(%dma_start3A_1270 : memref<32x128xf32, #tpu.memory_space<vmem>>) target(%dma_start3A_1266 : memref<32x128xf32, #tpu.memory_space<hbm>>) target_semaphore(%dma_start3A_1264 : memref<!tpu.dma_semaphore, #tpu.memory_space<semaphore_mem>>)
      %mul3A_1271 = arith.constant 14 : i32
      %mul3A_1272 = arith.muli %scan3A_1122, %mul3A_1271 : i32
      %add3A_1273 = arith.constant 4 : i32
      %add3A_1274 = arith.addi %mul3A_1272, %add3A_1273 : i32
      %mul3A_1275 = arith.constant 32 : i32
      %mul3A_1276 = arith.muli %add3A_1274, %mul3A_1275 : i32
      %dma_wait3A_1277 = arith.constant 4 : i32
      %dma_wait3A_1278 = arith.constant 4 : i32
      %dma_wait3A_1279 = arith.constant 0 : i32
      %dma_wait3A_1280 = arith.constant 0 : i32
      %dma_wait3A_1281 = tpu.memref_slice %arg6[%dma_wait3A_1277, %dma_wait3A_1279, %dma_wait3A_1280] : memref<14x32x128xf32, #tpu.memory_space<vmem>> -> memref<1x32x128xf32, #tpu.memory_space<vmem>>
      %dma_wait3A_1282 = tpu.memref_squeeze %dma_wait3A_1281 : memref<1x32x128xf32, #tpu.memory_space<vmem>> -> memref<32x128xf32, #tpu.memory_space<vmem>>
      %dma_wait3A_1283 = tpu.memref_slice %arg5[%mul3A_1276] : memref<6400xi32, #tpu.memory_space<vmem>> -> memref<32xi32, #tpu.memory_space<vmem>>
      %dma_wait3A_1284 = arith.constant 0 : i32
      %dma_wait3A_1285 = arith.constant 0 : i32
      %dma_wait3A_1286 = tpu.memref_slice %arg3[%dma_wait3A_1284, %dma_wait3A_1285] : memref<100000x128xf32, #tpu.memory_space<hbm>> -> memref<100000x128xf32, #tpu.memory_space<hbm>>
      %dma_wait3A_1287 = tpu.memref_slice %arg7[%dma_wait3A_1278] : memref<14x!tpu.dma_semaphore, #tpu.memory_space<semaphore_mem>> -> memref<1x!tpu.dma_semaphore, #tpu.memory_space<semaphore_mem>>
      %dma_wait3A_1288 = tpu.memref_squeeze %dma_wait3A_1287 : memref<1x!tpu.dma_semaphore, #tpu.memory_space<semaphore_mem>> -> memref<!tpu.dma_semaphore, #tpu.memory_space<semaphore_mem>>
      tpu.wait_indirect_dma semaphore(%dma_wait3A_1288 : memref<!tpu.dma_semaphore, #tpu.memory_space<semaphore_mem>>) src(%dma_wait3A_1286 : memref<100000x128xf32, #tpu.memory_space<hbm>>) dst(%dma_wait3A_1282 : memref<32x128xf32, #tpu.memory_space<vmem>>)
      %mul3A_1289 = arith.constant 32 : i32
      %mul3A_1290 = arith.muli %add3A_1274, %mul3A_1289 : i32
      %add3A_1291 = arith.addi %mul3A_2, %mul3A_1290 : i32
      %dma_start3A_1292 = arith.constant 4 : i32
      %dma_start3A_1293 = arith.constant 4 : i32
      %dma_start3A_1294 = arith.constant 0 : i32
      %dma_start3A_1295 = arith.constant 0 : i32
      %dma_start3A_1296 = tpu.memref_slice %arg6[%dma_start3A_1292, %dma_start3A_1294, %dma_start3A_1295] : memref<14x32x128xf32, #tpu.memory_space<vmem>> -> memref<1x32x128xf32, #tpu.memory_space<vmem>>
      %dma_start3A_1297 = tpu.memref_squeeze %dma_start3A_1296 : memref<1x32x128xf32, #tpu.memory_space<vmem>> -> memref<32x128xf32, #tpu.memory_space<vmem>>
      %dma_start3A_1298 = arith.constant 0 : i32
      %dma_start3A_1299 = tpu.memref_slice %arg4[%add3A_1291, %dma_start3A_1298] : memref<204800x128xf32, #tpu.memory_space<hbm>> -> memref<32x128xf32, #tpu.memory_space<hbm>>
      %dma_start3A_1300 = tpu.memref_slice %arg8[%dma_start3A_1293] : memref<14x!tpu.dma_semaphore, #tpu.memory_space<semaphore_mem>> -> memref<1x!tpu.dma_semaphore, #tpu.memory_space<semaphore_mem>>
      %dma_start3A_1301 = tpu.memref_squeeze %dma_start3A_1300 : memref<1x!tpu.dma_semaphore, #tpu.memory_space<semaphore_mem>> -> memref<!tpu.dma_semaphore, #tpu.memory_space<semaphore_mem>>
      %dma_start3A_1302 = arith.constant 0 : i32
      %dma_start3A_1303 = tpu.memref_slice %arg4[%add3A_1291, %dma_start3A_1302] : memref<204800x128xf32, #tpu.memory_space<hbm>> -> memref<32x128xf32, #tpu.memory_space<hbm>>
      %dma_start3A_1304 = arith.constant 0 : i32
      %dma_start3A_1305 = arith.constant 0 : i32
      %dma_start3A_1306 = tpu.memref_slice %arg6[%dma_start3A_1292, %dma_start3A_1304, %dma_start3A_1305] : memref<14x32x128xf32, #tpu.memory_space<vmem>> -> memref<1x32x128xf32, #tpu.memory_space<vmem>>
      %dma_start3A_1307 = tpu.memref_squeeze %dma_start3A_1306 : memref<1x32x128xf32, #tpu.memory_space<vmem>> -> memref<32x128xf32, #tpu.memory_space<vmem>>
      tpu.enqueue_dma source(%dma_start3A_1307 : memref<32x128xf32, #tpu.memory_space<vmem>>) target(%dma_start3A_1303 : memref<32x128xf32, #tpu.memory_space<hbm>>) target_semaphore(%dma_start3A_1301 : memref<!tpu.dma_semaphore, #tpu.memory_space<semaphore_mem>>)
      %mul3A_1308 = arith.constant 14 : i32
      %mul3A_1309 = arith.muli %scan3A_1122, %mul3A_1308 : i32
      %add3A_1310 = arith.constant 5 : i32
      %add3A_1311 = arith.addi %mul3A_1309, %add3A_1310 : i32
      %mul3A_1312 = arith.constant 32 : i32
      %mul3A_1313 = arith.muli %add3A_1311, %mul3A_1312 : i32
      %dma_wait3A_1314 = arith.constant 5 : i32
      %dma_wait3A_1315 = arith.constant 5 : i32
      %dma_wait3A_1316 = arith.constant 0 : i32
      %dma_wait3A_1317 = arith.constant 0 : i32
      %dma_wait3A_1318 = tpu.memref_slice %arg6[%dma_wait3A_1314, %dma_wait3A_1316, %dma_wait3A_1317] : memref<14x32x128xf32, #tpu.memory_space<vmem>> -> memref<1x32x128xf32, #tpu.memory_space<vmem>>
      %dma_wait3A_1319 = tpu.memref_squeeze %dma_wait3A_1318 : memref<1x32x128xf32, #tpu.memory_space<vmem>> -> memref<32x128xf32, #tpu.memory_space<vmem>>
      %dma_wait3A_1320 = tpu.memref_slice %arg5[%mul3A_1313] : memref<6400xi32, #tpu.memory_space<vmem>> -> memref<32xi32, #tpu.memory_space<vmem>>
      %dma_wait3A_1321 = arith.constant 0 : i32
      %dma_wait3A_1322 = arith.constant 0 : i32
      %dma_wait3A_1323 = tpu.memref_slice %arg3[%dma_wait3A_1321, %dma_wait3A_1322] : memref<100000x128xf32, #tpu.memory_space<hbm>> -> memref<100000x128xf32, #tpu.memory_space<hbm>>
      %dma_wait3A_1324 = tpu.memref_slice %arg7[%dma_wait3A_1315] : memref<14x!tpu.dma_semaphore, #tpu.memory_space<semaphore_mem>> -> memref<1x!tpu.dma_semaphore, #tpu.memory_space<semaphore_mem>>
      %dma_wait3A_1325 = tpu.memref_squeeze %dma_wait3A_1324 : memref<1x!tpu.dma_semaphore, #tpu.memory_space<semaphore_mem>> -> memref<!tpu.dma_semaphore, #tpu.memory_space<semaphore_mem>>
      tpu.wait_indirect_dma semaphore(%dma_wait3A_1325 : memref<!tpu.dma_semaphore, #tpu.memory_space<semaphore_mem>>) src(%dma_wait3A_1323 : memref<100000x128xf32, #tpu.memory_space<hbm>>) dst(%dma_wait3A_1319 : memref<32x128xf32, #tpu.memory_space<vmem>>)
      %mul3A_1326 = arith.constant 32 : i32
      %mul3A_1327 = arith.muli %add3A_1311, %mul3A_1326 : i32
      %add3A_1328 = arith.addi %mul3A_2, %mul3A_1327 : i32
      %dma_start3A_1329 = arith.constant 5 : i32
      %dma_start3A_1330 = arith.constant 5 : i32
      %dma_start3A_1331 = arith.constant 0 : i32
      %dma_start3A_1332 = arith.constant 0 : i32
      %dma_start3A_1333 = tpu.memref_slice %arg6[%dma_start3A_1329, %dma_start3A_1331, %dma_start3A_1332] : memref<14x32x128xf32, #tpu.memory_space<vmem>> -> memref<1x32x128xf32, #tpu.memory_space<vmem>>
      %dma_start3A_1334 = tpu.memref_squeeze %dma_start3A_1333 : memref<1x32x128xf32, #tpu.memory_space<vmem>> -> memref<32x128xf32, #tpu.memory_space<vmem>>
      %dma_start3A_1335 = arith.constant 0 : i32
      %dma_start3A_1336 = tpu.memref_slice %arg4[%add3A_1328, %dma_start3A_1335] : memref<204800x128xf32, #tpu.memory_space<hbm>> -> memref<32x128xf32, #tpu.memory_space<hbm>>
      %dma_start3A_1337 = tpu.memref_slice %arg8[%dma_start3A_1330] : memref<14x!tpu.dma_semaphore, #tpu.memory_space<semaphore_mem>> -> memref<1x!tpu.dma_semaphore, #tpu.memory_space<semaphore_mem>>
      %dma_start3A_1338 = tpu.memref_squeeze %dma_start3A_1337 : memref<1x!tpu.dma_semaphore, #tpu.memory_space<semaphore_mem>> -> memref<!tpu.dma_semaphore, #tpu.memory_space<semaphore_mem>>
      %dma_start3A_1339 = arith.constant 0 : i32
      %dma_start3A_1340 = tpu.memref_slice %arg4[%add3A_1328, %dma_start3A_1339] : memref<204800x128xf32, #tpu.memory_space<hbm>> -> memref<32x128xf32, #tpu.memory_space<hbm>>
      %dma_start3A_1341 = arith.constant 0 : i32
      %dma_start3A_1342 = arith.constant 0 : i32
      %dma_start3A_1343 = tpu.memref_slice %arg6[%dma_start3A_1329, %dma_start3A_1341, %dma_start3A_1342] : memref<14x32x128xf32, #tpu.memory_space<vmem>> -> memref<1x32x128xf32, #tpu.memory_space<vmem>>
      %dma_start3A_1344 = tpu.memref_squeeze %dma_start3A_1343 : memref<1x32x128xf32, #tpu.memory_space<vmem>> -> memref<32x128xf32, #tpu.memory_space<vmem>>
      tpu.enqueue_dma source(%dma_start3A_1344 : memref<32x128xf32, #tpu.memory_space<vmem>>) target(%dma_start3A_1340 : memref<32x128xf32, #tpu.memory_space<hbm>>) target_semaphore(%dma_start3A_1338 : memref<!tpu.dma_semaphore, #tpu.memory_space<semaphore_mem>>)
      %mul3A_1345 = arith.constant 14 : i32
      %mul3A_1346 = arith.muli %scan3A_1122, %mul3A_1345 : i32
      %add3A_1347 = arith.constant 6 : i32
      %add3A_1348 = arith.addi %mul3A_1346, %add3A_1347 : i32
      %mul3A_1349 = arith.constant 32 : i32
      %mul3A_1350 = arith.muli %add3A_1348, %mul3A_1349 : i32
      %dma_wait3A_1351 = arith.constant 6 : i32
      %dma_wait3A_1352 = arith.constant 6 : i32
      %dma_wait3A_1353 = arith.constant 0 : i32
      %dma_wait3A_1354 = arith.constant 0 : i32
      %dma_wait3A_1355 = tpu.memref_slice %arg6[%dma_wait3A_1351, %dma_wait3A_1353, %dma_wait3A_1354] : memref<14x32x128xf32, #tpu.memory_space<vmem>> -> memref<1x32x128xf32, #tpu.memory_space<vmem>>
      %dma_wait3A_1356 = tpu.memref_squeeze %dma_wait3A_1355 : memref<1x32x128xf32, #tpu.memory_space<vmem>> -> memref<32x128xf32, #tpu.memory_space<vmem>>
      %dma_wait3A_1357 = tpu.memref_slice %arg5[%mul3A_1350] : memref<6400xi32, #tpu.memory_space<vmem>> -> memref<32xi32, #tpu.memory_space<vmem>>
      %dma_wait3A_1358 = arith.constant 0 : i32
      %dma_wait3A_1359 = arith.constant 0 : i32
      %dma_wait3A_1360 = tpu.memref_slice %arg3[%dma_wait3A_1358, %dma_wait3A_1359] : memref<100000x128xf32, #tpu.memory_space<hbm>> -> memref<100000x128xf32, #tpu.memory_space<hbm>>
      %dma_wait3A_1361 = tpu.memref_slice %arg7[%dma_wait3A_1352] : memref<14x!tpu.dma_semaphore, #tpu.memory_space<semaphore_mem>> -> memref<1x!tpu.dma_semaphore, #tpu.memory_space<semaphore_mem>>
      %dma_wait3A_1362 = tpu.memref_squeeze %dma_wait3A_1361 : memref<1x!tpu.dma_semaphore, #tpu.memory_space<semaphore_mem>> -> memref<!tpu.dma_semaphore, #tpu.memory_space<semaphore_mem>>
      tpu.wait_indirect_dma semaphore(%dma_wait3A_1362 : memref<!tpu.dma_semaphore, #tpu.memory_space<semaphore_mem>>) src(%dma_wait3A_1360 : memref<100000x128xf32, #tpu.memory_space<hbm>>) dst(%dma_wait3A_1356 : memref<32x128xf32, #tpu.memory_space<vmem>>)
      %mul3A_1363 = arith.constant 32 : i32
      %mul3A_1364 = arith.muli %add3A_1348, %mul3A_1363 : i32
      %add3A_1365 = arith.addi %mul3A_2, %mul3A_1364 : i32
      %dma_start3A_1366 = arith.constant 6 : i32
      %dma_start3A_1367 = arith.constant 6 : i32
      %dma_start3A_1368 = arith.constant 0 : i32
      %dma_start3A_1369 = arith.constant 0 : i32
      %dma_start3A_1370 = tpu.memref_slice %arg6[%dma_start3A_1366, %dma_start3A_1368, %dma_start3A_1369] : memref<14x32x128xf32, #tpu.memory_space<vmem>> -> memref<1x32x128xf32, #tpu.memory_space<vmem>>
      %dma_start3A_1371 = tpu.memref_squeeze %dma_start3A_1370 : memref<1x32x128xf32, #tpu.memory_space<vmem>> -> memref<32x128xf32, #tpu.memory_space<vmem>>
      %dma_start3A_1372 = arith.constant 0 : i32
      %dma_start3A_1373 = tpu.memref_slice %arg4[%add3A_1365, %dma_start3A_1372] : memref<204800x128xf32, #tpu.memory_space<hbm>> -> memref<32x128xf32, #tpu.memory_space<hbm>>
      %dma_start3A_1374 = tpu.memref_slice %arg8[%dma_start3A_1367] : memref<14x!tpu.dma_semaphore, #tpu.memory_space<semaphore_mem>> -> memref<1x!tpu.dma_semaphore, #tpu.memory_space<semaphore_mem>>
      %dma_start3A_1375 = tpu.memref_squeeze %dma_start3A_1374 : memref<1x!tpu.dma_semaphore, #tpu.memory_space<semaphore_mem>> -> memref<!tpu.dma_semaphore, #tpu.memory_space<semaphore_mem>>
      %dma_start3A_1376 = arith.constant 0 : i32
      %dma_start3A_1377 = tpu.memref_slice %arg4[%add3A_1365, %dma_start3A_1376] : memref<204800x128xf32, #tpu.memory_space<hbm>> -> memref<32x128xf32, #tpu.memory_space<hbm>>
      %dma_start3A_1378 = arith.constant 0 : i32
      %dma_start3A_1379 = arith.constant 0 : i32
      %dma_start3A_1380 = tpu.memref_slice %arg6[%dma_start3A_1366, %dma_start3A_1378, %dma_start3A_1379] : memref<14x32x128xf32, #tpu.memory_space<vmem>> -> memref<1x32x128xf32, #tpu.memory_space<vmem>>
      %dma_start3A_1381 = tpu.memref_squeeze %dma_start3A_1380 : memref<1x32x128xf32, #tpu.memory_space<vmem>> -> memref<32x128xf32, #tpu.memory_space<vmem>>
      tpu.enqueue_dma source(%dma_start3A_1381 : memref<32x128xf32, #tpu.memory_space<vmem>>) target(%dma_start3A_1377 : memref<32x128xf32, #tpu.memory_space<hbm>>) target_semaphore(%dma_start3A_1375 : memref<!tpu.dma_semaphore, #tpu.memory_space<semaphore_mem>>)
      %mul3A_1382 = arith.constant 14 : i32
      %mul3A_1383 = arith.muli %scan3A_1122, %mul3A_1382 : i32
      %add3A_1384 = arith.constant 7 : i32
      %add3A_1385 = arith.addi %mul3A_1383, %add3A_1384 : i32
      %mul3A_1386 = arith.constant 32 : i32
      %mul3A_1387 = arith.muli %add3A_1385, %mul3A_1386 : i32
      %dma_wait3A_1388 = arith.constant 7 : i32
      %dma_wait3A_1389 = arith.constant 7 : i32
      %dma_wait3A_1390 = arith.constant 0 : i32
      %dma_wait3A_1391 = arith.constant 0 : i32
      %dma_wait3A_1392 = tpu.memref_slice %arg6[%dma_wait3A_1388, %dma_wait3A_1390, %dma_wait3A_1391] : memref<14x32x128xf32, #tpu.memory_space<vmem>> -> memref<1x32x128xf32, #tpu.memory_space<vmem>>
      %dma_wait3A_1393 = tpu.memref_squeeze %dma_wait3A_1392 : memref<1x32x128xf32, #tpu.memory_space<vmem>> -> memref<32x128xf32, #tpu.memory_space<vmem>>
      %dma_wait3A_1394 = tpu.memref_slice %arg5[%mul3A_1387] : memref<6400xi32, #tpu.memory_space<vmem>> -> memref<32xi32, #tpu.memory_space<vmem>>
      %dma_wait3A_1395 = arith.constant 0 : i32
      %dma_wait3A_1396 = arith.constant 0 : i32
      %dma_wait3A_1397 = tpu.memref_slice %arg3[%dma_wait3A_1395, %dma_wait3A_1396] : memref<100000x128xf32, #tpu.memory_space<hbm>> -> memref<100000x128xf32, #tpu.memory_space<hbm>>
      %dma_wait3A_1398 = tpu.memref_slice %arg7[%dma_wait3A_1389] : memref<14x!tpu.dma_semaphore, #tpu.memory_space<semaphore_mem>> -> memref<1x!tpu.dma_semaphore, #tpu.memory_space<semaphore_mem>>
      %dma_wait3A_1399 = tpu.memref_squeeze %dma_wait3A_1398 : memref<1x!tpu.dma_semaphore, #tpu.memory_space<semaphore_mem>> -> memref<!tpu.dma_semaphore, #tpu.memory_space<semaphore_mem>>
      tpu.wait_indirect_dma semaphore(%dma_wait3A_1399 : memref<!tpu.dma_semaphore, #tpu.memory_space<semaphore_mem>>) src(%dma_wait3A_1397 : memref<100000x128xf32, #tpu.memory_space<hbm>>) dst(%dma_wait3A_1393 : memref<32x128xf32, #tpu.memory_space<vmem>>)
      %mul3A_1400 = arith.constant 32 : i32
      %mul3A_1401 = arith.muli %add3A_1385, %mul3A_1400 : i32
      %add3A_1402 = arith.addi %mul3A_2, %mul3A_1401 : i32
      %dma_start3A_1403 = arith.constant 7 : i32
      %dma_start3A_1404 = arith.constant 7 : i32
      %dma_start3A_1405 = arith.constant 0 : i32
      %dma_start3A_1406 = arith.constant 0 : i32
      %dma_start3A_1407 = tpu.memref_slice %arg6[%dma_start3A_1403, %dma_start3A_1405, %dma_start3A_1406] : memref<14x32x128xf32, #tpu.memory_space<vmem>> -> memref<1x32x128xf32, #tpu.memory_space<vmem>>
      %dma_start3A_1408 = tpu.memref_squeeze %dma_start3A_1407 : memref<1x32x128xf32, #tpu.memory_space<vmem>> -> memref<32x128xf32, #tpu.memory_space<vmem>>
      %dma_start3A_1409 = arith.constant 0 : i32
      %dma_start3A_1410 = tpu.memref_slice %arg4[%add3A_1402, %dma_start3A_1409] : memref<204800x128xf32, #tpu.memory_space<hbm>> -> memref<32x128xf32, #tpu.memory_space<hbm>>
      %dma_start3A_1411 = tpu.memref_slice %arg8[%dma_start3A_1404] : memref<14x!tpu.dma_semaphore, #tpu.memory_space<semaphore_mem>> -> memref<1x!tpu.dma_semaphore, #tpu.memory_space<semaphore_mem>>
      %dma_start3A_1412 = tpu.memref_squeeze %dma_start3A_1411 : memref<1x!tpu.dma_semaphore, #tpu.memory_space<semaphore_mem>> -> memref<!tpu.dma_semaphore, #tpu.memory_space<semaphore_mem>>
      %dma_start3A_1413 = arith.constant 0 : i32
      %dma_start3A_1414 = tpu.memref_slice %arg4[%add3A_1402, %dma_start3A_1413] : memref<204800x128xf32, #tpu.memory_space<hbm>> -> memref<32x128xf32, #tpu.memory_space<hbm>>
      %dma_start3A_1415 = arith.constant 0 : i32
      %dma_start3A_1416 = arith.constant 0 : i32
      %dma_start3A_1417 = tpu.memref_slice %arg6[%dma_start3A_1403, %dma_start3A_1415, %dma_start3A_1416] : memref<14x32x128xf32, #tpu.memory_space<vmem>> -> memref<1x32x128xf32, #tpu.memory_space<vmem>>
      %dma_start3A_1418 = tpu.memref_squeeze %dma_start3A_1417 : memref<1x32x128xf32, #tpu.memory_space<vmem>> -> memref<32x128xf32, #tpu.memory_space<vmem>>
      tpu.enqueue_dma source(%dma_start3A_1418 : memref<32x128xf32, #tpu.memory_space<vmem>>) target(%dma_start3A_1414 : memref<32x128xf32, #tpu.memory_space<hbm>>) target_semaphore(%dma_start3A_1412 : memref<!tpu.dma_semaphore, #tpu.memory_space<semaphore_mem>>)
      %mul3A_1419 = arith.constant 14 : i32
      %mul3A_1420 = arith.muli %scan3A_1122, %mul3A_1419 : i32
      %add3A_1421 = arith.constant 8 : i32
      %add3A_1422 = arith.addi %mul3A_1420, %add3A_1421 : i32
      %mul3A_1423 = arith.constant 32 : i32
      %mul3A_1424 = arith.muli %add3A_1422, %mul3A_1423 : i32
      %dma_wait3A_1425 = arith.constant 8 : i32
      %dma_wait3A_1426 = arith.constant 8 : i32
      %dma_wait3A_1427 = arith.constant 0 : i32
      %dma_wait3A_1428 = arith.constant 0 : i32
      %dma_wait3A_1429 = tpu.memref_slice %arg6[%dma_wait3A_1425, %dma_wait3A_1427, %dma_wait3A_1428] : memref<14x32x128xf32, #tpu.memory_space<vmem>> -> memref<1x32x128xf32, #tpu.memory_space<vmem>>
      %dma_wait3A_1430 = tpu.memref_squeeze %dma_wait3A_1429 : memref<1x32x128xf32, #tpu.memory_space<vmem>> -> memref<32x128xf32, #tpu.memory_space<vmem>>
      %dma_wait3A_1431 = tpu.memref_slice %arg5[%mul3A_1424] : memref<6400xi32, #tpu.memory_space<vmem>> -> memref<32xi32, #tpu.memory_space<vmem>>
      %dma_wait3A_1432 = arith.constant 0 : i32
      %dma_wait3A_1433 = arith.constant 0 : i32
      %dma_wait3A_1434 = tpu.memref_slice %arg3[%dma_wait3A_1432, %dma_wait3A_1433] : memref<100000x128xf32, #tpu.memory_space<hbm>> -> memref<100000x128xf32, #tpu.memory_space<hbm>>
      %dma_wait3A_1435 = tpu.memref_slice %arg7[%dma_wait3A_1426] : memref<14x!tpu.dma_semaphore, #tpu.memory_space<semaphore_mem>> -> memref<1x!tpu.dma_semaphore, #tpu.memory_space<semaphore_mem>>
      %dma_wait3A_1436 = tpu.memref_squeeze %dma_wait3A_1435 : memref<1x!tpu.dma_semaphore, #tpu.memory_space<semaphore_mem>> -> memref<!tpu.dma_semaphore, #tpu.memory_space<semaphore_mem>>
      tpu.wait_indirect_dma semaphore(%dma_wait3A_1436 : memref<!tpu.dma_semaphore, #tpu.memory_space<semaphore_mem>>) src(%dma_wait3A_1434 : memref<100000x128xf32, #tpu.memory_space<hbm>>) dst(%dma_wait3A_1430 : memref<32x128xf32, #tpu.memory_space<vmem>>)
      %mul3A_1437 = arith.constant 32 : i32
      %mul3A_1438 = arith.muli %add3A_1422, %mul3A_1437 : i32
      %add3A_1439 = arith.addi %mul3A_2, %mul3A_1438 : i32
      %dma_start3A_1440 = arith.constant 8 : i32
      %dma_start3A_1441 = arith.constant 8 : i32
      %dma_start3A_1442 = arith.constant 0 : i32
      %dma_start3A_1443 = arith.constant 0 : i32
      %dma_start3A_1444 = tpu.memref_slice %arg6[%dma_start3A_1440, %dma_start3A_1442, %dma_start3A_1443] : memref<14x32x128xf32, #tpu.memory_space<vmem>> -> memref<1x32x128xf32, #tpu.memory_space<vmem>>
      %dma_start3A_1445 = tpu.memref_squeeze %dma_start3A_1444 : memref<1x32x128xf32, #tpu.memory_space<vmem>> -> memref<32x128xf32, #tpu.memory_space<vmem>>
      %dma_start3A_1446 = arith.constant 0 : i32
      %dma_start3A_1447 = tpu.memref_slice %arg4[%add3A_1439, %dma_start3A_1446] : memref<204800x128xf32, #tpu.memory_space<hbm>> -> memref<32x128xf32, #tpu.memory_space<hbm>>
      %dma_start3A_1448 = tpu.memref_slice %arg8[%dma_start3A_1441] : memref<14x!tpu.dma_semaphore, #tpu.memory_space<semaphore_mem>> -> memref<1x!tpu.dma_semaphore, #tpu.memory_space<semaphore_mem>>
      %dma_start3A_1449 = tpu.memref_squeeze %dma_start3A_1448 : memref<1x!tpu.dma_semaphore, #tpu.memory_space<semaphore_mem>> -> memref<!tpu.dma_semaphore, #tpu.memory_space<semaphore_mem>>
      %dma_start3A_1450 = arith.constant 0 : i32
      %dma_start3A_1451 = tpu.memref_slice %arg4[%add3A_1439, %dma_start3A_1450] : memref<204800x128xf32, #tpu.memory_space<hbm>> -> memref<32x128xf32, #tpu.memory_space<hbm>>
      %dma_start3A_1452 = arith.constant 0 : i32
      %dma_start3A_1453 = arith.constant 0 : i32
      %dma_start3A_1454 = tpu.memref_slice %arg6[%dma_start3A_1440, %dma_start3A_1452, %dma_start3A_1453] : memref<14x32x128xf32, #tpu.memory_space<vmem>> -> memref<1x32x128xf32, #tpu.memory_space<vmem>>
      %dma_start3A_1455 = tpu.memref_squeeze %dma_start3A_1454 : memref<1x32x128xf32, #tpu.memory_space<vmem>> -> memref<32x128xf32, #tpu.memory_space<vmem>>
      tpu.enqueue_dma source(%dma_start3A_1455 : memref<32x128xf32, #tpu.memory_space<vmem>>) target(%dma_start3A_1451 : memref<32x128xf32, #tpu.memory_space<hbm>>) target_semaphore(%dma_start3A_1449 : memref<!tpu.dma_semaphore, #tpu.memory_space<semaphore_mem>>)
      %mul3A_1456 = arith.constant 14 : i32
      %mul3A_1457 = arith.muli %scan3A_1122, %mul3A_1456 : i32
      %add3A_1458 = arith.constant 9 : i32
      %add3A_1459 = arith.addi %mul3A_1457, %add3A_1458 : i32
      %mul3A_1460 = arith.constant 32 : i32
      %mul3A_1461 = arith.muli %add3A_1459, %mul3A_1460 : i32
      %dma_wait3A_1462 = arith.constant 9 : i32
      %dma_wait3A_1463 = arith.constant 9 : i32
      %dma_wait3A_1464 = arith.constant 0 : i32
      %dma_wait3A_1465 = arith.constant 0 : i32
      %dma_wait3A_1466 = tpu.memref_slice %arg6[%dma_wait3A_1462, %dma_wait3A_1464, %dma_wait3A_1465] : memref<14x32x128xf32, #tpu.memory_space<vmem>> -> memref<1x32x128xf32, #tpu.memory_space<vmem>>
      %dma_wait3A_1467 = tpu.memref_squeeze %dma_wait3A_1466 : memref<1x32x128xf32, #tpu.memory_space<vmem>> -> memref<32x128xf32, #tpu.memory_space<vmem>>
      %dma_wait3A_1468 = tpu.memref_slice %arg5[%mul3A_1461] : memref<6400xi32, #tpu.memory_space<vmem>> -> memref<32xi32, #tpu.memory_space<vmem>>
      %dma_wait3A_1469 = arith.constant 0 : i32
      %dma_wait3A_1470 = arith.constant 0 : i32
      %dma_wait3A_1471 = tpu.memref_slice %arg3[%dma_wait3A_1469, %dma_wait3A_1470] : memref<100000x128xf32, #tpu.memory_space<hbm>> -> memref<100000x128xf32, #tpu.memory_space<hbm>>
      %dma_wait3A_1472 = tpu.memref_slice %arg7[%dma_wait3A_1463] : memref<14x!tpu.dma_semaphore, #tpu.memory_space<semaphore_mem>> -> memref<1x!tpu.dma_semaphore, #tpu.memory_space<semaphore_mem>>
      %dma_wait3A_1473 = tpu.memref_squeeze %dma_wait3A_1472 : memref<1x!tpu.dma_semaphore, #tpu.memory_space<semaphore_mem>> -> memref<!tpu.dma_semaphore, #tpu.memory_space<semaphore_mem>>
      tpu.wait_indirect_dma semaphore(%dma_wait3A_1473 : memref<!tpu.dma_semaphore, #tpu.memory_space<semaphore_mem>>) src(%dma_wait3A_1471 : memref<100000x128xf32, #tpu.memory_space<hbm>>) dst(%dma_wait3A_1467 : memref<32x128xf32, #tpu.memory_space<vmem>>)
      %mul3A_1474 = arith.constant 32 : i32
      %mul3A_1475 = arith.muli %add3A_1459, %mul3A_1474 : i32
      %add3A_1476 = arith.addi %mul3A_2, %mul3A_1475 : i32
      %dma_start3A_1477 = arith.constant 9 : i32
      %dma_start3A_1478 = arith.constant 9 : i32
      %dma_start3A_1479 = arith.constant 0 : i32
      %dma_start3A_1480 = arith.constant 0 : i32
      %dma_start3A_1481 = tpu.memref_slice %arg6[%dma_start3A_1477, %dma_start3A_1479, %dma_start3A_1480] : memref<14x32x128xf32, #tpu.memory_space<vmem>> -> memref<1x32x128xf32, #tpu.memory_space<vmem>>
      %dma_start3A_1482 = tpu.memref_squeeze %dma_start3A_1481 : memref<1x32x128xf32, #tpu.memory_space<vmem>> -> memref<32x128xf32, #tpu.memory_space<vmem>>
      %dma_start3A_1483 = arith.constant 0 : i32
      %dma_start3A_1484 = tpu.memref_slice %arg4[%add3A_1476, %dma_start3A_1483] : memref<204800x128xf32, #tpu.memory_space<hbm>> -> memref<32x128xf32, #tpu.memory_space<hbm>>
      %dma_start3A_1485 = tpu.memref_slice %arg8[%dma_start3A_1478] : memref<14x!tpu.dma_semaphore, #tpu.memory_space<semaphore_mem>> -> memref<1x!tpu.dma_semaphore, #tpu.memory_space<semaphore_mem>>
      %dma_start3A_1486 = tpu.memref_squeeze %dma_start3A_1485 : memref<1x!tpu.dma_semaphore, #tpu.memory_space<semaphore_mem>> -> memref<!tpu.dma_semaphore, #tpu.memory_space<semaphore_mem>>
      %dma_start3A_1487 = arith.constant 0 : i32
      %dma_start3A_1488 = tpu.memref_slice %arg4[%add3A_1476, %dma_start3A_1487] : memref<204800x128xf32, #tpu.memory_space<hbm>> -> memref<32x128xf32, #tpu.memory_space<hbm>>
      %dma_start3A_1489 = arith.constant 0 : i32
      %dma_start3A_1490 = arith.constant 0 : i32
      %dma_start3A_1491 = tpu.memref_slice %arg6[%dma_start3A_1477, %dma_start3A_1489, %dma_start3A_1490] : memref<14x32x128xf32, #tpu.memory_space<vmem>> -> memref<1x32x128xf32, #tpu.memory_space<vmem>>
      %dma_start3A_1492 = tpu.memref_squeeze %dma_start3A_1491 : memref<1x32x128xf32, #tpu.memory_space<vmem>> -> memref<32x128xf32, #tpu.memory_space<vmem>>
      tpu.enqueue_dma source(%dma_start3A_1492 : memref<32x128xf32, #tpu.memory_space<vmem>>) target(%dma_start3A_1488 : memref<32x128xf32, #tpu.memory_space<hbm>>) target_semaphore(%dma_start3A_1486 : memref<!tpu.dma_semaphore, #tpu.memory_space<semaphore_mem>>)
      %mul3A_1493 = arith.constant 14 : i32
      %mul3A_1494 = arith.muli %scan3A_1122, %mul3A_1493 : i32
      %add3A_1495 = arith.constant 10 : i32
      %add3A_1496 = arith.addi %mul3A_1494, %add3A_1495 : i32
      %mul3A_1497 = arith.constant 32 : i32
      %mul3A_1498 = arith.muli %add3A_1496, %mul3A_1497 : i32
      %dma_wait3A_1499 = arith.constant 10 : i32
      %dma_wait3A_1500 = arith.constant 10 : i32
      %dma_wait3A_1501 = arith.constant 0 : i32
      %dma_wait3A_1502 = arith.constant 0 : i32
      %dma_wait3A_1503 = tpu.memref_slice %arg6[%dma_wait3A_1499, %dma_wait3A_1501, %dma_wait3A_1502] : memref<14x32x128xf32, #tpu.memory_space<vmem>> -> memref<1x32x128xf32, #tpu.memory_space<vmem>>
      %dma_wait3A_1504 = tpu.memref_squeeze %dma_wait3A_1503 : memref<1x32x128xf32, #tpu.memory_space<vmem>> -> memref<32x128xf32, #tpu.memory_space<vmem>>
      %dma_wait3A_1505 = tpu.memref_slice %arg5[%mul3A_1498] : memref<6400xi32, #tpu.memory_space<vmem>> -> memref<32xi32, #tpu.memory_space<vmem>>
      %dma_wait3A_1506 = arith.constant 0 : i32
      %dma_wait3A_1507 = arith.constant 0 : i32
      %dma_wait3A_1508 = tpu.memref_slice %arg3[%dma_wait3A_1506, %dma_wait3A_1507] : memref<100000x128xf32, #tpu.memory_space<hbm>> -> memref<100000x128xf32, #tpu.memory_space<hbm>>
      %dma_wait3A_1509 = tpu.memref_slice %arg7[%dma_wait3A_1500] : memref<14x!tpu.dma_semaphore, #tpu.memory_space<semaphore_mem>> -> memref<1x!tpu.dma_semaphore, #tpu.memory_space<semaphore_mem>>
      %dma_wait3A_1510 = tpu.memref_squeeze %dma_wait3A_1509 : memref<1x!tpu.dma_semaphore, #tpu.memory_space<semaphore_mem>> -> memref<!tpu.dma_semaphore, #tpu.memory_space<semaphore_mem>>
      tpu.wait_indirect_dma semaphore(%dma_wait3A_1510 : memref<!tpu.dma_semaphore, #tpu.memory_space<semaphore_mem>>) src(%dma_wait3A_1508 : memref<100000x128xf32, #tpu.memory_space<hbm>>) dst(%dma_wait3A_1504 : memref<32x128xf32, #tpu.memory_space<vmem>>)
      %mul3A_1511 = arith.constant 32 : i32
      %mul3A_1512 = arith.muli %add3A_1496, %mul3A_1511 : i32
      %add3A_1513 = arith.addi %mul3A_2, %mul3A_1512 : i32
      %dma_start3A_1514 = arith.constant 10 : i32
      %dma_start3A_1515 = arith.constant 10 : i32
      %dma_start3A_1516 = arith.constant 0 : i32
      %dma_start3A_1517 = arith.constant 0 : i32
      %dma_start3A_1518 = tpu.memref_slice %arg6[%dma_start3A_1514, %dma_start3A_1516, %dma_start3A_1517] : memref<14x32x128xf32, #tpu.memory_space<vmem>> -> memref<1x32x128xf32, #tpu.memory_space<vmem>>
      %dma_start3A_1519 = tpu.memref_squeeze %dma_start3A_1518 : memref<1x32x128xf32, #tpu.memory_space<vmem>> -> memref<32x128xf32, #tpu.memory_space<vmem>>
      %dma_start3A_1520 = arith.constant 0 : i32
      %dma_start3A_1521 = tpu.memref_slice %arg4[%add3A_1513, %dma_start3A_1520] : memref<204800x128xf32, #tpu.memory_space<hbm>> -> memref<32x128xf32, #tpu.memory_space<hbm>>
      %dma_start3A_1522 = tpu.memref_slice %arg8[%dma_start3A_1515] : memref<14x!tpu.dma_semaphore, #tpu.memory_space<semaphore_mem>> -> memref<1x!tpu.dma_semaphore, #tpu.memory_space<semaphore_mem>>
      %dma_start3A_1523 = tpu.memref_squeeze %dma_start3A_1522 : memref<1x!tpu.dma_semaphore, #tpu.memory_space<semaphore_mem>> -> memref<!tpu.dma_semaphore, #tpu.memory_space<semaphore_mem>>
      %dma_start3A_1524 = arith.constant 0 : i32
      %dma_start3A_1525 = tpu.memref_slice %arg4[%add3A_1513, %dma_start3A_1524] : memref<204800x128xf32, #tpu.memory_space<hbm>> -> memref<32x128xf32, #tpu.memory_space<hbm>>
      %dma_start3A_1526 = arith.constant 0 : i32
      %dma_start3A_1527 = arith.constant 0 : i32
      %dma_start3A_1528 = tpu.memref_slice %arg6[%dma_start3A_1514, %dma_start3A_1526, %dma_start3A_1527] : memref<14x32x128xf32, #tpu.memory_space<vmem>> -> memref<1x32x128xf32, #tpu.memory_space<vmem>>
      %dma_start3A_1529 = tpu.memref_squeeze %dma_start3A_1528 : memref<1x32x128xf32, #tpu.memory_space<vmem>> -> memref<32x128xf32, #tpu.memory_space<vmem>>
      tpu.enqueue_dma source(%dma_start3A_1529 : memref<32x128xf32, #tpu.memory_space<vmem>>) target(%dma_start3A_1525 : memref<32x128xf32, #tpu.memory_space<hbm>>) target_semaphore(%dma_start3A_1523 : memref<!tpu.dma_semaphore, #tpu.memory_space<semaphore_mem>>)
      %mul3A_1530 = arith.constant 14 : i32
      %mul3A_1531 = arith.muli %scan3A_1122, %mul3A_1530 : i32
      %add3A_1532 = arith.constant 11 : i32
      %add3A_1533 = arith.addi %mul3A_1531, %add3A_1532 : i32
      %mul3A_1534 = arith.constant 32 : i32
      %mul3A_1535 = arith.muli %add3A_1533, %mul3A_1534 : i32
      %dma_wait3A_1536 = arith.constant 11 : i32
      %dma_wait3A_1537 = arith.constant 11 : i32
      %dma_wait3A_1538 = arith.constant 0 : i32
      %dma_wait3A_1539 = arith.constant 0 : i32
      %dma_wait3A_1540 = tpu.memref_slice %arg6[%dma_wait3A_1536, %dma_wait3A_1538, %dma_wait3A_1539] : memref<14x32x128xf32, #tpu.memory_space<vmem>> -> memref<1x32x128xf32, #tpu.memory_space<vmem>>
      %dma_wait3A_1541 = tpu.memref_squeeze %dma_wait3A_1540 : memref<1x32x128xf32, #tpu.memory_space<vmem>> -> memref<32x128xf32, #tpu.memory_space<vmem>>
      %dma_wait3A_1542 = tpu.memref_slice %arg5[%mul3A_1535] : memref<6400xi32, #tpu.memory_space<vmem>> -> memref<32xi32, #tpu.memory_space<vmem>>
      %dma_wait3A_1543 = arith.constant 0 : i32
      %dma_wait3A_1544 = arith.constant 0 : i32
      %dma_wait3A_1545 = tpu.memref_slice %arg3[%dma_wait3A_1543, %dma_wait3A_1544] : memref<100000x128xf32, #tpu.memory_space<hbm>> -> memref<100000x128xf32, #tpu.memory_space<hbm>>
      %dma_wait3A_1546 = tpu.memref_slice %arg7[%dma_wait3A_1537] : memref<14x!tpu.dma_semaphore, #tpu.memory_space<semaphore_mem>> -> memref<1x!tpu.dma_semaphore, #tpu.memory_space<semaphore_mem>>
      %dma_wait3A_1547 = tpu.memref_squeeze %dma_wait3A_1546 : memref<1x!tpu.dma_semaphore, #tpu.memory_space<semaphore_mem>> -> memref<!tpu.dma_semaphore, #tpu.memory_space<semaphore_mem>>
      tpu.wait_indirect_dma semaphore(%dma_wait3A_1547 : memref<!tpu.dma_semaphore, #tpu.memory_space<semaphore_mem>>) src(%dma_wait3A_1545 : memref<100000x128xf32, #tpu.memory_space<hbm>>) dst(%dma_wait3A_1541 : memref<32x128xf32, #tpu.memory_space<vmem>>)
      %mul3A_1548 = arith.constant 32 : i32
      %mul3A_1549 = arith.muli %add3A_1533, %mul3A_1548 : i32
      %add3A_1550 = arith.addi %mul3A_2, %mul3A_1549 : i32
      %dma_start3A_1551 = arith.constant 11 : i32
      %dma_start3A_1552 = arith.constant 11 : i32
      %dma_start3A_1553 = arith.constant 0 : i32
      %dma_start3A_1554 = arith.constant 0 : i32
      %dma_start3A_1555 = tpu.memref_slice %arg6[%dma_start3A_1551, %dma_start3A_1553, %dma_start3A_1554] : memref<14x32x128xf32, #tpu.memory_space<vmem>> -> memref<1x32x128xf32, #tpu.memory_space<vmem>>
      %dma_start3A_1556 = tpu.memref_squeeze %dma_start3A_1555 : memref<1x32x128xf32, #tpu.memory_space<vmem>> -> memref<32x128xf32, #tpu.memory_space<vmem>>
      %dma_start3A_1557 = arith.constant 0 : i32
      %dma_start3A_1558 = tpu.memref_slice %arg4[%add3A_1550, %dma_start3A_1557] : memref<204800x128xf32, #tpu.memory_space<hbm>> -> memref<32x128xf32, #tpu.memory_space<hbm>>
      %dma_start3A_1559 = tpu.memref_slice %arg8[%dma_start3A_1552] : memref<14x!tpu.dma_semaphore, #tpu.memory_space<semaphore_mem>> -> memref<1x!tpu.dma_semaphore, #tpu.memory_space<semaphore_mem>>
      %dma_start3A_1560 = tpu.memref_squeeze %dma_start3A_1559 : memref<1x!tpu.dma_semaphore, #tpu.memory_space<semaphore_mem>> -> memref<!tpu.dma_semaphore, #tpu.memory_space<semaphore_mem>>
      %dma_start3A_1561 = arith.constant 0 : i32
      %dma_start3A_1562 = tpu.memref_slice %arg4[%add3A_1550, %dma_start3A_1561] : memref<204800x128xf32, #tpu.memory_space<hbm>> -> memref<32x128xf32, #tpu.memory_space<hbm>>
      %dma_start3A_1563 = arith.constant 0 : i32
      %dma_start3A_1564 = arith.constant 0 : i32
      %dma_start3A_1565 = tpu.memref_slice %arg6[%dma_start3A_1551, %dma_start3A_1563, %dma_start3A_1564] : memref<14x32x128xf32, #tpu.memory_space<vmem>> -> memref<1x32x128xf32, #tpu.memory_space<vmem>>
      %dma_start3A_1566 = tpu.memref_squeeze %dma_start3A_1565 : memref<1x32x128xf32, #tpu.memory_space<vmem>> -> memref<32x128xf32, #tpu.memory_space<vmem>>
      tpu.enqueue_dma source(%dma_start3A_1566 : memref<32x128xf32, #tpu.memory_space<vmem>>) target(%dma_start3A_1562 : memref<32x128xf32, #tpu.memory_space<hbm>>) target_semaphore(%dma_start3A_1560 : memref<!tpu.dma_semaphore, #tpu.memory_space<semaphore_mem>>)
      %mul3A_1567 = arith.constant 14 : i32
      %mul3A_1568 = arith.muli %scan3A_1122, %mul3A_1567 : i32
      %add3A_1569 = arith.constant 12 : i32
      %add3A_1570 = arith.addi %mul3A_1568, %add3A_1569 : i32
      %mul3A_1571 = arith.constant 32 : i32
      %mul3A_1572 = arith.muli %add3A_1570, %mul3A_1571 : i32
      %dma_wait3A_1573 = arith.constant 12 : i32
      %dma_wait3A_1574 = arith.constant 12 : i32
      %dma_wait3A_1575 = arith.constant 0 : i32
      %dma_wait3A_1576 = arith.constant 0 : i32
      %dma_wait3A_1577 = tpu.memref_slice %arg6[%dma_wait3A_1573, %dma_wait3A_1575, %dma_wait3A_1576] : memref<14x32x128xf32, #tpu.memory_space<vmem>> -> memref<1x32x128xf32, #tpu.memory_space<vmem>>
      %dma_wait3A_1578 = tpu.memref_squeeze %dma_wait3A_1577 : memref<1x32x128xf32, #tpu.memory_space<vmem>> -> memref<32x128xf32, #tpu.memory_space<vmem>>
      %dma_wait3A_1579 = tpu.memref_slice %arg5[%mul3A_1572] : memref<6400xi32, #tpu.memory_space<vmem>> -> memref<32xi32, #tpu.memory_space<vmem>>
      %dma_wait3A_1580 = arith.constant 0 : i32
      %dma_wait3A_1581 = arith.constant 0 : i32
      %dma_wait3A_1582 = tpu.memref_slice %arg3[%dma_wait3A_1580, %dma_wait3A_1581] : memref<100000x128xf32, #tpu.memory_space<hbm>> -> memref<100000x128xf32, #tpu.memory_space<hbm>>
      %dma_wait3A_1583 = tpu.memref_slice %arg7[%dma_wait3A_1574] : memref<14x!tpu.dma_semaphore, #tpu.memory_space<semaphore_mem>> -> memref<1x!tpu.dma_semaphore, #tpu.memory_space<semaphore_mem>>
      %dma_wait3A_1584 = tpu.memref_squeeze %dma_wait3A_1583 : memref<1x!tpu.dma_semaphore, #tpu.memory_space<semaphore_mem>> -> memref<!tpu.dma_semaphore, #tpu.memory_space<semaphore_mem>>
      tpu.wait_indirect_dma semaphore(%dma_wait3A_1584 : memref<!tpu.dma_semaphore, #tpu.memory_space<semaphore_mem>>) src(%dma_wait3A_1582 : memref<100000x128xf32, #tpu.memory_space<hbm>>) dst(%dma_wait3A_1578 : memref<32x128xf32, #tpu.memory_space<vmem>>)
      %mul3A_1585 = arith.constant 32 : i32
      %mul3A_1586 = arith.muli %add3A_1570, %mul3A_1585 : i32
      %add3A_1587 = arith.addi %mul3A_2, %mul3A_1586 : i32
      %dma_start3A_1588 = arith.constant 12 : i32
      %dma_start3A_1589 = arith.constant 12 : i32
      %dma_start3A_1590 = arith.constant 0 : i32
      %dma_start3A_1591 = arith.constant 0 : i32
      %dma_start3A_1592 = tpu.memref_slice %arg6[%dma_start3A_1588, %dma_start3A_1590, %dma_start3A_1591] : memref<14x32x128xf32, #tpu.memory_space<vmem>> -> memref<1x32x128xf32, #tpu.memory_space<vmem>>
      %dma_start3A_1593 = tpu.memref_squeeze %dma_start3A_1592 : memref<1x32x128xf32, #tpu.memory_space<vmem>> -> memref<32x128xf32, #tpu.memory_space<vmem>>
      %dma_start3A_1594 = arith.constant 0 : i32
      %dma_start3A_1595 = tpu.memref_slice %arg4[%add3A_1587, %dma_start3A_1594] : memref<204800x128xf32, #tpu.memory_space<hbm>> -> memref<32x128xf32, #tpu.memory_space<hbm>>
      %dma_start3A_1596 = tpu.memref_slice %arg8[%dma_start3A_1589] : memref<14x!tpu.dma_semaphore, #tpu.memory_space<semaphore_mem>> -> memref<1x!tpu.dma_semaphore, #tpu.memory_space<semaphore_mem>>
      %dma_start3A_1597 = tpu.memref_squeeze %dma_start3A_1596 : memref<1x!tpu.dma_semaphore, #tpu.memory_space<semaphore_mem>> -> memref<!tpu.dma_semaphore, #tpu.memory_space<semaphore_mem>>
      %dma_start3A_1598 = arith.constant 0 : i32
      %dma_start3A_1599 = tpu.memref_slice %arg4[%add3A_1587, %dma_start3A_1598] : memref<204800x128xf32, #tpu.memory_space<hbm>> -> memref<32x128xf32, #tpu.memory_space<hbm>>
      %dma_start3A_1600 = arith.constant 0 : i32
      %dma_start3A_1601 = arith.constant 0 : i32
      %dma_start3A_1602 = tpu.memref_slice %arg6[%dma_start3A_1588, %dma_start3A_1600, %dma_start3A_1601] : memref<14x32x128xf32, #tpu.memory_space<vmem>> -> memref<1x32x128xf32, #tpu.memory_space<vmem>>
      %dma_start3A_1603 = tpu.memref_squeeze %dma_start3A_1602 : memref<1x32x128xf32, #tpu.memory_space<vmem>> -> memref<32x128xf32, #tpu.memory_space<vmem>>
      tpu.enqueue_dma source(%dma_start3A_1603 : memref<32x128xf32, #tpu.memory_space<vmem>>) target(%dma_start3A_1599 : memref<32x128xf32, #tpu.memory_space<hbm>>) target_semaphore(%dma_start3A_1597 : memref<!tpu.dma_semaphore, #tpu.memory_space<semaphore_mem>>)
      %mul3A_1604 = arith.constant 14 : i32
      %mul3A_1605 = arith.muli %scan3A_1122, %mul3A_1604 : i32
      %add3A_1606 = arith.constant 13 : i32
      %add3A_1607 = arith.addi %mul3A_1605, %add3A_1606 : i32
      %mul3A_1608 = arith.constant 32 : i32
      %mul3A_1609 = arith.muli %add3A_1607, %mul3A_1608 : i32
      %dma_wait3A_1610 = arith.constant 13 : i32
      %dma_wait3A_1611 = arith.constant 13 : i32
      %dma_wait3A_1612 = arith.constant 0 : i32
      %dma_wait3A_1613 = arith.constant 0 : i32
      %dma_wait3A_1614 = tpu.memref_slice %arg6[%dma_wait3A_1610, %dma_wait3A_1612, %dma_wait3A_1613] : memref<14x32x128xf32, #tpu.memory_space<vmem>> -> memref<1x32x128xf32, #tpu.memory_space<vmem>>
      %dma_wait3A_1615 = tpu.memref_squeeze %dma_wait3A_1614 : memref<1x32x128xf32, #tpu.memory_space<vmem>> -> memref<32x128xf32, #tpu.memory_space<vmem>>
      %dma_wait3A_1616 = tpu.memref_slice %arg5[%mul3A_1609] : memref<6400xi32, #tpu.memory_space<vmem>> -> memref<32xi32, #tpu.memory_space<vmem>>
      %dma_wait3A_1617 = arith.constant 0 : i32
      %dma_wait3A_1618 = arith.constant 0 : i32
      %dma_wait3A_1619 = tpu.memref_slice %arg3[%dma_wait3A_1617, %dma_wait3A_1618] : memref<100000x128xf32, #tpu.memory_space<hbm>> -> memref<100000x128xf32, #tpu.memory_space<hbm>>
      %dma_wait3A_1620 = tpu.memref_slice %arg7[%dma_wait3A_1611] : memref<14x!tpu.dma_semaphore, #tpu.memory_space<semaphore_mem>> -> memref<1x!tpu.dma_semaphore, #tpu.memory_space<semaphore_mem>>
      %dma_wait3A_1621 = tpu.memref_squeeze %dma_wait3A_1620 : memref<1x!tpu.dma_semaphore, #tpu.memory_space<semaphore_mem>> -> memref<!tpu.dma_semaphore, #tpu.memory_space<semaphore_mem>>
      tpu.wait_indirect_dma semaphore(%dma_wait3A_1621 : memref<!tpu.dma_semaphore, #tpu.memory_space<semaphore_mem>>) src(%dma_wait3A_1619 : memref<100000x128xf32, #tpu.memory_space<hbm>>) dst(%dma_wait3A_1615 : memref<32x128xf32, #tpu.memory_space<vmem>>)
      %mul3A_1622 = arith.constant 32 : i32
      %mul3A_1623 = arith.muli %add3A_1607, %mul3A_1622 : i32
      %add3A_1624 = arith.addi %mul3A_2, %mul3A_1623 : i32
      %dma_start3A_1625 = arith.constant 13 : i32
      %dma_start3A_1626 = arith.constant 13 : i32
      %dma_start3A_1627 = arith.constant 0 : i32
      %dma_start3A_1628 = arith.constant 0 : i32
      %dma_start3A_1629 = tpu.memref_slice %arg6[%dma_start3A_1625, %dma_start3A_1627, %dma_start3A_1628] : memref<14x32x128xf32, #tpu.memory_space<vmem>> -> memref<1x32x128xf32, #tpu.memory_space<vmem>>
      %dma_start3A_1630 = tpu.memref_squeeze %dma_start3A_1629 : memref<1x32x128xf32, #tpu.memory_space<vmem>> -> memref<32x128xf32, #tpu.memory_space<vmem>>
      %dma_start3A_1631 = arith.constant 0 : i32
      %dma_start3A_1632 = tpu.memref_slice %arg4[%add3A_1624, %dma_start3A_1631] : memref<204800x128xf32, #tpu.memory_space<hbm>> -> memref<32x128xf32, #tpu.memory_space<hbm>>
      %dma_start3A_1633 = tpu.memref_slice %arg8[%dma_start3A_1626] : memref<14x!tpu.dma_semaphore, #tpu.memory_space<semaphore_mem>> -> memref<1x!tpu.dma_semaphore, #tpu.memory_space<semaphore_mem>>
      %dma_start3A_1634 = tpu.memref_squeeze %dma_start3A_1633 : memref<1x!tpu.dma_semaphore, #tpu.memory_space<semaphore_mem>> -> memref<!tpu.dma_semaphore, #tpu.memory_space<semaphore_mem>>
      %dma_start3A_1635 = arith.constant 0 : i32
      %dma_start3A_1636 = tpu.memref_slice %arg4[%add3A_1624, %dma_start3A_1635] : memref<204800x128xf32, #tpu.memory_space<hbm>> -> memref<32x128xf32, #tpu.memory_space<hbm>>
      %dma_start3A_1637 = arith.constant 0 : i32
      %dma_start3A_1638 = arith.constant 0 : i32
      %dma_start3A_1639 = tpu.memref_slice %arg6[%dma_start3A_1625, %dma_start3A_1637, %dma_start3A_1638] : memref<14x32x128xf32, #tpu.memory_space<vmem>> -> memref<1x32x128xf32, #tpu.memory_space<vmem>>
      %dma_start3A_1640 = tpu.memref_squeeze %dma_start3A_1639 : memref<1x32x128xf32, #tpu.memory_space<vmem>> -> memref<32x128xf32, #tpu.memory_space<vmem>>
      tpu.enqueue_dma source(%dma_start3A_1640 : memref<32x128xf32, #tpu.memory_space<vmem>>) target(%dma_start3A_1636 : memref<32x128xf32, #tpu.memory_space<hbm>>) target_semaphore(%dma_start3A_1634 : memref<!tpu.dma_semaphore, #tpu.memory_space<semaphore_mem>>)
      %mul3A_1641 = arith.constant 14 : i32
      %mul3A_1642 = arith.muli %scan3A_1122, %mul3A_1641 : i32
      %add3A_1643 = arith.constant 0 : i32
      %add3A_1644 = arith.addi %mul3A_1642, %add3A_1643 : i32
      %mul3A_1645 = arith.constant 32 : i32
      %mul3A_1646 = arith.muli %add3A_1644, %mul3A_1645 : i32
      %add3A_1647 = arith.addi %mul3A_2, %mul3A_1646 : i32
      %dma_wait3A_1648 = arith.constant 0 : i32
      %dma_wait3A_1649 = arith.constant 0 : i32
      %dma_wait3A_1650 = arith.constant 0 : i32
      %dma_wait3A_1651 = arith.constant 0 : i32
      %dma_wait3A_1652 = tpu.memref_slice %arg6[%dma_wait3A_1648, %dma_wait3A_1650, %dma_wait3A_1651] : memref<14x32x128xf32, #tpu.memory_space<vmem>> -> memref<1x32x128xf32, #tpu.memory_space<vmem>>
      %dma_wait3A_1653 = tpu.memref_squeeze %dma_wait3A_1652 : memref<1x32x128xf32, #tpu.memory_space<vmem>> -> memref<32x128xf32, #tpu.memory_space<vmem>>
      %dma_wait3A_1654 = arith.constant 0 : i32
      %dma_wait3A_1655 = tpu.memref_slice %arg4[%add3A_1647, %dma_wait3A_1654] : memref<204800x128xf32, #tpu.memory_space<hbm>> -> memref<32x128xf32, #tpu.memory_space<hbm>>
      %dma_wait3A_1656 = tpu.memref_slice %arg8[%dma_wait3A_1649] : memref<14x!tpu.dma_semaphore, #tpu.memory_space<semaphore_mem>> -> memref<1x!tpu.dma_semaphore, #tpu.memory_space<semaphore_mem>>
      %dma_wait3A_1657 = tpu.memref_squeeze %dma_wait3A_1656 : memref<1x!tpu.dma_semaphore, #tpu.memory_space<semaphore_mem>> -> memref<!tpu.dma_semaphore, #tpu.memory_space<semaphore_mem>>
      %dma_wait3A_1658 = arith.constant 0 : i32
      %dma_wait3A_1659 = tpu.memref_slice %arg4[%add3A_1647, %dma_wait3A_1658] : memref<204800x128xf32, #tpu.memory_space<hbm>> -> memref<32x128xf32, #tpu.memory_space<hbm>>
      %dma_wait3A_1660 = arith.constant 0 : i32
      %dma_wait3A_1661 = arith.constant 0 : i32
      %dma_wait3A_1662 = tpu.memref_slice %arg6[%dma_wait3A_1648, %dma_wait3A_1660, %dma_wait3A_1661] : memref<14x32x128xf32, #tpu.memory_space<vmem>> -> memref<1x32x128xf32, #tpu.memory_space<vmem>>
      %dma_wait3A_1663 = tpu.memref_squeeze %dma_wait3A_1662 : memref<1x32x128xf32, #tpu.memory_space<vmem>> -> memref<32x128xf32, #tpu.memory_space<vmem>>
      tpu.wait_dma2 semaphore(%dma_wait3A_1657 : memref<!tpu.dma_semaphore, #tpu.memory_space<semaphore_mem>>) src(%dma_wait3A_1663 : memref<32x128xf32, #tpu.memory_space<vmem>>) dst(%dma_wait3A_1659 : memref<32x128xf32, #tpu.memory_space<hbm>>)
      %add3A_1664 = arith.constant 14 : i32
      %add3A_1665 = arith.addi %add3A_1644, %add3A_1664 : i32
      %mul3A_1666 = arith.constant 32 : i32
      %mul3A_1667 = arith.muli %add3A_1665, %mul3A_1666 : i32
      %dma_start3A_1668 = arith.constant 0 : i32
      %dma_start3A_1669 = arith.constant 0 : i32
      %dma_start3A_1670 = arith.constant 0 : i32
      %dma_start3A_1671 = arith.constant 0 : i32
      %dma_start3A_1672 = tpu.memref_slice %arg6[%dma_start3A_1668, %dma_start3A_1670, %dma_start3A_1671] : memref<14x32x128xf32, #tpu.memory_space<vmem>> -> memref<1x32x128xf32, #tpu.memory_space<vmem>>
      %dma_start3A_1673 = tpu.memref_squeeze %dma_start3A_1672 : memref<1x32x128xf32, #tpu.memory_space<vmem>> -> memref<32x128xf32, #tpu.memory_space<vmem>>
      %dma_start3A_1674 = tpu.memref_slice %arg5[%mul3A_1667] : memref<6400xi32, #tpu.memory_space<vmem>> -> memref<32xi32, #tpu.memory_space<vmem>>
      %dma_start3A_1675 = arith.constant 0 : i32
      %dma_start3A_1676 = arith.constant 0 : i32
      %dma_start3A_1677 = tpu.memref_slice %arg3[%dma_start3A_1675, %dma_start3A_1676] : memref<100000x128xf32, #tpu.memory_space<hbm>> -> memref<100000x128xf32, #tpu.memory_space<hbm>>
      %dma_start3A_1678 = tpu.memref_slice %arg7[%dma_start3A_1669] : memref<14x!tpu.dma_semaphore, #tpu.memory_space<semaphore_mem>> -> memref<1x!tpu.dma_semaphore, #tpu.memory_space<semaphore_mem>>
      %dma_start3A_1679 = tpu.memref_squeeze %dma_start3A_1678 : memref<1x!tpu.dma_semaphore, #tpu.memory_space<semaphore_mem>> -> memref<!tpu.dma_semaphore, #tpu.memory_space<semaphore_mem>>
      tpu.enqueue_indirect_dma source(%dma_start3A_1677 : memref<100000x128xf32, #tpu.memory_space<hbm>>) target(%dma_start3A_1673 : memref<32x128xf32, #tpu.memory_space<vmem>>) offsets(%dma_start3A_1674 : memref<32xi32, #tpu.memory_space<vmem>>) semaphore(%dma_start3A_1679 : memref<!tpu.dma_semaphore, #tpu.memory_space<semaphore_mem>>)
      %mul3A_1680 = arith.constant 14 : i32
      %mul3A_1681 = arith.muli %scan3A_1122, %mul3A_1680 : i32
      %add3A_1682 = arith.constant 1 : i32
      %add3A_1683 = arith.addi %mul3A_1681, %add3A_1682 : i32
      %mul3A_1684 = arith.constant 32 : i32
      %mul3A_1685 = arith.muli %add3A_1683, %mul3A_1684 : i32
      %add3A_1686 = arith.addi %mul3A_2, %mul3A_1685 : i32
      %dma_wait3A_1687 = arith.constant 1 : i32
      %dma_wait3A_1688 = arith.constant 1 : i32
      %dma_wait3A_1689 = arith.constant 0 : i32
      %dma_wait3A_1690 = arith.constant 0 : i32
      %dma_wait3A_1691 = tpu.memref_slice %arg6[%dma_wait3A_1687, %dma_wait3A_1689, %dma_wait3A_1690] : memref<14x32x128xf32, #tpu.memory_space<vmem>> -> memref<1x32x128xf32, #tpu.memory_space<vmem>>
      %dma_wait3A_1692 = tpu.memref_squeeze %dma_wait3A_1691 : memref<1x32x128xf32, #tpu.memory_space<vmem>> -> memref<32x128xf32, #tpu.memory_space<vmem>>
      %dma_wait3A_1693 = arith.constant 0 : i32
      %dma_wait3A_1694 = tpu.memref_slice %arg4[%add3A_1686, %dma_wait3A_1693] : memref<204800x128xf32, #tpu.memory_space<hbm>> -> memref<32x128xf32, #tpu.memory_space<hbm>>
      %dma_wait3A_1695 = tpu.memref_slice %arg8[%dma_wait3A_1688] : memref<14x!tpu.dma_semaphore, #tpu.memory_space<semaphore_mem>> -> memref<1x!tpu.dma_semaphore, #tpu.memory_space<semaphore_mem>>
      %dma_wait3A_1696 = tpu.memref_squeeze %dma_wait3A_1695 : memref<1x!tpu.dma_semaphore, #tpu.memory_space<semaphore_mem>> -> memref<!tpu.dma_semaphore, #tpu.memory_space<semaphore_mem>>
      %dma_wait3A_1697 = arith.constant 0 : i32
      %dma_wait3A_1698 = tpu.memref_slice %arg4[%add3A_1686, %dma_wait3A_1697] : memref<204800x128xf32, #tpu.memory_space<hbm>> -> memref<32x128xf32, #tpu.memory_space<hbm>>
      %dma_wait3A_1699 = arith.constant 0 : i32
      %dma_wait3A_1700 = arith.constant 0 : i32
      %dma_wait3A_1701 = tpu.memref_slice %arg6[%dma_wait3A_1687, %dma_wait3A_1699, %dma_wait3A_1700] : memref<14x32x128xf32, #tpu.memory_space<vmem>> -> memref<1x32x128xf32, #tpu.memory_space<vmem>>
      %dma_wait3A_1702 = tpu.memref_squeeze %dma_wait3A_1701 : memref<1x32x128xf32, #tpu.memory_space<vmem>> -> memref<32x128xf32, #tpu.memory_space<vmem>>
      tpu.wait_dma2 semaphore(%dma_wait3A_1696 : memref<!tpu.dma_semaphore, #tpu.memory_space<semaphore_mem>>) src(%dma_wait3A_1702 : memref<32x128xf32, #tpu.memory_space<vmem>>) dst(%dma_wait3A_1698 : memref<32x128xf32, #tpu.memory_space<hbm>>)
      %add3A_1703 = arith.constant 14 : i32
      %add3A_1704 = arith.addi %add3A_1683, %add3A_1703 : i32
      %mul3A_1705 = arith.constant 32 : i32
      %mul3A_1706 = arith.muli %add3A_1704, %mul3A_1705 : i32
      %dma_start3A_1707 = arith.constant 1 : i32
      %dma_start3A_1708 = arith.constant 1 : i32
      %dma_start3A_1709 = arith.constant 0 : i32
      %dma_start3A_1710 = arith.constant 0 : i32
      %dma_start3A_1711 = tpu.memref_slice %arg6[%dma_start3A_1707, %dma_start3A_1709, %dma_start3A_1710] : memref<14x32x128xf32, #tpu.memory_space<vmem>> -> memref<1x32x128xf32, #tpu.memory_space<vmem>>
      %dma_start3A_1712 = tpu.memref_squeeze %dma_start3A_1711 : memref<1x32x128xf32, #tpu.memory_space<vmem>> -> memref<32x128xf32, #tpu.memory_space<vmem>>
      %dma_start3A_1713 = tpu.memref_slice %arg5[%mul3A_1706] : memref<6400xi32, #tpu.memory_space<vmem>> -> memref<32xi32, #tpu.memory_space<vmem>>
      %dma_start3A_1714 = arith.constant 0 : i32
      %dma_start3A_1715 = arith.constant 0 : i32
      %dma_start3A_1716 = tpu.memref_slice %arg3[%dma_start3A_1714, %dma_start3A_1715] : memref<100000x128xf32, #tpu.memory_space<hbm>> -> memref<100000x128xf32, #tpu.memory_space<hbm>>
      %dma_start3A_1717 = tpu.memref_slice %arg7[%dma_start3A_1708] : memref<14x!tpu.dma_semaphore, #tpu.memory_space<semaphore_mem>> -> memref<1x!tpu.dma_semaphore, #tpu.memory_space<semaphore_mem>>
      %dma_start3A_1718 = tpu.memref_squeeze %dma_start3A_1717 : memref<1x!tpu.dma_semaphore, #tpu.memory_space<semaphore_mem>> -> memref<!tpu.dma_semaphore, #tpu.memory_space<semaphore_mem>>
      tpu.enqueue_indirect_dma source(%dma_start3A_1716 : memref<100000x128xf32, #tpu.memory_space<hbm>>) target(%dma_start3A_1712 : memref<32x128xf32, #tpu.memory_space<vmem>>) offsets(%dma_start3A_1713 : memref<32xi32, #tpu.memory_space<vmem>>) semaphore(%dma_start3A_1718 : memref<!tpu.dma_semaphore, #tpu.memory_space<semaphore_mem>>)
      %mul3A_1719 = arith.constant 14 : i32
      %mul3A_1720 = arith.muli %scan3A_1122, %mul3A_1719 : i32
      %add3A_1721 = arith.constant 2 : i32
      %add3A_1722 = arith.addi %mul3A_1720, %add3A_1721 : i32
      %mul3A_1723 = arith.constant 32 : i32
      %mul3A_1724 = arith.muli %add3A_1722, %mul3A_1723 : i32
      %add3A_1725 = arith.addi %mul3A_2, %mul3A_1724 : i32
      %dma_wait3A_1726 = arith.constant 2 : i32
      %dma_wait3A_1727 = arith.constant 2 : i32
      %dma_wait3A_1728 = arith.constant 0 : i32
      %dma_wait3A_1729 = arith.constant 0 : i32
      %dma_wait3A_1730 = tpu.memref_slice %arg6[%dma_wait3A_1726, %dma_wait3A_1728, %dma_wait3A_1729] : memref<14x32x128xf32, #tpu.memory_space<vmem>> -> memref<1x32x128xf32, #tpu.memory_space<vmem>>
      %dma_wait3A_1731 = tpu.memref_squeeze %dma_wait3A_1730 : memref<1x32x128xf32, #tpu.memory_space<vmem>> -> memref<32x128xf32, #tpu.memory_space<vmem>>
      %dma_wait3A_1732 = arith.constant 0 : i32
      %dma_wait3A_1733 = tpu.memref_slice %arg4[%add3A_1725, %dma_wait3A_1732] : memref<204800x128xf32, #tpu.memory_space<hbm>> -> memref<32x128xf32, #tpu.memory_space<hbm>>
      %dma_wait3A_1734 = tpu.memref_slice %arg8[%dma_wait3A_1727] : memref<14x!tpu.dma_semaphore, #tpu.memory_space<semaphore_mem>> -> memref<1x!tpu.dma_semaphore, #tpu.memory_space<semaphore_mem>>
      %dma_wait3A_1735 = tpu.memref_squeeze %dma_wait3A_1734 : memref<1x!tpu.dma_semaphore, #tpu.memory_space<semaphore_mem>> -> memref<!tpu.dma_semaphore, #tpu.memory_space<semaphore_mem>>
      %dma_wait3A_1736 = arith.constant 0 : i32
      %dma_wait3A_1737 = tpu.memref_slice %arg4[%add3A_1725, %dma_wait3A_1736] : memref<204800x128xf32, #tpu.memory_space<hbm>> -> memref<32x128xf32, #tpu.memory_space<hbm>>
      %dma_wait3A_1738 = arith.constant 0 : i32
      %dma_wait3A_1739 = arith.constant 0 : i32
      %dma_wait3A_1740 = tpu.memref_slice %arg6[%dma_wait3A_1726, %dma_wait3A_1738, %dma_wait3A_1739] : memref<14x32x128xf32, #tpu.memory_space<vmem>> -> memref<1x32x128xf32, #tpu.memory_space<vmem>>
      %dma_wait3A_1741 = tpu.memref_squeeze %dma_wait3A_1740 : memref<1x32x128xf32, #tpu.memory_space<vmem>> -> memref<32x128xf32, #tpu.memory_space<vmem>>
      tpu.wait_dma2 semaphore(%dma_wait3A_1735 : memref<!tpu.dma_semaphore, #tpu.memory_space<semaphore_mem>>) src(%dma_wait3A_1741 : memref<32x128xf32, #tpu.memory_space<vmem>>) dst(%dma_wait3A_1737 : memref<32x128xf32, #tpu.memory_space<hbm>>)
      %add3A_1742 = arith.constant 14 : i32
      %add3A_1743 = arith.addi %add3A_1722, %add3A_1742 : i32
      %mul3A_1744 = arith.constant 32 : i32
      %mul3A_1745 = arith.muli %add3A_1743, %mul3A_1744 : i32
      %dma_start3A_1746 = arith.constant 2 : i32
      %dma_start3A_1747 = arith.constant 2 : i32
      %dma_start3A_1748 = arith.constant 0 : i32
      %dma_start3A_1749 = arith.constant 0 : i32
      %dma_start3A_1750 = tpu.memref_slice %arg6[%dma_start3A_1746, %dma_start3A_1748, %dma_start3A_1749] : memref<14x32x128xf32, #tpu.memory_space<vmem>> -> memref<1x32x128xf32, #tpu.memory_space<vmem>>
      %dma_start3A_1751 = tpu.memref_squeeze %dma_start3A_1750 : memref<1x32x128xf32, #tpu.memory_space<vmem>> -> memref<32x128xf32, #tpu.memory_space<vmem>>
      %dma_start3A_1752 = tpu.memref_slice %arg5[%mul3A_1745] : memref<6400xi32, #tpu.memory_space<vmem>> -> memref<32xi32, #tpu.memory_space<vmem>>
      %dma_start3A_1753 = arith.constant 0 : i32
      %dma_start3A_1754 = arith.constant 0 : i32
      %dma_start3A_1755 = tpu.memref_slice %arg3[%dma_start3A_1753, %dma_start3A_1754] : memref<100000x128xf32, #tpu.memory_space<hbm>> -> memref<100000x128xf32, #tpu.memory_space<hbm>>
      %dma_start3A_1756 = tpu.memref_slice %arg7[%dma_start3A_1747] : memref<14x!tpu.dma_semaphore, #tpu.memory_space<semaphore_mem>> -> memref<1x!tpu.dma_semaphore, #tpu.memory_space<semaphore_mem>>
      %dma_start3A_1757 = tpu.memref_squeeze %dma_start3A_1756 : memref<1x!tpu.dma_semaphore, #tpu.memory_space<semaphore_mem>> -> memref<!tpu.dma_semaphore, #tpu.memory_space<semaphore_mem>>
      tpu.enqueue_indirect_dma source(%dma_start3A_1755 : memref<100000x128xf32, #tpu.memory_space<hbm>>) target(%dma_start3A_1751 : memref<32x128xf32, #tpu.memory_space<vmem>>) offsets(%dma_start3A_1752 : memref<32xi32, #tpu.memory_space<vmem>>) semaphore(%dma_start3A_1757 : memref<!tpu.dma_semaphore, #tpu.memory_space<semaphore_mem>>)
      %mul3A_1758 = arith.constant 14 : i32
      %mul3A_1759 = arith.muli %scan3A_1122, %mul3A_1758 : i32
      %add3A_1760 = arith.constant 3 : i32
      %add3A_1761 = arith.addi %mul3A_1759, %add3A_1760 : i32
      %mul3A_1762 = arith.constant 32 : i32
      %mul3A_1763 = arith.muli %add3A_1761, %mul3A_1762 : i32
      %add3A_1764 = arith.addi %mul3A_2, %mul3A_1763 : i32
      %dma_wait3A_1765 = arith.constant 3 : i32
      %dma_wait3A_1766 = arith.constant 3 : i32
      %dma_wait3A_1767 = arith.constant 0 : i32
      %dma_wait3A_1768 = arith.constant 0 : i32
      %dma_wait3A_1769 = tpu.memref_slice %arg6[%dma_wait3A_1765, %dma_wait3A_1767, %dma_wait3A_1768] : memref<14x32x128xf32, #tpu.memory_space<vmem>> -> memref<1x32x128xf32, #tpu.memory_space<vmem>>
      %dma_wait3A_1770 = tpu.memref_squeeze %dma_wait3A_1769 : memref<1x32x128xf32, #tpu.memory_space<vmem>> -> memref<32x128xf32, #tpu.memory_space<vmem>>
      %dma_wait3A_1771 = arith.constant 0 : i32
      %dma_wait3A_1772 = tpu.memref_slice %arg4[%add3A_1764, %dma_wait3A_1771] : memref<204800x128xf32, #tpu.memory_space<hbm>> -> memref<32x128xf32, #tpu.memory_space<hbm>>
      %dma_wait3A_1773 = tpu.memref_slice %arg8[%dma_wait3A_1766] : memref<14x!tpu.dma_semaphore, #tpu.memory_space<semaphore_mem>> -> memref<1x!tpu.dma_semaphore, #tpu.memory_space<semaphore_mem>>
      %dma_wait3A_1774 = tpu.memref_squeeze %dma_wait3A_1773 : memref<1x!tpu.dma_semaphore, #tpu.memory_space<semaphore_mem>> -> memref<!tpu.dma_semaphore, #tpu.memory_space<semaphore_mem>>
      %dma_wait3A_1775 = arith.constant 0 : i32
      %dma_wait3A_1776 = tpu.memref_slice %arg4[%add3A_1764, %dma_wait3A_1775] : memref<204800x128xf32, #tpu.memory_space<hbm>> -> memref<32x128xf32, #tpu.memory_space<hbm>>
      %dma_wait3A_1777 = arith.constant 0 : i32
      %dma_wait3A_1778 = arith.constant 0 : i32
      %dma_wait3A_1779 = tpu.memref_slice %arg6[%dma_wait3A_1765, %dma_wait3A_1777, %dma_wait3A_1778] : memref<14x32x128xf32, #tpu.memory_space<vmem>> -> memref<1x32x128xf32, #tpu.memory_space<vmem>>
      %dma_wait3A_1780 = tpu.memref_squeeze %dma_wait3A_1779 : memref<1x32x128xf32, #tpu.memory_space<vmem>> -> memref<32x128xf32, #tpu.memory_space<vmem>>
      tpu.wait_dma2 semaphore(%dma_wait3A_1774 : memref<!tpu.dma_semaphore, #tpu.memory_space<semaphore_mem>>) src(%dma_wait3A_1780 : memref<32x128xf32, #tpu.memory_space<vmem>>) dst(%dma_wait3A_1776 : memref<32x128xf32, #tpu.memory_space<hbm>>)
      %add3A_1781 = arith.constant 14 : i32
      %add3A_1782 = arith.addi %add3A_1761, %add3A_1781 : i32
      %mul3A_1783 = arith.constant 32 : i32
      %mul3A_1784 = arith.muli %add3A_1782, %mul3A_1783 : i32
      %dma_start3A_1785 = arith.constant 3 : i32
      %dma_start3A_1786 = arith.constant 3 : i32
      %dma_start3A_1787 = arith.constant 0 : i32
      %dma_start3A_1788 = arith.constant 0 : i32
      %dma_start3A_1789 = tpu.memref_slice %arg6[%dma_start3A_1785, %dma_start3A_1787, %dma_start3A_1788] : memref<14x32x128xf32, #tpu.memory_space<vmem>> -> memref<1x32x128xf32, #tpu.memory_space<vmem>>
      %dma_start3A_1790 = tpu.memref_squeeze %dma_start3A_1789 : memref<1x32x128xf32, #tpu.memory_space<vmem>> -> memref<32x128xf32, #tpu.memory_space<vmem>>
      %dma_start3A_1791 = tpu.memref_slice %arg5[%mul3A_1784] : memref<6400xi32, #tpu.memory_space<vmem>> -> memref<32xi32, #tpu.memory_space<vmem>>
      %dma_start3A_1792 = arith.constant 0 : i32
      %dma_start3A_1793 = arith.constant 0 : i32
      %dma_start3A_1794 = tpu.memref_slice %arg3[%dma_start3A_1792, %dma_start3A_1793] : memref<100000x128xf32, #tpu.memory_space<hbm>> -> memref<100000x128xf32, #tpu.memory_space<hbm>>
      %dma_start3A_1795 = tpu.memref_slice %arg7[%dma_start3A_1786] : memref<14x!tpu.dma_semaphore, #tpu.memory_space<semaphore_mem>> -> memref<1x!tpu.dma_semaphore, #tpu.memory_space<semaphore_mem>>
      %dma_start3A_1796 = tpu.memref_squeeze %dma_start3A_1795 : memref<1x!tpu.dma_semaphore, #tpu.memory_space<semaphore_mem>> -> memref<!tpu.dma_semaphore, #tpu.memory_space<semaphore_mem>>
      tpu.enqueue_indirect_dma source(%dma_start3A_1794 : memref<100000x128xf32, #tpu.memory_space<hbm>>) target(%dma_start3A_1790 : memref<32x128xf32, #tpu.memory_space<vmem>>) offsets(%dma_start3A_1791 : memref<32xi32, #tpu.memory_space<vmem>>) semaphore(%dma_start3A_1796 : memref<!tpu.dma_semaphore, #tpu.memory_space<semaphore_mem>>)
      %mul3A_1797 = arith.constant 14 : i32
      %mul3A_1798 = arith.muli %scan3A_1122, %mul3A_1797 : i32
      %add3A_1799 = arith.constant 4 : i32
      %add3A_1800 = arith.addi %mul3A_1798, %add3A_1799 : i32
      %mul3A_1801 = arith.constant 32 : i32
      %mul3A_1802 = arith.muli %add3A_1800, %mul3A_1801 : i32
      %add3A_1803 = arith.addi %mul3A_2, %mul3A_1802 : i32
      %dma_wait3A_1804 = arith.constant 4 : i32
      %dma_wait3A_1805 = arith.constant 4 : i32
      %dma_wait3A_1806 = arith.constant 0 : i32
      %dma_wait3A_1807 = arith.constant 0 : i32
      %dma_wait3A_1808 = tpu.memref_slice %arg6[%dma_wait3A_1804, %dma_wait3A_1806, %dma_wait3A_1807] : memref<14x32x128xf32, #tpu.memory_space<vmem>> -> memref<1x32x128xf32, #tpu.memory_space<vmem>>
      %dma_wait3A_1809 = tpu.memref_squeeze %dma_wait3A_1808 : memref<1x32x128xf32, #tpu.memory_space<vmem>> -> memref<32x128xf32, #tpu.memory_space<vmem>>
      %dma_wait3A_1810 = arith.constant 0 : i32
      %dma_wait3A_1811 = tpu.memref_slice %arg4[%add3A_1803, %dma_wait3A_1810] : memref<204800x128xf32, #tpu.memory_space<hbm>> -> memref<32x128xf32, #tpu.memory_space<hbm>>
      %dma_wait3A_1812 = tpu.memref_slice %arg8[%dma_wait3A_1805] : memref<14x!tpu.dma_semaphore, #tpu.memory_space<semaphore_mem>> -> memref<1x!tpu.dma_semaphore, #tpu.memory_space<semaphore_mem>>
      %dma_wait3A_1813 = tpu.memref_squeeze %dma_wait3A_1812 : memref<1x!tpu.dma_semaphore, #tpu.memory_space<semaphore_mem>> -> memref<!tpu.dma_semaphore, #tpu.memory_space<semaphore_mem>>
      %dma_wait3A_1814 = arith.constant 0 : i32
      %dma_wait3A_1815 = tpu.memref_slice %arg4[%add3A_1803, %dma_wait3A_1814] : memref<204800x128xf32, #tpu.memory_space<hbm>> -> memref<32x128xf32, #tpu.memory_space<hbm>>
      %dma_wait3A_1816 = arith.constant 0 : i32
      %dma_wait3A_1817 = arith.constant 0 : i32
      %dma_wait3A_1818 = tpu.memref_slice %arg6[%dma_wait3A_1804, %dma_wait3A_1816, %dma_wait3A_1817] : memref<14x32x128xf32, #tpu.memory_space<vmem>> -> memref<1x32x128xf32, #tpu.memory_space<vmem>>
      %dma_wait3A_1819 = tpu.memref_squeeze %dma_wait3A_1818 : memref<1x32x128xf32, #tpu.memory_space<vmem>> -> memref<32x128xf32, #tpu.memory_space<vmem>>
      tpu.wait_dma2 semaphore(%dma_wait3A_1813 : memref<!tpu.dma_semaphore, #tpu.memory_space<semaphore_mem>>) src(%dma_wait3A_1819 : memref<32x128xf32, #tpu.memory_space<vmem>>) dst(%dma_wait3A_1815 : memref<32x128xf32, #tpu.memory_space<hbm>>)
      %add3A_1820 = arith.constant 14 : i32
      %add3A_1821 = arith.addi %add3A_1800, %add3A_1820 : i32
      %mul3A_1822 = arith.constant 32 : i32
      %mul3A_1823 = arith.muli %add3A_1821, %mul3A_1822 : i32
      %dma_start3A_1824 = arith.constant 4 : i32
      %dma_start3A_1825 = arith.constant 4 : i32
      %dma_start3A_1826 = arith.constant 0 : i32
      %dma_start3A_1827 = arith.constant 0 : i32
      %dma_start3A_1828 = tpu.memref_slice %arg6[%dma_start3A_1824, %dma_start3A_1826, %dma_start3A_1827] : memref<14x32x128xf32, #tpu.memory_space<vmem>> -> memref<1x32x128xf32, #tpu.memory_space<vmem>>
      %dma_start3A_1829 = tpu.memref_squeeze %dma_start3A_1828 : memref<1x32x128xf32, #tpu.memory_space<vmem>> -> memref<32x128xf32, #tpu.memory_space<vmem>>
      %dma_start3A_1830 = tpu.memref_slice %arg5[%mul3A_1823] : memref<6400xi32, #tpu.memory_space<vmem>> -> memref<32xi32, #tpu.memory_space<vmem>>
      %dma_start3A_1831 = arith.constant 0 : i32
      %dma_start3A_1832 = arith.constant 0 : i32
      %dma_start3A_1833 = tpu.memref_slice %arg3[%dma_start3A_1831, %dma_start3A_1832] : memref<100000x128xf32, #tpu.memory_space<hbm>> -> memref<100000x128xf32, #tpu.memory_space<hbm>>
      %dma_start3A_1834 = tpu.memref_slice %arg7[%dma_start3A_1825] : memref<14x!tpu.dma_semaphore, #tpu.memory_space<semaphore_mem>> -> memref<1x!tpu.dma_semaphore, #tpu.memory_space<semaphore_mem>>
      %dma_start3A_1835 = tpu.memref_squeeze %dma_start3A_1834 : memref<1x!tpu.dma_semaphore, #tpu.memory_space<semaphore_mem>> -> memref<!tpu.dma_semaphore, #tpu.memory_space<semaphore_mem>>
      tpu.enqueue_indirect_dma source(%dma_start3A_1833 : memref<100000x128xf32, #tpu.memory_space<hbm>>) target(%dma_start3A_1829 : memref<32x128xf32, #tpu.memory_space<vmem>>) offsets(%dma_start3A_1830 : memref<32xi32, #tpu.memory_space<vmem>>) semaphore(%dma_start3A_1835 : memref<!tpu.dma_semaphore, #tpu.memory_space<semaphore_mem>>)
      %mul3A_1836 = arith.constant 14 : i32
      %mul3A_1837 = arith.muli %scan3A_1122, %mul3A_1836 : i32
      %add3A_1838 = arith.constant 5 : i32
      %add3A_1839 = arith.addi %mul3A_1837, %add3A_1838 : i32
      %mul3A_1840 = arith.constant 32 : i32
      %mul3A_1841 = arith.muli %add3A_1839, %mul3A_1840 : i32
      %add3A_1842 = arith.addi %mul3A_2, %mul3A_1841 : i32
      %dma_wait3A_1843 = arith.constant 5 : i32
      %dma_wait3A_1844 = arith.constant 5 : i32
      %dma_wait3A_1845 = arith.constant 0 : i32
      %dma_wait3A_1846 = arith.constant 0 : i32
      %dma_wait3A_1847 = tpu.memref_slice %arg6[%dma_wait3A_1843, %dma_wait3A_1845, %dma_wait3A_1846] : memref<14x32x128xf32, #tpu.memory_space<vmem>> -> memref<1x32x128xf32, #tpu.memory_space<vmem>>
      %dma_wait3A_1848 = tpu.memref_squeeze %dma_wait3A_1847 : memref<1x32x128xf32, #tpu.memory_space<vmem>> -> memref<32x128xf32, #tpu.memory_space<vmem>>
      %dma_wait3A_1849 = arith.constant 0 : i32
      %dma_wait3A_1850 = tpu.memref_slice %arg4[%add3A_1842, %dma_wait3A_1849] : memref<204800x128xf32, #tpu.memory_space<hbm>> -> memref<32x128xf32, #tpu.memory_space<hbm>>
      %dma_wait3A_1851 = tpu.memref_slice %arg8[%dma_wait3A_1844] : memref<14x!tpu.dma_semaphore, #tpu.memory_space<semaphore_mem>> -> memref<1x!tpu.dma_semaphore, #tpu.memory_space<semaphore_mem>>
      %dma_wait3A_1852 = tpu.memref_squeeze %dma_wait3A_1851 : memref<1x!tpu.dma_semaphore, #tpu.memory_space<semaphore_mem>> -> memref<!tpu.dma_semaphore, #tpu.memory_space<semaphore_mem>>
      %dma_wait3A_1853 = arith.constant 0 : i32
      %dma_wait3A_1854 = tpu.memref_slice %arg4[%add3A_1842, %dma_wait3A_1853] : memref<204800x128xf32, #tpu.memory_space<hbm>> -> memref<32x128xf32, #tpu.memory_space<hbm>>
      %dma_wait3A_1855 = arith.constant 0 : i32
      %dma_wait3A_1856 = arith.constant 0 : i32
      %dma_wait3A_1857 = tpu.memref_slice %arg6[%dma_wait3A_1843, %dma_wait3A_1855, %dma_wait3A_1856] : memref<14x32x128xf32, #tpu.memory_space<vmem>> -> memref<1x32x128xf32, #tpu.memory_space<vmem>>
      %dma_wait3A_1858 = tpu.memref_squeeze %dma_wait3A_1857 : memref<1x32x128xf32, #tpu.memory_space<vmem>> -> memref<32x128xf32, #tpu.memory_space<vmem>>
      tpu.wait_dma2 semaphore(%dma_wait3A_1852 : memref<!tpu.dma_semaphore, #tpu.memory_space<semaphore_mem>>) src(%dma_wait3A_1858 : memref<32x128xf32, #tpu.memory_space<vmem>>) dst(%dma_wait3A_1854 : memref<32x128xf32, #tpu.memory_space<hbm>>)
      %add3A_1859 = arith.constant 14 : i32
      %add3A_1860 = arith.addi %add3A_1839, %add3A_1859 : i32
      %mul3A_1861 = arith.constant 32 : i32
      %mul3A_1862 = arith.muli %add3A_1860, %mul3A_1861 : i32
      %dma_start3A_1863 = arith.constant 5 : i32
      %dma_start3A_1864 = arith.constant 5 : i32
      %dma_start3A_1865 = arith.constant 0 : i32
      %dma_start3A_1866 = arith.constant 0 : i32
      %dma_start3A_1867 = tpu.memref_slice %arg6[%dma_start3A_1863, %dma_start3A_1865, %dma_start3A_1866] : memref<14x32x128xf32, #tpu.memory_space<vmem>> -> memref<1x32x128xf32, #tpu.memory_space<vmem>>
      %dma_start3A_1868 = tpu.memref_squeeze %dma_start3A_1867 : memref<1x32x128xf32, #tpu.memory_space<vmem>> -> memref<32x128xf32, #tpu.memory_space<vmem>>
      %dma_start3A_1869 = tpu.memref_slice %arg5[%mul3A_1862] : memref<6400xi32, #tpu.memory_space<vmem>> -> memref<32xi32, #tpu.memory_space<vmem>>
      %dma_start3A_1870 = arith.constant 0 : i32
      %dma_start3A_1871 = arith.constant 0 : i32
      %dma_start3A_1872 = tpu.memref_slice %arg3[%dma_start3A_1870, %dma_start3A_1871] : memref<100000x128xf32, #tpu.memory_space<hbm>> -> memref<100000x128xf32, #tpu.memory_space<hbm>>
      %dma_start3A_1873 = tpu.memref_slice %arg7[%dma_start3A_1864] : memref<14x!tpu.dma_semaphore, #tpu.memory_space<semaphore_mem>> -> memref<1x!tpu.dma_semaphore, #tpu.memory_space<semaphore_mem>>
      %dma_start3A_1874 = tpu.memref_squeeze %dma_start3A_1873 : memref<1x!tpu.dma_semaphore, #tpu.memory_space<semaphore_mem>> -> memref<!tpu.dma_semaphore, #tpu.memory_space<semaphore_mem>>
      tpu.enqueue_indirect_dma source(%dma_start3A_1872 : memref<100000x128xf32, #tpu.memory_space<hbm>>) target(%dma_start3A_1868 : memref<32x128xf32, #tpu.memory_space<vmem>>) offsets(%dma_start3A_1869 : memref<32xi32, #tpu.memory_space<vmem>>) semaphore(%dma_start3A_1874 : memref<!tpu.dma_semaphore, #tpu.memory_space<semaphore_mem>>)
      %mul3A_1875 = arith.constant 14 : i32
      %mul3A_1876 = arith.muli %scan3A_1122, %mul3A_1875 : i32
      %add3A_1877 = arith.constant 6 : i32
      %add3A_1878 = arith.addi %mul3A_1876, %add3A_1877 : i32
      %mul3A_1879 = arith.constant 32 : i32
      %mul3A_1880 = arith.muli %add3A_1878, %mul3A_1879 : i32
      %add3A_1881 = arith.addi %mul3A_2, %mul3A_1880 : i32
      %dma_wait3A_1882 = arith.constant 6 : i32
      %dma_wait3A_1883 = arith.constant 6 : i32
      %dma_wait3A_1884 = arith.constant 0 : i32
      %dma_wait3A_1885 = arith.constant 0 : i32
      %dma_wait3A_1886 = tpu.memref_slice %arg6[%dma_wait3A_1882, %dma_wait3A_1884, %dma_wait3A_1885] : memref<14x32x128xf32, #tpu.memory_space<vmem>> -> memref<1x32x128xf32, #tpu.memory_space<vmem>>
      %dma_wait3A_1887 = tpu.memref_squeeze %dma_wait3A_1886 : memref<1x32x128xf32, #tpu.memory_space<vmem>> -> memref<32x128xf32, #tpu.memory_space<vmem>>
      %dma_wait3A_1888 = arith.constant 0 : i32
      %dma_wait3A_1889 = tpu.memref_slice %arg4[%add3A_1881, %dma_wait3A_1888] : memref<204800x128xf32, #tpu.memory_space<hbm>> -> memref<32x128xf32, #tpu.memory_space<hbm>>
      %dma_wait3A_1890 = tpu.memref_slice %arg8[%dma_wait3A_1883] : memref<14x!tpu.dma_semaphore, #tpu.memory_space<semaphore_mem>> -> memref<1x!tpu.dma_semaphore, #tpu.memory_space<semaphore_mem>>
      %dma_wait3A_1891 = tpu.memref_squeeze %dma_wait3A_1890 : memref<1x!tpu.dma_semaphore, #tpu.memory_space<semaphore_mem>> -> memref<!tpu.dma_semaphore, #tpu.memory_space<semaphore_mem>>
      %dma_wait3A_1892 = arith.constant 0 : i32
      %dma_wait3A_1893 = tpu.memref_slice %arg4[%add3A_1881, %dma_wait3A_1892] : memref<204800x128xf32, #tpu.memory_space<hbm>> -> memref<32x128xf32, #tpu.memory_space<hbm>>
      %dma_wait3A_1894 = arith.constant 0 : i32
      %dma_wait3A_1895 = arith.constant 0 : i32
      %dma_wait3A_1896 = tpu.memref_slice %arg6[%dma_wait3A_1882, %dma_wait3A_1894, %dma_wait3A_1895] : memref<14x32x128xf32, #tpu.memory_space<vmem>> -> memref<1x32x128xf32, #tpu.memory_space<vmem>>
      %dma_wait3A_1897 = tpu.memref_squeeze %dma_wait3A_1896 : memref<1x32x128xf32, #tpu.memory_space<vmem>> -> memref<32x128xf32, #tpu.memory_space<vmem>>
      tpu.wait_dma2 semaphore(%dma_wait3A_1891 : memref<!tpu.dma_semaphore, #tpu.memory_space<semaphore_mem>>) src(%dma_wait3A_1897 : memref<32x128xf32, #tpu.memory_space<vmem>>) dst(%dma_wait3A_1893 : memref<32x128xf32, #tpu.memory_space<hbm>>)
      %add3A_1898 = arith.constant 14 : i32
      %add3A_1899 = arith.addi %add3A_1878, %add3A_1898 : i32
      %mul3A_1900 = arith.constant 32 : i32
      %mul3A_1901 = arith.muli %add3A_1899, %mul3A_1900 : i32
      %dma_start3A_1902 = arith.constant 6 : i32
      %dma_start3A_1903 = arith.constant 6 : i32
      %dma_start3A_1904 = arith.constant 0 : i32
      %dma_start3A_1905 = arith.constant 0 : i32
      %dma_start3A_1906 = tpu.memref_slice %arg6[%dma_start3A_1902, %dma_start3A_1904, %dma_start3A_1905] : memref<14x32x128xf32, #tpu.memory_space<vmem>> -> memref<1x32x128xf32, #tpu.memory_space<vmem>>
      %dma_start3A_1907 = tpu.memref_squeeze %dma_start3A_1906 : memref<1x32x128xf32, #tpu.memory_space<vmem>> -> memref<32x128xf32, #tpu.memory_space<vmem>>
      %dma_start3A_1908 = tpu.memref_slice %arg5[%mul3A_1901] : memref<6400xi32, #tpu.memory_space<vmem>> -> memref<32xi32, #tpu.memory_space<vmem>>
      %dma_start3A_1909 = arith.constant 0 : i32
      %dma_start3A_1910 = arith.constant 0 : i32
      %dma_start3A_1911 = tpu.memref_slice %arg3[%dma_start3A_1909, %dma_start3A_1910] : memref<100000x128xf32, #tpu.memory_space<hbm>> -> memref<100000x128xf32, #tpu.memory_space<hbm>>
      %dma_start3A_1912 = tpu.memref_slice %arg7[%dma_start3A_1903] : memref<14x!tpu.dma_semaphore, #tpu.memory_space<semaphore_mem>> -> memref<1x!tpu.dma_semaphore, #tpu.memory_space<semaphore_mem>>
      %dma_start3A_1913 = tpu.memref_squeeze %dma_start3A_1912 : memref<1x!tpu.dma_semaphore, #tpu.memory_space<semaphore_mem>> -> memref<!tpu.dma_semaphore, #tpu.memory_space<semaphore_mem>>
      tpu.enqueue_indirect_dma source(%dma_start3A_1911 : memref<100000x128xf32, #tpu.memory_space<hbm>>) target(%dma_start3A_1907 : memref<32x128xf32, #tpu.memory_space<vmem>>) offsets(%dma_start3A_1908 : memref<32xi32, #tpu.memory_space<vmem>>) semaphore(%dma_start3A_1913 : memref<!tpu.dma_semaphore, #tpu.memory_space<semaphore_mem>>)
      %mul3A_1914 = arith.constant 14 : i32
      %mul3A_1915 = arith.muli %scan3A_1122, %mul3A_1914 : i32
      %add3A_1916 = arith.constant 7 : i32
      %add3A_1917 = arith.addi %mul3A_1915, %add3A_1916 : i32
      %mul3A_1918 = arith.constant 32 : i32
      %mul3A_1919 = arith.muli %add3A_1917, %mul3A_1918 : i32
      %add3A_1920 = arith.addi %mul3A_2, %mul3A_1919 : i32
      %dma_wait3A_1921 = arith.constant 7 : i32
      %dma_wait3A_1922 = arith.constant 7 : i32
      %dma_wait3A_1923 = arith.constant 0 : i32
      %dma_wait3A_1924 = arith.constant 0 : i32
      %dma_wait3A_1925 = tpu.memref_slice %arg6[%dma_wait3A_1921, %dma_wait3A_1923, %dma_wait3A_1924] : memref<14x32x128xf32, #tpu.memory_space<vmem>> -> memref<1x32x128xf32, #tpu.memory_space<vmem>>
      %dma_wait3A_1926 = tpu.memref_squeeze %dma_wait3A_1925 : memref<1x32x128xf32, #tpu.memory_space<vmem>> -> memref<32x128xf32, #tpu.memory_space<vmem>>
      %dma_wait3A_1927 = arith.constant 0 : i32
      %dma_wait3A_1928 = tpu.memref_slice %arg4[%add3A_1920, %dma_wait3A_1927] : memref<204800x128xf32, #tpu.memory_space<hbm>> -> memref<32x128xf32, #tpu.memory_space<hbm>>
      %dma_wait3A_1929 = tpu.memref_slice %arg8[%dma_wait3A_1922] : memref<14x!tpu.dma_semaphore, #tpu.memory_space<semaphore_mem>> -> memref<1x!tpu.dma_semaphore, #tpu.memory_space<semaphore_mem>>
      %dma_wait3A_1930 = tpu.memref_squeeze %dma_wait3A_1929 : memref<1x!tpu.dma_semaphore, #tpu.memory_space<semaphore_mem>> -> memref<!tpu.dma_semaphore, #tpu.memory_space<semaphore_mem>>
      %dma_wait3A_1931 = arith.constant 0 : i32
      %dma_wait3A_1932 = tpu.memref_slice %arg4[%add3A_1920, %dma_wait3A_1931] : memref<204800x128xf32, #tpu.memory_space<hbm>> -> memref<32x128xf32, #tpu.memory_space<hbm>>
      %dma_wait3A_1933 = arith.constant 0 : i32
      %dma_wait3A_1934 = arith.constant 0 : i32
      %dma_wait3A_1935 = tpu.memref_slice %arg6[%dma_wait3A_1921, %dma_wait3A_1933, %dma_wait3A_1934] : memref<14x32x128xf32, #tpu.memory_space<vmem>> -> memref<1x32x128xf32, #tpu.memory_space<vmem>>
      %dma_wait3A_1936 = tpu.memref_squeeze %dma_wait3A_1935 : memref<1x32x128xf32, #tpu.memory_space<vmem>> -> memref<32x128xf32, #tpu.memory_space<vmem>>
      tpu.wait_dma2 semaphore(%dma_wait3A_1930 : memref<!tpu.dma_semaphore, #tpu.memory_space<semaphore_mem>>) src(%dma_wait3A_1936 : memref<32x128xf32, #tpu.memory_space<vmem>>) dst(%dma_wait3A_1932 : memref<32x128xf32, #tpu.memory_space<hbm>>)
      %add3A_1937 = arith.constant 14 : i32
      %add3A_1938 = arith.addi %add3A_1917, %add3A_1937 : i32
      %mul3A_1939 = arith.constant 32 : i32
      %mul3A_1940 = arith.muli %add3A_1938, %mul3A_1939 : i32
      %dma_start3A_1941 = arith.constant 7 : i32
      %dma_start3A_1942 = arith.constant 7 : i32
      %dma_start3A_1943 = arith.constant 0 : i32
      %dma_start3A_1944 = arith.constant 0 : i32
      %dma_start3A_1945 = tpu.memref_slice %arg6[%dma_start3A_1941, %dma_start3A_1943, %dma_start3A_1944] : memref<14x32x128xf32, #tpu.memory_space<vmem>> -> memref<1x32x128xf32, #tpu.memory_space<vmem>>
      %dma_start3A_1946 = tpu.memref_squeeze %dma_start3A_1945 : memref<1x32x128xf32, #tpu.memory_space<vmem>> -> memref<32x128xf32, #tpu.memory_space<vmem>>
      %dma_start3A_1947 = tpu.memref_slice %arg5[%mul3A_1940] : memref<6400xi32, #tpu.memory_space<vmem>> -> memref<32xi32, #tpu.memory_space<vmem>>
      %dma_start3A_1948 = arith.constant 0 : i32
      %dma_start3A_1949 = arith.constant 0 : i32
      %dma_start3A_1950 = tpu.memref_slice %arg3[%dma_start3A_1948, %dma_start3A_1949] : memref<100000x128xf32, #tpu.memory_space<hbm>> -> memref<100000x128xf32, #tpu.memory_space<hbm>>
      %dma_start3A_1951 = tpu.memref_slice %arg7[%dma_start3A_1942] : memref<14x!tpu.dma_semaphore, #tpu.memory_space<semaphore_mem>> -> memref<1x!tpu.dma_semaphore, #tpu.memory_space<semaphore_mem>>
      %dma_start3A_1952 = tpu.memref_squeeze %dma_start3A_1951 : memref<1x!tpu.dma_semaphore, #tpu.memory_space<semaphore_mem>> -> memref<!tpu.dma_semaphore, #tpu.memory_space<semaphore_mem>>
      tpu.enqueue_indirect_dma source(%dma_start3A_1950 : memref<100000x128xf32, #tpu.memory_space<hbm>>) target(%dma_start3A_1946 : memref<32x128xf32, #tpu.memory_space<vmem>>) offsets(%dma_start3A_1947 : memref<32xi32, #tpu.memory_space<vmem>>) semaphore(%dma_start3A_1952 : memref<!tpu.dma_semaphore, #tpu.memory_space<semaphore_mem>>)
      %mul3A_1953 = arith.constant 14 : i32
      %mul3A_1954 = arith.muli %scan3A_1122, %mul3A_1953 : i32
      %add3A_1955 = arith.constant 8 : i32
      %add3A_1956 = arith.addi %mul3A_1954, %add3A_1955 : i32
      %mul3A_1957 = arith.constant 32 : i32
      %mul3A_1958 = arith.muli %add3A_1956, %mul3A_1957 : i32
      %add3A_1959 = arith.addi %mul3A_2, %mul3A_1958 : i32
      %dma_wait3A_1960 = arith.constant 8 : i32
      %dma_wait3A_1961 = arith.constant 8 : i32
      %dma_wait3A_1962 = arith.constant 0 : i32
      %dma_wait3A_1963 = arith.constant 0 : i32
      %dma_wait3A_1964 = tpu.memref_slice %arg6[%dma_wait3A_1960, %dma_wait3A_1962, %dma_wait3A_1963] : memref<14x32x128xf32, #tpu.memory_space<vmem>> -> memref<1x32x128xf32, #tpu.memory_space<vmem>>
      %dma_wait3A_1965 = tpu.memref_squeeze %dma_wait3A_1964 : memref<1x32x128xf32, #tpu.memory_space<vmem>> -> memref<32x128xf32, #tpu.memory_space<vmem>>
      %dma_wait3A_1966 = arith.constant 0 : i32
      %dma_wait3A_1967 = tpu.memref_slice %arg4[%add3A_1959, %dma_wait3A_1966] : memref<204800x128xf32, #tpu.memory_space<hbm>> -> memref<32x128xf32, #tpu.memory_space<hbm>>
      %dma_wait3A_1968 = tpu.memref_slice %arg8[%dma_wait3A_1961] : memref<14x!tpu.dma_semaphore, #tpu.memory_space<semaphore_mem>> -> memref<1x!tpu.dma_semaphore, #tpu.memory_space<semaphore_mem>>
      %dma_wait3A_1969 = tpu.memref_squeeze %dma_wait3A_1968 : memref<1x!tpu.dma_semaphore, #tpu.memory_space<semaphore_mem>> -> memref<!tpu.dma_semaphore, #tpu.memory_space<semaphore_mem>>
      %dma_wait3A_1970 = arith.constant 0 : i32
      %dma_wait3A_1971 = tpu.memref_slice %arg4[%add3A_1959, %dma_wait3A_1970] : memref<204800x128xf32, #tpu.memory_space<hbm>> -> memref<32x128xf32, #tpu.memory_space<hbm>>
      %dma_wait3A_1972 = arith.constant 0 : i32
      %dma_wait3A_1973 = arith.constant 0 : i32
      %dma_wait3A_1974 = tpu.memref_slice %arg6[%dma_wait3A_1960, %dma_wait3A_1972, %dma_wait3A_1973] : memref<14x32x128xf32, #tpu.memory_space<vmem>> -> memref<1x32x128xf32, #tpu.memory_space<vmem>>
      %dma_wait3A_1975 = tpu.memref_squeeze %dma_wait3A_1974 : memref<1x32x128xf32, #tpu.memory_space<vmem>> -> memref<32x128xf32, #tpu.memory_space<vmem>>
      tpu.wait_dma2 semaphore(%dma_wait3A_1969 : memref<!tpu.dma_semaphore, #tpu.memory_space<semaphore_mem>>) src(%dma_wait3A_1975 : memref<32x128xf32, #tpu.memory_space<vmem>>) dst(%dma_wait3A_1971 : memref<32x128xf32, #tpu.memory_space<hbm>>)
      %add3A_1976 = arith.constant 14 : i32
      %add3A_1977 = arith.addi %add3A_1956, %add3A_1976 : i32
      %mul3A_1978 = arith.constant 32 : i32
      %mul3A_1979 = arith.muli %add3A_1977, %mul3A_1978 : i32
      %dma_start3A_1980 = arith.constant 8 : i32
      %dma_start3A_1981 = arith.constant 8 : i32
      %dma_start3A_1982 = arith.constant 0 : i32
      %dma_start3A_1983 = arith.constant 0 : i32
      %dma_start3A_1984 = tpu.memref_slice %arg6[%dma_start3A_1980, %dma_start3A_1982, %dma_start3A_1983] : memref<14x32x128xf32, #tpu.memory_space<vmem>> -> memref<1x32x128xf32, #tpu.memory_space<vmem>>
      %dma_start3A_1985 = tpu.memref_squeeze %dma_start3A_1984 : memref<1x32x128xf32, #tpu.memory_space<vmem>> -> memref<32x128xf32, #tpu.memory_space<vmem>>
      %dma_start3A_1986 = tpu.memref_slice %arg5[%mul3A_1979] : memref<6400xi32, #tpu.memory_space<vmem>> -> memref<32xi32, #tpu.memory_space<vmem>>
      %dma_start3A_1987 = arith.constant 0 : i32
      %dma_start3A_1988 = arith.constant 0 : i32
      %dma_start3A_1989 = tpu.memref_slice %arg3[%dma_start3A_1987, %dma_start3A_1988] : memref<100000x128xf32, #tpu.memory_space<hbm>> -> memref<100000x128xf32, #tpu.memory_space<hbm>>
      %dma_start3A_1990 = tpu.memref_slice %arg7[%dma_start3A_1981] : memref<14x!tpu.dma_semaphore, #tpu.memory_space<semaphore_mem>> -> memref<1x!tpu.dma_semaphore, #tpu.memory_space<semaphore_mem>>
      %dma_start3A_1991 = tpu.memref_squeeze %dma_start3A_1990 : memref<1x!tpu.dma_semaphore, #tpu.memory_space<semaphore_mem>> -> memref<!tpu.dma_semaphore, #tpu.memory_space<semaphore_mem>>
      tpu.enqueue_indirect_dma source(%dma_start3A_1989 : memref<100000x128xf32, #tpu.memory_space<hbm>>) target(%dma_start3A_1985 : memref<32x128xf32, #tpu.memory_space<vmem>>) offsets(%dma_start3A_1986 : memref<32xi32, #tpu.memory_space<vmem>>) semaphore(%dma_start3A_1991 : memref<!tpu.dma_semaphore, #tpu.memory_space<semaphore_mem>>)
      %mul3A_1992 = arith.constant 14 : i32
      %mul3A_1993 = arith.muli %scan3A_1122, %mul3A_1992 : i32
      %add3A_1994 = arith.constant 9 : i32
      %add3A_1995 = arith.addi %mul3A_1993, %add3A_1994 : i32
      %mul3A_1996 = arith.constant 32 : i32
      %mul3A_1997 = arith.muli %add3A_1995, %mul3A_1996 : i32
      %add3A_1998 = arith.addi %mul3A_2, %mul3A_1997 : i32
      %dma_wait3A_1999 = arith.constant 9 : i32
      %dma_wait3A_2000 = arith.constant 9 : i32
      %dma_wait3A_2001 = arith.constant 0 : i32
      %dma_wait3A_2002 = arith.constant 0 : i32
      %dma_wait3A_2003 = tpu.memref_slice %arg6[%dma_wait3A_1999, %dma_wait3A_2001, %dma_wait3A_2002] : memref<14x32x128xf32, #tpu.memory_space<vmem>> -> memref<1x32x128xf32, #tpu.memory_space<vmem>>
      %dma_wait3A_2004 = tpu.memref_squeeze %dma_wait3A_2003 : memref<1x32x128xf32, #tpu.memory_space<vmem>> -> memref<32x128xf32, #tpu.memory_space<vmem>>
      %dma_wait3A_2005 = arith.constant 0 : i32
      %dma_wait3A_2006 = tpu.memref_slice %arg4[%add3A_1998, %dma_wait3A_2005] : memref<204800x128xf32, #tpu.memory_space<hbm>> -> memref<32x128xf32, #tpu.memory_space<hbm>>
      %dma_wait3A_2007 = tpu.memref_slice %arg8[%dma_wait3A_2000] : memref<14x!tpu.dma_semaphore, #tpu.memory_space<semaphore_mem>> -> memref<1x!tpu.dma_semaphore, #tpu.memory_space<semaphore_mem>>
      %dma_wait3A_2008 = tpu.memref_squeeze %dma_wait3A_2007 : memref<1x!tpu.dma_semaphore, #tpu.memory_space<semaphore_mem>> -> memref<!tpu.dma_semaphore, #tpu.memory_space<semaphore_mem>>
      %dma_wait3A_2009 = arith.constant 0 : i32
      %dma_wait3A_2010 = tpu.memref_slice %arg4[%add3A_1998, %dma_wait3A_2009] : memref<204800x128xf32, #tpu.memory_space<hbm>> -> memref<32x128xf32, #tpu.memory_space<hbm>>
      %dma_wait3A_2011 = arith.constant 0 : i32
      %dma_wait3A_2012 = arith.constant 0 : i32
      %dma_wait3A_2013 = tpu.memref_slice %arg6[%dma_wait3A_1999, %dma_wait3A_2011, %dma_wait3A_2012] : memref<14x32x128xf32, #tpu.memory_space<vmem>> -> memref<1x32x128xf32, #tpu.memory_space<vmem>>
      %dma_wait3A_2014 = tpu.memref_squeeze %dma_wait3A_2013 : memref<1x32x128xf32, #tpu.memory_space<vmem>> -> memref<32x128xf32, #tpu.memory_space<vmem>>
      tpu.wait_dma2 semaphore(%dma_wait3A_2008 : memref<!tpu.dma_semaphore, #tpu.memory_space<semaphore_mem>>) src(%dma_wait3A_2014 : memref<32x128xf32, #tpu.memory_space<vmem>>) dst(%dma_wait3A_2010 : memref<32x128xf32, #tpu.memory_space<hbm>>)
      %add3A_2015 = arith.constant 14 : i32
      %add3A_2016 = arith.addi %add3A_1995, %add3A_2015 : i32
      %mul3A_2017 = arith.constant 32 : i32
      %mul3A_2018 = arith.muli %add3A_2016, %mul3A_2017 : i32
      %dma_start3A_2019 = arith.constant 9 : i32
      %dma_start3A_2020 = arith.constant 9 : i32
      %dma_start3A_2021 = arith.constant 0 : i32
      %dma_start3A_2022 = arith.constant 0 : i32
      %dma_start3A_2023 = tpu.memref_slice %arg6[%dma_start3A_2019, %dma_start3A_2021, %dma_start3A_2022] : memref<14x32x128xf32, #tpu.memory_space<vmem>> -> memref<1x32x128xf32, #tpu.memory_space<vmem>>
      %dma_start3A_2024 = tpu.memref_squeeze %dma_start3A_2023 : memref<1x32x128xf32, #tpu.memory_space<vmem>> -> memref<32x128xf32, #tpu.memory_space<vmem>>
      %dma_start3A_2025 = tpu.memref_slice %arg5[%mul3A_2018] : memref<6400xi32, #tpu.memory_space<vmem>> -> memref<32xi32, #tpu.memory_space<vmem>>
      %dma_start3A_2026 = arith.constant 0 : i32
      %dma_start3A_2027 = arith.constant 0 : i32
      %dma_start3A_2028 = tpu.memref_slice %arg3[%dma_start3A_2026, %dma_start3A_2027] : memref<100000x128xf32, #tpu.memory_space<hbm>> -> memref<100000x128xf32, #tpu.memory_space<hbm>>
      %dma_start3A_2029 = tpu.memref_slice %arg7[%dma_start3A_2020] : memref<14x!tpu.dma_semaphore, #tpu.memory_space<semaphore_mem>> -> memref<1x!tpu.dma_semaphore, #tpu.memory_space<semaphore_mem>>
      %dma_start3A_2030 = tpu.memref_squeeze %dma_start3A_2029 : memref<1x!tpu.dma_semaphore, #tpu.memory_space<semaphore_mem>> -> memref<!tpu.dma_semaphore, #tpu.memory_space<semaphore_mem>>
      tpu.enqueue_indirect_dma source(%dma_start3A_2028 : memref<100000x128xf32, #tpu.memory_space<hbm>>) target(%dma_start3A_2024 : memref<32x128xf32, #tpu.memory_space<vmem>>) offsets(%dma_start3A_2025 : memref<32xi32, #tpu.memory_space<vmem>>) semaphore(%dma_start3A_2030 : memref<!tpu.dma_semaphore, #tpu.memory_space<semaphore_mem>>)
      %mul3A_2031 = arith.constant 14 : i32
      %mul3A_2032 = arith.muli %scan3A_1122, %mul3A_2031 : i32
      %add3A_2033 = arith.constant 10 : i32
      %add3A_2034 = arith.addi %mul3A_2032, %add3A_2033 : i32
      %mul3A_2035 = arith.constant 32 : i32
      %mul3A_2036 = arith.muli %add3A_2034, %mul3A_2035 : i32
      %add3A_2037 = arith.addi %mul3A_2, %mul3A_2036 : i32
      %dma_wait3A_2038 = arith.constant 10 : i32
      %dma_wait3A_2039 = arith.constant 10 : i32
      %dma_wait3A_2040 = arith.constant 0 : i32
      %dma_wait3A_2041 = arith.constant 0 : i32
      %dma_wait3A_2042 = tpu.memref_slice %arg6[%dma_wait3A_2038, %dma_wait3A_2040, %dma_wait3A_2041] : memref<14x32x128xf32, #tpu.memory_space<vmem>> -> memref<1x32x128xf32, #tpu.memory_space<vmem>>
      %dma_wait3A_2043 = tpu.memref_squeeze %dma_wait3A_2042 : memref<1x32x128xf32, #tpu.memory_space<vmem>> -> memref<32x128xf32, #tpu.memory_space<vmem>>
      %dma_wait3A_2044 = arith.constant 0 : i32
      %dma_wait3A_2045 = tpu.memref_slice %arg4[%add3A_2037, %dma_wait3A_2044] : memref<204800x128xf32, #tpu.memory_space<hbm>> -> memref<32x128xf32, #tpu.memory_space<hbm>>
      %dma_wait3A_2046 = tpu.memref_slice %arg8[%dma_wait3A_2039] : memref<14x!tpu.dma_semaphore, #tpu.memory_space<semaphore_mem>> -> memref<1x!tpu.dma_semaphore, #tpu.memory_space<semaphore_mem>>
      %dma_wait3A_2047 = tpu.memref_squeeze %dma_wait3A_2046 : memref<1x!tpu.dma_semaphore, #tpu.memory_space<semaphore_mem>> -> memref<!tpu.dma_semaphore, #tpu.memory_space<semaphore_mem>>
      %dma_wait3A_2048 = arith.constant 0 : i32
      %dma_wait3A_2049 = tpu.memref_slice %arg4[%add3A_2037, %dma_wait3A_2048] : memref<204800x128xf32, #tpu.memory_space<hbm>> -> memref<32x128xf32, #tpu.memory_space<hbm>>
      %dma_wait3A_2050 = arith.constant 0 : i32
      %dma_wait3A_2051 = arith.constant 0 : i32
      %dma_wait3A_2052 = tpu.memref_slice %arg6[%dma_wait3A_2038, %dma_wait3A_2050, %dma_wait3A_2051] : memref<14x32x128xf32, #tpu.memory_space<vmem>> -> memref<1x32x128xf32, #tpu.memory_space<vmem>>
      %dma_wait3A_2053 = tpu.memref_squeeze %dma_wait3A_2052 : memref<1x32x128xf32, #tpu.memory_space<vmem>> -> memref<32x128xf32, #tpu.memory_space<vmem>>
      tpu.wait_dma2 semaphore(%dma_wait3A_2047 : memref<!tpu.dma_semaphore, #tpu.memory_space<semaphore_mem>>) src(%dma_wait3A_2053 : memref<32x128xf32, #tpu.memory_space<vmem>>) dst(%dma_wait3A_2049 : memref<32x128xf32, #tpu.memory_space<hbm>>)
      %add3A_2054 = arith.constant 14 : i32
      %add3A_2055 = arith.addi %add3A_2034, %add3A_2054 : i32
      %mul3A_2056 = arith.constant 32 : i32
      %mul3A_2057 = arith.muli %add3A_2055, %mul3A_2056 : i32
      %dma_start3A_2058 = arith.constant 10 : i32
      %dma_start3A_2059 = arith.constant 10 : i32
      %dma_start3A_2060 = arith.constant 0 : i32
      %dma_start3A_2061 = arith.constant 0 : i32
      %dma_start3A_2062 = tpu.memref_slice %arg6[%dma_start3A_2058, %dma_start3A_2060, %dma_start3A_2061] : memref<14x32x128xf32, #tpu.memory_space<vmem>> -> memref<1x32x128xf32, #tpu.memory_space<vmem>>
      %dma_start3A_2063 = tpu.memref_squeeze %dma_start3A_2062 : memref<1x32x128xf32, #tpu.memory_space<vmem>> -> memref<32x128xf32, #tpu.memory_space<vmem>>
      %dma_start3A_2064 = tpu.memref_slice %arg5[%mul3A_2057] : memref<6400xi32, #tpu.memory_space<vmem>> -> memref<32xi32, #tpu.memory_space<vmem>>
      %dma_start3A_2065 = arith.constant 0 : i32
      %dma_start3A_2066 = arith.constant 0 : i32
      %dma_start3A_2067 = tpu.memref_slice %arg3[%dma_start3A_2065, %dma_start3A_2066] : memref<100000x128xf32, #tpu.memory_space<hbm>> -> memref<100000x128xf32, #tpu.memory_space<hbm>>
      %dma_start3A_2068 = tpu.memref_slice %arg7[%dma_start3A_2059] : memref<14x!tpu.dma_semaphore, #tpu.memory_space<semaphore_mem>> -> memref<1x!tpu.dma_semaphore, #tpu.memory_space<semaphore_mem>>
      %dma_start3A_2069 = tpu.memref_squeeze %dma_start3A_2068 : memref<1x!tpu.dma_semaphore, #tpu.memory_space<semaphore_mem>> -> memref<!tpu.dma_semaphore, #tpu.memory_space<semaphore_mem>>
      tpu.enqueue_indirect_dma source(%dma_start3A_2067 : memref<100000x128xf32, #tpu.memory_space<hbm>>) target(%dma_start3A_2063 : memref<32x128xf32, #tpu.memory_space<vmem>>) offsets(%dma_start3A_2064 : memref<32xi32, #tpu.memory_space<vmem>>) semaphore(%dma_start3A_2069 : memref<!tpu.dma_semaphore, #tpu.memory_space<semaphore_mem>>)
      %mul3A_2070 = arith.constant 14 : i32
      %mul3A_2071 = arith.muli %scan3A_1122, %mul3A_2070 : i32
      %add3A_2072 = arith.constant 11 : i32
      %add3A_2073 = arith.addi %mul3A_2071, %add3A_2072 : i32
      %mul3A_2074 = arith.constant 32 : i32
      %mul3A_2075 = arith.muli %add3A_2073, %mul3A_2074 : i32
      %add3A_2076 = arith.addi %mul3A_2, %mul3A_2075 : i32
      %dma_wait3A_2077 = arith.constant 11 : i32
      %dma_wait3A_2078 = arith.constant 11 : i32
      %dma_wait3A_2079 = arith.constant 0 : i32
      %dma_wait3A_2080 = arith.constant 0 : i32
      %dma_wait3A_2081 = tpu.memref_slice %arg6[%dma_wait3A_2077, %dma_wait3A_2079, %dma_wait3A_2080] : memref<14x32x128xf32, #tpu.memory_space<vmem>> -> memref<1x32x128xf32, #tpu.memory_space<vmem>>
      %dma_wait3A_2082 = tpu.memref_squeeze %dma_wait3A_2081 : memref<1x32x128xf32, #tpu.memory_space<vmem>> -> memref<32x128xf32, #tpu.memory_space<vmem>>
      %dma_wait3A_2083 = arith.constant 0 : i32
      %dma_wait3A_2084 = tpu.memref_slice %arg4[%add3A_2076, %dma_wait3A_2083] : memref<204800x128xf32, #tpu.memory_space<hbm>> -> memref<32x128xf32, #tpu.memory_space<hbm>>
      %dma_wait3A_2085 = tpu.memref_slice %arg8[%dma_wait3A_2078] : memref<14x!tpu.dma_semaphore, #tpu.memory_space<semaphore_mem>> -> memref<1x!tpu.dma_semaphore, #tpu.memory_space<semaphore_mem>>
      %dma_wait3A_2086 = tpu.memref_squeeze %dma_wait3A_2085 : memref<1x!tpu.dma_semaphore, #tpu.memory_space<semaphore_mem>> -> memref<!tpu.dma_semaphore, #tpu.memory_space<semaphore_mem>>
      %dma_wait3A_2087 = arith.constant 0 : i32
      %dma_wait3A_2088 = tpu.memref_slice %arg4[%add3A_2076, %dma_wait3A_2087] : memref<204800x128xf32, #tpu.memory_space<hbm>> -> memref<32x128xf32, #tpu.memory_space<hbm>>
      %dma_wait3A_2089 = arith.constant 0 : i32
      %dma_wait3A_2090 = arith.constant 0 : i32
      %dma_wait3A_2091 = tpu.memref_slice %arg6[%dma_wait3A_2077, %dma_wait3A_2089, %dma_wait3A_2090] : memref<14x32x128xf32, #tpu.memory_space<vmem>> -> memref<1x32x128xf32, #tpu.memory_space<vmem>>
      %dma_wait3A_2092 = tpu.memref_squeeze %dma_wait3A_2091 : memref<1x32x128xf32, #tpu.memory_space<vmem>> -> memref<32x128xf32, #tpu.memory_space<vmem>>
      tpu.wait_dma2 semaphore(%dma_wait3A_2086 : memref<!tpu.dma_semaphore, #tpu.memory_space<semaphore_mem>>) src(%dma_wait3A_2092 : memref<32x128xf32, #tpu.memory_space<vmem>>) dst(%dma_wait3A_2088 : memref<32x128xf32, #tpu.memory_space<hbm>>)
      %add3A_2093 = arith.constant 14 : i32
      %add3A_2094 = arith.addi %add3A_2073, %add3A_2093 : i32
      %mul3A_2095 = arith.constant 32 : i32
      %mul3A_2096 = arith.muli %add3A_2094, %mul3A_2095 : i32
      %dma_start3A_2097 = arith.constant 11 : i32
      %dma_start3A_2098 = arith.constant 11 : i32
      %dma_start3A_2099 = arith.constant 0 : i32
      %dma_start3A_2100 = arith.constant 0 : i32
      %dma_start3A_2101 = tpu.memref_slice %arg6[%dma_start3A_2097, %dma_start3A_2099, %dma_start3A_2100] : memref<14x32x128xf32, #tpu.memory_space<vmem>> -> memref<1x32x128xf32, #tpu.memory_space<vmem>>
      %dma_start3A_2102 = tpu.memref_squeeze %dma_start3A_2101 : memref<1x32x128xf32, #tpu.memory_space<vmem>> -> memref<32x128xf32, #tpu.memory_space<vmem>>
      %dma_start3A_2103 = tpu.memref_slice %arg5[%mul3A_2096] : memref<6400xi32, #tpu.memory_space<vmem>> -> memref<32xi32, #tpu.memory_space<vmem>>
      %dma_start3A_2104 = arith.constant 0 : i32
      %dma_start3A_2105 = arith.constant 0 : i32
      %dma_start3A_2106 = tpu.memref_slice %arg3[%dma_start3A_2104, %dma_start3A_2105] : memref<100000x128xf32, #tpu.memory_space<hbm>> -> memref<100000x128xf32, #tpu.memory_space<hbm>>
      %dma_start3A_2107 = tpu.memref_slice %arg7[%dma_start3A_2098] : memref<14x!tpu.dma_semaphore, #tpu.memory_space<semaphore_mem>> -> memref<1x!tpu.dma_semaphore, #tpu.memory_space<semaphore_mem>>
      %dma_start3A_2108 = tpu.memref_squeeze %dma_start3A_2107 : memref<1x!tpu.dma_semaphore, #tpu.memory_space<semaphore_mem>> -> memref<!tpu.dma_semaphore, #tpu.memory_space<semaphore_mem>>
      tpu.enqueue_indirect_dma source(%dma_start3A_2106 : memref<100000x128xf32, #tpu.memory_space<hbm>>) target(%dma_start3A_2102 : memref<32x128xf32, #tpu.memory_space<vmem>>) offsets(%dma_start3A_2103 : memref<32xi32, #tpu.memory_space<vmem>>) semaphore(%dma_start3A_2108 : memref<!tpu.dma_semaphore, #tpu.memory_space<semaphore_mem>>)
      %mul3A_2109 = arith.constant 14 : i32
      %mul3A_2110 = arith.muli %scan3A_1122, %mul3A_2109 : i32
      %add3A_2111 = arith.constant 12 : i32
      %add3A_2112 = arith.addi %mul3A_2110, %add3A_2111 : i32
      %mul3A_2113 = arith.constant 32 : i32
      %mul3A_2114 = arith.muli %add3A_2112, %mul3A_2113 : i32
      %add3A_2115 = arith.addi %mul3A_2, %mul3A_2114 : i32
      %dma_wait3A_2116 = arith.constant 12 : i32
      %dma_wait3A_2117 = arith.constant 12 : i32
      %dma_wait3A_2118 = arith.constant 0 : i32
      %dma_wait3A_2119 = arith.constant 0 : i32
      %dma_wait3A_2120 = tpu.memref_slice %arg6[%dma_wait3A_2116, %dma_wait3A_2118, %dma_wait3A_2119] : memref<14x32x128xf32, #tpu.memory_space<vmem>> -> memref<1x32x128xf32, #tpu.memory_space<vmem>>
      %dma_wait3A_2121 = tpu.memref_squeeze %dma_wait3A_2120 : memref<1x32x128xf32, #tpu.memory_space<vmem>> -> memref<32x128xf32, #tpu.memory_space<vmem>>
      %dma_wait3A_2122 = arith.constant 0 : i32
      %dma_wait3A_2123 = tpu.memref_slice %arg4[%add3A_2115, %dma_wait3A_2122] : memref<204800x128xf32, #tpu.memory_space<hbm>> -> memref<32x128xf32, #tpu.memory_space<hbm>>
      %dma_wait3A_2124 = tpu.memref_slice %arg8[%dma_wait3A_2117] : memref<14x!tpu.dma_semaphore, #tpu.memory_space<semaphore_mem>> -> memref<1x!tpu.dma_semaphore, #tpu.memory_space<semaphore_mem>>
      %dma_wait3A_2125 = tpu.memref_squeeze %dma_wait3A_2124 : memref<1x!tpu.dma_semaphore, #tpu.memory_space<semaphore_mem>> -> memref<!tpu.dma_semaphore, #tpu.memory_space<semaphore_mem>>
      %dma_wait3A_2126 = arith.constant 0 : i32
      %dma_wait3A_2127 = tpu.memref_slice %arg4[%add3A_2115, %dma_wait3A_2126] : memref<204800x128xf32, #tpu.memory_space<hbm>> -> memref<32x128xf32, #tpu.memory_space<hbm>>
      %dma_wait3A_2128 = arith.constant 0 : i32
      %dma_wait3A_2129 = arith.constant 0 : i32
      %dma_wait3A_2130 = tpu.memref_slice %arg6[%dma_wait3A_2116, %dma_wait3A_2128, %dma_wait3A_2129] : memref<14x32x128xf32, #tpu.memory_space<vmem>> -> memref<1x32x128xf32, #tpu.memory_space<vmem>>
      %dma_wait3A_2131 = tpu.memref_squeeze %dma_wait3A_2130 : memref<1x32x128xf32, #tpu.memory_space<vmem>> -> memref<32x128xf32, #tpu.memory_space<vmem>>
      tpu.wait_dma2 semaphore(%dma_wait3A_2125 : memref<!tpu.dma_semaphore, #tpu.memory_space<semaphore_mem>>) src(%dma_wait3A_2131 : memref<32x128xf32, #tpu.memory_space<vmem>>) dst(%dma_wait3A_2127 : memref<32x128xf32, #tpu.memory_space<hbm>>)
      %add3A_2132 = arith.constant 14 : i32
      %add3A_2133 = arith.addi %add3A_2112, %add3A_2132 : i32
      %mul3A_2134 = arith.constant 32 : i32
      %mul3A_2135 = arith.muli %add3A_2133, %mul3A_2134 : i32
      %dma_start3A_2136 = arith.constant 12 : i32
      %dma_start3A_2137 = arith.constant 12 : i32
      %dma_start3A_2138 = arith.constant 0 : i32
      %dma_start3A_2139 = arith.constant 0 : i32
      %dma_start3A_2140 = tpu.memref_slice %arg6[%dma_start3A_2136, %dma_start3A_2138, %dma_start3A_2139] : memref<14x32x128xf32, #tpu.memory_space<vmem>> -> memref<1x32x128xf32, #tpu.memory_space<vmem>>
      %dma_start3A_2141 = tpu.memref_squeeze %dma_start3A_2140 : memref<1x32x128xf32, #tpu.memory_space<vmem>> -> memref<32x128xf32, #tpu.memory_space<vmem>>
      %dma_start3A_2142 = tpu.memref_slice %arg5[%mul3A_2135] : memref<6400xi32, #tpu.memory_space<vmem>> -> memref<32xi32, #tpu.memory_space<vmem>>
      %dma_start3A_2143 = arith.constant 0 : i32
      %dma_start3A_2144 = arith.constant 0 : i32
      %dma_start3A_2145 = tpu.memref_slice %arg3[%dma_start3A_2143, %dma_start3A_2144] : memref<100000x128xf32, #tpu.memory_space<hbm>> -> memref<100000x128xf32, #tpu.memory_space<hbm>>
      %dma_start3A_2146 = tpu.memref_slice %arg7[%dma_start3A_2137] : memref<14x!tpu.dma_semaphore, #tpu.memory_space<semaphore_mem>> -> memref<1x!tpu.dma_semaphore, #tpu.memory_space<semaphore_mem>>
      %dma_start3A_2147 = tpu.memref_squeeze %dma_start3A_2146 : memref<1x!tpu.dma_semaphore, #tpu.memory_space<semaphore_mem>> -> memref<!tpu.dma_semaphore, #tpu.memory_space<semaphore_mem>>
      tpu.enqueue_indirect_dma source(%dma_start3A_2145 : memref<100000x128xf32, #tpu.memory_space<hbm>>) target(%dma_start3A_2141 : memref<32x128xf32, #tpu.memory_space<vmem>>) offsets(%dma_start3A_2142 : memref<32xi32, #tpu.memory_space<vmem>>) semaphore(%dma_start3A_2147 : memref<!tpu.dma_semaphore, #tpu.memory_space<semaphore_mem>>)
      %mul3A_2148 = arith.constant 14 : i32
      %mul3A_2149 = arith.muli %scan3A_1122, %mul3A_2148 : i32
      %add3A_2150 = arith.constant 13 : i32
      %add3A_2151 = arith.addi %mul3A_2149, %add3A_2150 : i32
      %mul3A_2152 = arith.constant 32 : i32
      %mul3A_2153 = arith.muli %add3A_2151, %mul3A_2152 : i32
      %add3A_2154 = arith.addi %mul3A_2, %mul3A_2153 : i32
      %dma_wait3A_2155 = arith.constant 13 : i32
      %dma_wait3A_2156 = arith.constant 13 : i32
      %dma_wait3A_2157 = arith.constant 0 : i32
      %dma_wait3A_2158 = arith.constant 0 : i32
      %dma_wait3A_2159 = tpu.memref_slice %arg6[%dma_wait3A_2155, %dma_wait3A_2157, %dma_wait3A_2158] : memref<14x32x128xf32, #tpu.memory_space<vmem>> -> memref<1x32x128xf32, #tpu.memory_space<vmem>>
      %dma_wait3A_2160 = tpu.memref_squeeze %dma_wait3A_2159 : memref<1x32x128xf32, #tpu.memory_space<vmem>> -> memref<32x128xf32, #tpu.memory_space<vmem>>
      %dma_wait3A_2161 = arith.constant 0 : i32
      %dma_wait3A_2162 = tpu.memref_slice %arg4[%add3A_2154, %dma_wait3A_2161] : memref<204800x128xf32, #tpu.memory_space<hbm>> -> memref<32x128xf32, #tpu.memory_space<hbm>>
      %dma_wait3A_2163 = tpu.memref_slice %arg8[%dma_wait3A_2156] : memref<14x!tpu.dma_semaphore, #tpu.memory_space<semaphore_mem>> -> memref<1x!tpu.dma_semaphore, #tpu.memory_space<semaphore_mem>>
      %dma_wait3A_2164 = tpu.memref_squeeze %dma_wait3A_2163 : memref<1x!tpu.dma_semaphore, #tpu.memory_space<semaphore_mem>> -> memref<!tpu.dma_semaphore, #tpu.memory_space<semaphore_mem>>
      %dma_wait3A_2165 = arith.constant 0 : i32
      %dma_wait3A_2166 = tpu.memref_slice %arg4[%add3A_2154, %dma_wait3A_2165] : memref<204800x128xf32, #tpu.memory_space<hbm>> -> memref<32x128xf32, #tpu.memory_space<hbm>>
      %dma_wait3A_2167 = arith.constant 0 : i32
      %dma_wait3A_2168 = arith.constant 0 : i32
      %dma_wait3A_2169 = tpu.memref_slice %arg6[%dma_wait3A_2155, %dma_wait3A_2167, %dma_wait3A_2168] : memref<14x32x128xf32, #tpu.memory_space<vmem>> -> memref<1x32x128xf32, #tpu.memory_space<vmem>>
      %dma_wait3A_2170 = tpu.memref_squeeze %dma_wait3A_2169 : memref<1x32x128xf32, #tpu.memory_space<vmem>> -> memref<32x128xf32, #tpu.memory_space<vmem>>
      tpu.wait_dma2 semaphore(%dma_wait3A_2164 : memref<!tpu.dma_semaphore, #tpu.memory_space<semaphore_mem>>) src(%dma_wait3A_2170 : memref<32x128xf32, #tpu.memory_space<vmem>>) dst(%dma_wait3A_2166 : memref<32x128xf32, #tpu.memory_space<hbm>>)
      %add3A_2171 = arith.constant 14 : i32
      %add3A_2172 = arith.addi %add3A_2151, %add3A_2171 : i32
      %mul3A_2173 = arith.constant 32 : i32
      %mul3A_2174 = arith.muli %add3A_2172, %mul3A_2173 : i32
      %dma_start3A_2175 = arith.constant 13 : i32
      %dma_start3A_2176 = arith.constant 13 : i32
      %dma_start3A_2177 = arith.constant 0 : i32
      %dma_start3A_2178 = arith.constant 0 : i32
      %dma_start3A_2179 = tpu.memref_slice %arg6[%dma_start3A_2175, %dma_start3A_2177, %dma_start3A_2178] : memref<14x32x128xf32, #tpu.memory_space<vmem>> -> memref<1x32x128xf32, #tpu.memory_space<vmem>>
      %dma_start3A_2180 = tpu.memref_squeeze %dma_start3A_2179 : memref<1x32x128xf32, #tpu.memory_space<vmem>> -> memref<32x128xf32, #tpu.memory_space<vmem>>
      %dma_start3A_2181 = tpu.memref_slice %arg5[%mul3A_2174] : memref<6400xi32, #tpu.memory_space<vmem>> -> memref<32xi32, #tpu.memory_space<vmem>>
      %dma_start3A_2182 = arith.constant 0 : i32
      %dma_start3A_2183 = arith.constant 0 : i32
      %dma_start3A_2184 = tpu.memref_slice %arg3[%dma_start3A_2182, %dma_start3A_2183] : memref<100000x128xf32, #tpu.memory_space<hbm>> -> memref<100000x128xf32, #tpu.memory_space<hbm>>
      %dma_start3A_2185 = tpu.memref_slice %arg7[%dma_start3A_2176] : memref<14x!tpu.dma_semaphore, #tpu.memory_space<semaphore_mem>> -> memref<1x!tpu.dma_semaphore, #tpu.memory_space<semaphore_mem>>
      %dma_start3A_2186 = tpu.memref_squeeze %dma_start3A_2185 : memref<1x!tpu.dma_semaphore, #tpu.memory_space<semaphore_mem>> -> memref<!tpu.dma_semaphore, #tpu.memory_space<semaphore_mem>>
      tpu.enqueue_indirect_dma source(%dma_start3A_2184 : memref<100000x128xf32, #tpu.memory_space<hbm>>) target(%dma_start3A_2180 : memref<32x128xf32, #tpu.memory_space<vmem>>) offsets(%dma_start3A_2181 : memref<32xi32, #tpu.memory_space<vmem>>) semaphore(%dma_start3A_2186 : memref<!tpu.dma_semaphore, #tpu.memory_space<semaphore_mem>>)
    }
    %scan3A_188 = arith.constant 13 : i32
    %dma_wait3A = arith.constant 0 : i32
    %dma_wait3A_189 = arith.constant 0 : i32
    %dma_wait3A_190 = arith.constant 0 : i32
    %dma_wait3A_191 = arith.constant 0 : i32
    %dma_wait3A_192 = tpu.memref_slice %arg6[%dma_wait3A, %dma_wait3A_190, %dma_wait3A_191] : memref<14x32x128xf32, #tpu.memory_space<vmem>> -> memref<1x32x128xf32, #tpu.memory_space<vmem>>
    %dma_wait3A_193 = tpu.memref_squeeze %dma_wait3A_192 : memref<1x32x128xf32, #tpu.memory_space<vmem>> -> memref<32x128xf32, #tpu.memory_space<vmem>>
    %dma_wait3A_194 = arith.constant 5824 : i32
    %dma_wait3A_195 = tpu.memref_slice %arg5[%dma_wait3A_194] : memref<6400xi32, #tpu.memory_space<vmem>> -> memref<32xi32, #tpu.memory_space<vmem>>
    %dma_wait3A_196 = arith.constant 0 : i32
    %dma_wait3A_197 = arith.constant 0 : i32
    %dma_wait3A_198 = tpu.memref_slice %arg3[%dma_wait3A_196, %dma_wait3A_197] : memref<100000x128xf32, #tpu.memory_space<hbm>> -> memref<100000x128xf32, #tpu.memory_space<hbm>>
    %dma_wait3A_199 = tpu.memref_slice %arg7[%dma_wait3A_189] : memref<14x!tpu.dma_semaphore, #tpu.memory_space<semaphore_mem>> -> memref<1x!tpu.dma_semaphore, #tpu.memory_space<semaphore_mem>>
    %dma_wait3A_200 = tpu.memref_squeeze %dma_wait3A_199 : memref<1x!tpu.dma_semaphore, #tpu.memory_space<semaphore_mem>> -> memref<!tpu.dma_semaphore, #tpu.memory_space<semaphore_mem>>
    tpu.wait_indirect_dma semaphore(%dma_wait3A_200 : memref<!tpu.dma_semaphore, #tpu.memory_space<semaphore_mem>>) src(%dma_wait3A_198 : memref<100000x128xf32, #tpu.memory_space<hbm>>) dst(%dma_wait3A_193 : memref<32x128xf32, #tpu.memory_space<vmem>>)
    %add3A_201 = arith.constant 5824 : i32
    %add3A_202 = arith.addi %mul3A_2, %add3A_201 : i32
    %dma_start3A_203 = arith.constant 0 : i32
    %dma_start3A_204 = arith.constant 0 : i32
    %dma_start3A_205 = arith.constant 0 : i32
    %dma_start3A_206 = arith.constant 0 : i32
    %dma_start3A_207 = tpu.memref_slice %arg6[%dma_start3A_203, %dma_start3A_205, %dma_start3A_206] : memref<14x32x128xf32, #tpu.memory_space<vmem>> -> memref<1x32x128xf32, #tpu.memory_space<vmem>>
    %dma_start3A_208 = tpu.memref_squeeze %dma_start3A_207 : memref<1x32x128xf32, #tpu.memory_space<vmem>> -> memref<32x128xf32, #tpu.memory_space<vmem>>
    %dma_start3A_209 = arith.constant 0 : i32
    %dma_start3A_210 = tpu.memref_slice %arg4[%add3A_202, %dma_start3A_209] : memref<204800x128xf32, #tpu.memory_space<hbm>> -> memref<32x128xf32, #tpu.memory_space<hbm>>
    %dma_start3A_211 = tpu.memref_slice %arg8[%dma_start3A_204] : memref<14x!tpu.dma_semaphore, #tpu.memory_space<semaphore_mem>> -> memref<1x!tpu.dma_semaphore, #tpu.memory_space<semaphore_mem>>
    %dma_start3A_212 = tpu.memref_squeeze %dma_start3A_211 : memref<1x!tpu.dma_semaphore, #tpu.memory_space<semaphore_mem>> -> memref<!tpu.dma_semaphore, #tpu.memory_space<semaphore_mem>>
    %dma_start3A_213 = arith.constant 0 : i32
    %dma_start3A_214 = tpu.memref_slice %arg4[%add3A_202, %dma_start3A_213] : memref<204800x128xf32, #tpu.memory_space<hbm>> -> memref<32x128xf32, #tpu.memory_space<hbm>>
    %dma_start3A_215 = arith.constant 0 : i32
    %dma_start3A_216 = arith.constant 0 : i32
    %dma_start3A_217 = tpu.memref_slice %arg6[%dma_start3A_203, %dma_start3A_215, %dma_start3A_216] : memref<14x32x128xf32, #tpu.memory_space<vmem>> -> memref<1x32x128xf32, #tpu.memory_space<vmem>>
    %dma_start3A_218 = tpu.memref_squeeze %dma_start3A_217 : memref<1x32x128xf32, #tpu.memory_space<vmem>> -> memref<32x128xf32, #tpu.memory_space<vmem>>
    tpu.enqueue_dma source(%dma_start3A_218 : memref<32x128xf32, #tpu.memory_space<vmem>>) target(%dma_start3A_214 : memref<32x128xf32, #tpu.memory_space<hbm>>) target_semaphore(%dma_start3A_212 : memref<!tpu.dma_semaphore, #tpu.memory_space<semaphore_mem>>)
    %dma_wait3A_219 = arith.constant 1 : i32
    %dma_wait3A_220 = arith.constant 1 : i32
    %dma_wait3A_221 = arith.constant 0 : i32
    %dma_wait3A_222 = arith.constant 0 : i32
    %dma_wait3A_223 = tpu.memref_slice %arg6[%dma_wait3A_219, %dma_wait3A_221, %dma_wait3A_222] : memref<14x32x128xf32, #tpu.memory_space<vmem>> -> memref<1x32x128xf32, #tpu.memory_space<vmem>>
    %dma_wait3A_224 = tpu.memref_squeeze %dma_wait3A_223 : memref<1x32x128xf32, #tpu.memory_space<vmem>> -> memref<32x128xf32, #tpu.memory_space<vmem>>
    %dma_wait3A_225 = arith.constant 5856 : i32
    %dma_wait3A_226 = tpu.memref_slice %arg5[%dma_wait3A_225] : memref<6400xi32, #tpu.memory_space<vmem>> -> memref<32xi32, #tpu.memory_space<vmem>>
    %dma_wait3A_227 = arith.constant 0 : i32
    %dma_wait3A_228 = arith.constant 0 : i32
    %dma_wait3A_229 = tpu.memref_slice %arg3[%dma_wait3A_227, %dma_wait3A_228] : memref<100000x128xf32, #tpu.memory_space<hbm>> -> memref<100000x128xf32, #tpu.memory_space<hbm>>
    %dma_wait3A_230 = tpu.memref_slice %arg7[%dma_wait3A_220] : memref<14x!tpu.dma_semaphore, #tpu.memory_space<semaphore_mem>> -> memref<1x!tpu.dma_semaphore, #tpu.memory_space<semaphore_mem>>
    %dma_wait3A_231 = tpu.memref_squeeze %dma_wait3A_230 : memref<1x!tpu.dma_semaphore, #tpu.memory_space<semaphore_mem>> -> memref<!tpu.dma_semaphore, #tpu.memory_space<semaphore_mem>>
    tpu.wait_indirect_dma semaphore(%dma_wait3A_231 : memref<!tpu.dma_semaphore, #tpu.memory_space<semaphore_mem>>) src(%dma_wait3A_229 : memref<100000x128xf32, #tpu.memory_space<hbm>>) dst(%dma_wait3A_224 : memref<32x128xf32, #tpu.memory_space<vmem>>)
    %add3A_232 = arith.constant 5856 : i32
    %add3A_233 = arith.addi %mul3A_2, %add3A_232 : i32
    %dma_start3A_234 = arith.constant 1 : i32
    %dma_start3A_235 = arith.constant 1 : i32
    %dma_start3A_236 = arith.constant 0 : i32
    %dma_start3A_237 = arith.constant 0 : i32
    %dma_start3A_238 = tpu.memref_slice %arg6[%dma_start3A_234, %dma_start3A_236, %dma_start3A_237] : memref<14x32x128xf32, #tpu.memory_space<vmem>> -> memref<1x32x128xf32, #tpu.memory_space<vmem>>
    %dma_start3A_239 = tpu.memref_squeeze %dma_start3A_238 : memref<1x32x128xf32, #tpu.memory_space<vmem>> -> memref<32x128xf32, #tpu.memory_space<vmem>>
    %dma_start3A_240 = arith.constant 0 : i32
    %dma_start3A_241 = tpu.memref_slice %arg4[%add3A_233, %dma_start3A_240] : memref<204800x128xf32, #tpu.memory_space<hbm>> -> memref<32x128xf32, #tpu.memory_space<hbm>>
    %dma_start3A_242 = tpu.memref_slice %arg8[%dma_start3A_235] : memref<14x!tpu.dma_semaphore, #tpu.memory_space<semaphore_mem>> -> memref<1x!tpu.dma_semaphore, #tpu.memory_space<semaphore_mem>>
    %dma_start3A_243 = tpu.memref_squeeze %dma_start3A_242 : memref<1x!tpu.dma_semaphore, #tpu.memory_space<semaphore_mem>> -> memref<!tpu.dma_semaphore, #tpu.memory_space<semaphore_mem>>
    %dma_start3A_244 = arith.constant 0 : i32
    %dma_start3A_245 = tpu.memref_slice %arg4[%add3A_233, %dma_start3A_244] : memref<204800x128xf32, #tpu.memory_space<hbm>> -> memref<32x128xf32, #tpu.memory_space<hbm>>
    %dma_start3A_246 = arith.constant 0 : i32
    %dma_start3A_247 = arith.constant 0 : i32
    %dma_start3A_248 = tpu.memref_slice %arg6[%dma_start3A_234, %dma_start3A_246, %dma_start3A_247] : memref<14x32x128xf32, #tpu.memory_space<vmem>> -> memref<1x32x128xf32, #tpu.memory_space<vmem>>
    %dma_start3A_249 = tpu.memref_squeeze %dma_start3A_248 : memref<1x32x128xf32, #tpu.memory_space<vmem>> -> memref<32x128xf32, #tpu.memory_space<vmem>>
    tpu.enqueue_dma source(%dma_start3A_249 : memref<32x128xf32, #tpu.memory_space<vmem>>) target(%dma_start3A_245 : memref<32x128xf32, #tpu.memory_space<hbm>>) target_semaphore(%dma_start3A_243 : memref<!tpu.dma_semaphore, #tpu.memory_space<semaphore_mem>>)
    %dma_wait3A_250 = arith.constant 2 : i32
    %dma_wait3A_251 = arith.constant 2 : i32
    %dma_wait3A_252 = arith.constant 0 : i32
    %dma_wait3A_253 = arith.constant 0 : i32
    %dma_wait3A_254 = tpu.memref_slice %arg6[%dma_wait3A_250, %dma_wait3A_252, %dma_wait3A_253] : memref<14x32x128xf32, #tpu.memory_space<vmem>> -> memref<1x32x128xf32, #tpu.memory_space<vmem>>
    %dma_wait3A_255 = tpu.memref_squeeze %dma_wait3A_254 : memref<1x32x128xf32, #tpu.memory_space<vmem>> -> memref<32x128xf32, #tpu.memory_space<vmem>>
    %dma_wait3A_256 = arith.constant 5888 : i32
    %dma_wait3A_257 = tpu.memref_slice %arg5[%dma_wait3A_256] : memref<6400xi32, #tpu.memory_space<vmem>> -> memref<32xi32, #tpu.memory_space<vmem>>
    %dma_wait3A_258 = arith.constant 0 : i32
    %dma_wait3A_259 = arith.constant 0 : i32
    %dma_wait3A_260 = tpu.memref_slice %arg3[%dma_wait3A_258, %dma_wait3A_259] : memref<100000x128xf32, #tpu.memory_space<hbm>> -> memref<100000x128xf32, #tpu.memory_space<hbm>>
    %dma_wait3A_261 = tpu.memref_slice %arg7[%dma_wait3A_251] : memref<14x!tpu.dma_semaphore, #tpu.memory_space<semaphore_mem>> -> memref<1x!tpu.dma_semaphore, #tpu.memory_space<semaphore_mem>>
    %dma_wait3A_262 = tpu.memref_squeeze %dma_wait3A_261 : memref<1x!tpu.dma_semaphore, #tpu.memory_space<semaphore_mem>> -> memref<!tpu.dma_semaphore, #tpu.memory_space<semaphore_mem>>
    tpu.wait_indirect_dma semaphore(%dma_wait3A_262 : memref<!tpu.dma_semaphore, #tpu.memory_space<semaphore_mem>>) src(%dma_wait3A_260 : memref<100000x128xf32, #tpu.memory_space<hbm>>) dst(%dma_wait3A_255 : memref<32x128xf32, #tpu.memory_space<vmem>>)
    %add3A_263 = arith.constant 5888 : i32
    %add3A_264 = arith.addi %mul3A_2, %add3A_263 : i32
    %dma_start3A_265 = arith.constant 2 : i32
    %dma_start3A_266 = arith.constant 2 : i32
    %dma_start3A_267 = arith.constant 0 : i32
    %dma_start3A_268 = arith.constant 0 : i32
    %dma_start3A_269 = tpu.memref_slice %arg6[%dma_start3A_265, %dma_start3A_267, %dma_start3A_268] : memref<14x32x128xf32, #tpu.memory_space<vmem>> -> memref<1x32x128xf32, #tpu.memory_space<vmem>>
    %dma_start3A_270 = tpu.memref_squeeze %dma_start3A_269 : memref<1x32x128xf32, #tpu.memory_space<vmem>> -> memref<32x128xf32, #tpu.memory_space<vmem>>
    %dma_start3A_271 = arith.constant 0 : i32
    %dma_start3A_272 = tpu.memref_slice %arg4[%add3A_264, %dma_start3A_271] : memref<204800x128xf32, #tpu.memory_space<hbm>> -> memref<32x128xf32, #tpu.memory_space<hbm>>
    %dma_start3A_273 = tpu.memref_slice %arg8[%dma_start3A_266] : memref<14x!tpu.dma_semaphore, #tpu.memory_space<semaphore_mem>> -> memref<1x!tpu.dma_semaphore, #tpu.memory_space<semaphore_mem>>
    %dma_start3A_274 = tpu.memref_squeeze %dma_start3A_273 : memref<1x!tpu.dma_semaphore, #tpu.memory_space<semaphore_mem>> -> memref<!tpu.dma_semaphore, #tpu.memory_space<semaphore_mem>>
    %dma_start3A_275 = arith.constant 0 : i32
    %dma_start3A_276 = tpu.memref_slice %arg4[%add3A_264, %dma_start3A_275] : memref<204800x128xf32, #tpu.memory_space<hbm>> -> memref<32x128xf32, #tpu.memory_space<hbm>>
    %dma_start3A_277 = arith.constant 0 : i32
    %dma_start3A_278 = arith.constant 0 : i32
    %dma_start3A_279 = tpu.memref_slice %arg6[%dma_start3A_265, %dma_start3A_277, %dma_start3A_278] : memref<14x32x128xf32, #tpu.memory_space<vmem>> -> memref<1x32x128xf32, #tpu.memory_space<vmem>>
    %dma_start3A_280 = tpu.memref_squeeze %dma_start3A_279 : memref<1x32x128xf32, #tpu.memory_space<vmem>> -> memref<32x128xf32, #tpu.memory_space<vmem>>
    tpu.enqueue_dma source(%dma_start3A_280 : memref<32x128xf32, #tpu.memory_space<vmem>>) target(%dma_start3A_276 : memref<32x128xf32, #tpu.memory_space<hbm>>) target_semaphore(%dma_start3A_274 : memref<!tpu.dma_semaphore, #tpu.memory_space<semaphore_mem>>)
    %dma_wait3A_281 = arith.constant 3 : i32
    %dma_wait3A_282 = arith.constant 3 : i32
    %dma_wait3A_283 = arith.constant 0 : i32
    %dma_wait3A_284 = arith.constant 0 : i32
    %dma_wait3A_285 = tpu.memref_slice %arg6[%dma_wait3A_281, %dma_wait3A_283, %dma_wait3A_284] : memref<14x32x128xf32, #tpu.memory_space<vmem>> -> memref<1x32x128xf32, #tpu.memory_space<vmem>>
    %dma_wait3A_286 = tpu.memref_squeeze %dma_wait3A_285 : memref<1x32x128xf32, #tpu.memory_space<vmem>> -> memref<32x128xf32, #tpu.memory_space<vmem>>
    %dma_wait3A_287 = arith.constant 5920 : i32
    %dma_wait3A_288 = tpu.memref_slice %arg5[%dma_wait3A_287] : memref<6400xi32, #tpu.memory_space<vmem>> -> memref<32xi32, #tpu.memory_space<vmem>>
    %dma_wait3A_289 = arith.constant 0 : i32
    %dma_wait3A_290 = arith.constant 0 : i32
    %dma_wait3A_291 = tpu.memref_slice %arg3[%dma_wait3A_289, %dma_wait3A_290] : memref<100000x128xf32, #tpu.memory_space<hbm>> -> memref<100000x128xf32, #tpu.memory_space<hbm>>
    %dma_wait3A_292 = tpu.memref_slice %arg7[%dma_wait3A_282] : memref<14x!tpu.dma_semaphore, #tpu.memory_space<semaphore_mem>> -> memref<1x!tpu.dma_semaphore, #tpu.memory_space<semaphore_mem>>
    %dma_wait3A_293 = tpu.memref_squeeze %dma_wait3A_292 : memref<1x!tpu.dma_semaphore, #tpu.memory_space<semaphore_mem>> -> memref<!tpu.dma_semaphore, #tpu.memory_space<semaphore_mem>>
    tpu.wait_indirect_dma semaphore(%dma_wait3A_293 : memref<!tpu.dma_semaphore, #tpu.memory_space<semaphore_mem>>) src(%dma_wait3A_291 : memref<100000x128xf32, #tpu.memory_space<hbm>>) dst(%dma_wait3A_286 : memref<32x128xf32, #tpu.memory_space<vmem>>)
    %add3A_294 = arith.constant 5920 : i32
    %add3A_295 = arith.addi %mul3A_2, %add3A_294 : i32
    %dma_start3A_296 = arith.constant 3 : i32
    %dma_start3A_297 = arith.constant 3 : i32
    %dma_start3A_298 = arith.constant 0 : i32
    %dma_start3A_299 = arith.constant 0 : i32
    %dma_start3A_300 = tpu.memref_slice %arg6[%dma_start3A_296, %dma_start3A_298, %dma_start3A_299] : memref<14x32x128xf32, #tpu.memory_space<vmem>> -> memref<1x32x128xf32, #tpu.memory_space<vmem>>
    %dma_start3A_301 = tpu.memref_squeeze %dma_start3A_300 : memref<1x32x128xf32, #tpu.memory_space<vmem>> -> memref<32x128xf32, #tpu.memory_space<vmem>>
    %dma_start3A_302 = arith.constant 0 : i32
    %dma_start3A_303 = tpu.memref_slice %arg4[%add3A_295, %dma_start3A_302] : memref<204800x128xf32, #tpu.memory_space<hbm>> -> memref<32x128xf32, #tpu.memory_space<hbm>>
    %dma_start3A_304 = tpu.memref_slice %arg8[%dma_start3A_297] : memref<14x!tpu.dma_semaphore, #tpu.memory_space<semaphore_mem>> -> memref<1x!tpu.dma_semaphore, #tpu.memory_space<semaphore_mem>>
    %dma_start3A_305 = tpu.memref_squeeze %dma_start3A_304 : memref<1x!tpu.dma_semaphore, #tpu.memory_space<semaphore_mem>> -> memref<!tpu.dma_semaphore, #tpu.memory_space<semaphore_mem>>
    %dma_start3A_306 = arith.constant 0 : i32
    %dma_start3A_307 = tpu.memref_slice %arg4[%add3A_295, %dma_start3A_306] : memref<204800x128xf32, #tpu.memory_space<hbm>> -> memref<32x128xf32, #tpu.memory_space<hbm>>
    %dma_start3A_308 = arith.constant 0 : i32
    %dma_start3A_309 = arith.constant 0 : i32
    %dma_start3A_310 = tpu.memref_slice %arg6[%dma_start3A_296, %dma_start3A_308, %dma_start3A_309] : memref<14x32x128xf32, #tpu.memory_space<vmem>> -> memref<1x32x128xf32, #tpu.memory_space<vmem>>
    %dma_start3A_311 = tpu.memref_squeeze %dma_start3A_310 : memref<1x32x128xf32, #tpu.memory_space<vmem>> -> memref<32x128xf32, #tpu.memory_space<vmem>>
    tpu.enqueue_dma source(%dma_start3A_311 : memref<32x128xf32, #tpu.memory_space<vmem>>) target(%dma_start3A_307 : memref<32x128xf32, #tpu.memory_space<hbm>>) target_semaphore(%dma_start3A_305 : memref<!tpu.dma_semaphore, #tpu.memory_space<semaphore_mem>>)
    %dma_wait3A_312 = arith.constant 4 : i32
    %dma_wait3A_313 = arith.constant 4 : i32
    %dma_wait3A_314 = arith.constant 0 : i32
    %dma_wait3A_315 = arith.constant 0 : i32
    %dma_wait3A_316 = tpu.memref_slice %arg6[%dma_wait3A_312, %dma_wait3A_314, %dma_wait3A_315] : memref<14x32x128xf32, #tpu.memory_space<vmem>> -> memref<1x32x128xf32, #tpu.memory_space<vmem>>
    %dma_wait3A_317 = tpu.memref_squeeze %dma_wait3A_316 : memref<1x32x128xf32, #tpu.memory_space<vmem>> -> memref<32x128xf32, #tpu.memory_space<vmem>>
    %dma_wait3A_318 = arith.constant 5952 : i32
    %dma_wait3A_319 = tpu.memref_slice %arg5[%dma_wait3A_318] : memref<6400xi32, #tpu.memory_space<vmem>> -> memref<32xi32, #tpu.memory_space<vmem>>
    %dma_wait3A_320 = arith.constant 0 : i32
    %dma_wait3A_321 = arith.constant 0 : i32
    %dma_wait3A_322 = tpu.memref_slice %arg3[%dma_wait3A_320, %dma_wait3A_321] : memref<100000x128xf32, #tpu.memory_space<hbm>> -> memref<100000x128xf32, #tpu.memory_space<hbm>>
    %dma_wait3A_323 = tpu.memref_slice %arg7[%dma_wait3A_313] : memref<14x!tpu.dma_semaphore, #tpu.memory_space<semaphore_mem>> -> memref<1x!tpu.dma_semaphore, #tpu.memory_space<semaphore_mem>>
    %dma_wait3A_324 = tpu.memref_squeeze %dma_wait3A_323 : memref<1x!tpu.dma_semaphore, #tpu.memory_space<semaphore_mem>> -> memref<!tpu.dma_semaphore, #tpu.memory_space<semaphore_mem>>
    tpu.wait_indirect_dma semaphore(%dma_wait3A_324 : memref<!tpu.dma_semaphore, #tpu.memory_space<semaphore_mem>>) src(%dma_wait3A_322 : memref<100000x128xf32, #tpu.memory_space<hbm>>) dst(%dma_wait3A_317 : memref<32x128xf32, #tpu.memory_space<vmem>>)
    %add3A_325 = arith.constant 5952 : i32
    %add3A_326 = arith.addi %mul3A_2, %add3A_325 : i32
    %dma_start3A_327 = arith.constant 4 : i32
    %dma_start3A_328 = arith.constant 4 : i32
    %dma_start3A_329 = arith.constant 0 : i32
    %dma_start3A_330 = arith.constant 0 : i32
    %dma_start3A_331 = tpu.memref_slice %arg6[%dma_start3A_327, %dma_start3A_329, %dma_start3A_330] : memref<14x32x128xf32, #tpu.memory_space<vmem>> -> memref<1x32x128xf32, #tpu.memory_space<vmem>>
    %dma_start3A_332 = tpu.memref_squeeze %dma_start3A_331 : memref<1x32x128xf32, #tpu.memory_space<vmem>> -> memref<32x128xf32, #tpu.memory_space<vmem>>
    %dma_start3A_333 = arith.constant 0 : i32
    %dma_start3A_334 = tpu.memref_slice %arg4[%add3A_326, %dma_start3A_333] : memref<204800x128xf32, #tpu.memory_space<hbm>> -> memref<32x128xf32, #tpu.memory_space<hbm>>
    %dma_start3A_335 = tpu.memref_slice %arg8[%dma_start3A_328] : memref<14x!tpu.dma_semaphore, #tpu.memory_space<semaphore_mem>> -> memref<1x!tpu.dma_semaphore, #tpu.memory_space<semaphore_mem>>
    %dma_start3A_336 = tpu.memref_squeeze %dma_start3A_335 : memref<1x!tpu.dma_semaphore, #tpu.memory_space<semaphore_mem>> -> memref<!tpu.dma_semaphore, #tpu.memory_space<semaphore_mem>>
    %dma_start3A_337 = arith.constant 0 : i32
    %dma_start3A_338 = tpu.memref_slice %arg4[%add3A_326, %dma_start3A_337] : memref<204800x128xf32, #tpu.memory_space<hbm>> -> memref<32x128xf32, #tpu.memory_space<hbm>>
    %dma_start3A_339 = arith.constant 0 : i32
    %dma_start3A_340 = arith.constant 0 : i32
    %dma_start3A_341 = tpu.memref_slice %arg6[%dma_start3A_327, %dma_start3A_339, %dma_start3A_340] : memref<14x32x128xf32, #tpu.memory_space<vmem>> -> memref<1x32x128xf32, #tpu.memory_space<vmem>>
    %dma_start3A_342 = tpu.memref_squeeze %dma_start3A_341 : memref<1x32x128xf32, #tpu.memory_space<vmem>> -> memref<32x128xf32, #tpu.memory_space<vmem>>
    tpu.enqueue_dma source(%dma_start3A_342 : memref<32x128xf32, #tpu.memory_space<vmem>>) target(%dma_start3A_338 : memref<32x128xf32, #tpu.memory_space<hbm>>) target_semaphore(%dma_start3A_336 : memref<!tpu.dma_semaphore, #tpu.memory_space<semaphore_mem>>)
    %dma_wait3A_343 = arith.constant 5 : i32
    %dma_wait3A_344 = arith.constant 5 : i32
    %dma_wait3A_345 = arith.constant 0 : i32
    %dma_wait3A_346 = arith.constant 0 : i32
    %dma_wait3A_347 = tpu.memref_slice %arg6[%dma_wait3A_343, %dma_wait3A_345, %dma_wait3A_346] : memref<14x32x128xf32, #tpu.memory_space<vmem>> -> memref<1x32x128xf32, #tpu.memory_space<vmem>>
    %dma_wait3A_348 = tpu.memref_squeeze %dma_wait3A_347 : memref<1x32x128xf32, #tpu.memory_space<vmem>> -> memref<32x128xf32, #tpu.memory_space<vmem>>
    %dma_wait3A_349 = arith.constant 5984 : i32
    %dma_wait3A_350 = tpu.memref_slice %arg5[%dma_wait3A_349] : memref<6400xi32, #tpu.memory_space<vmem>> -> memref<32xi32, #tpu.memory_space<vmem>>
    %dma_wait3A_351 = arith.constant 0 : i32
    %dma_wait3A_352 = arith.constant 0 : i32
    %dma_wait3A_353 = tpu.memref_slice %arg3[%dma_wait3A_351, %dma_wait3A_352] : memref<100000x128xf32, #tpu.memory_space<hbm>> -> memref<100000x128xf32, #tpu.memory_space<hbm>>
    %dma_wait3A_354 = tpu.memref_slice %arg7[%dma_wait3A_344] : memref<14x!tpu.dma_semaphore, #tpu.memory_space<semaphore_mem>> -> memref<1x!tpu.dma_semaphore, #tpu.memory_space<semaphore_mem>>
    %dma_wait3A_355 = tpu.memref_squeeze %dma_wait3A_354 : memref<1x!tpu.dma_semaphore, #tpu.memory_space<semaphore_mem>> -> memref<!tpu.dma_semaphore, #tpu.memory_space<semaphore_mem>>
    tpu.wait_indirect_dma semaphore(%dma_wait3A_355 : memref<!tpu.dma_semaphore, #tpu.memory_space<semaphore_mem>>) src(%dma_wait3A_353 : memref<100000x128xf32, #tpu.memory_space<hbm>>) dst(%dma_wait3A_348 : memref<32x128xf32, #tpu.memory_space<vmem>>)
    %add3A_356 = arith.constant 5984 : i32
    %add3A_357 = arith.addi %mul3A_2, %add3A_356 : i32
    %dma_start3A_358 = arith.constant 5 : i32
    %dma_start3A_359 = arith.constant 5 : i32
    %dma_start3A_360 = arith.constant 0 : i32
    %dma_start3A_361 = arith.constant 0 : i32
    %dma_start3A_362 = tpu.memref_slice %arg6[%dma_start3A_358, %dma_start3A_360, %dma_start3A_361] : memref<14x32x128xf32, #tpu.memory_space<vmem>> -> memref<1x32x128xf32, #tpu.memory_space<vmem>>
    %dma_start3A_363 = tpu.memref_squeeze %dma_start3A_362 : memref<1x32x128xf32, #tpu.memory_space<vmem>> -> memref<32x128xf32, #tpu.memory_space<vmem>>
    %dma_start3A_364 = arith.constant 0 : i32
    %dma_start3A_365 = tpu.memref_slice %arg4[%add3A_357, %dma_start3A_364] : memref<204800x128xf32, #tpu.memory_space<hbm>> -> memref<32x128xf32, #tpu.memory_space<hbm>>
    %dma_start3A_366 = tpu.memref_slice %arg8[%dma_start3A_359] : memref<14x!tpu.dma_semaphore, #tpu.memory_space<semaphore_mem>> -> memref<1x!tpu.dma_semaphore, #tpu.memory_space<semaphore_mem>>
    %dma_start3A_367 = tpu.memref_squeeze %dma_start3A_366 : memref<1x!tpu.dma_semaphore, #tpu.memory_space<semaphore_mem>> -> memref<!tpu.dma_semaphore, #tpu.memory_space<semaphore_mem>>
    %dma_start3A_368 = arith.constant 0 : i32
    %dma_start3A_369 = tpu.memref_slice %arg4[%add3A_357, %dma_start3A_368] : memref<204800x128xf32, #tpu.memory_space<hbm>> -> memref<32x128xf32, #tpu.memory_space<hbm>>
    %dma_start3A_370 = arith.constant 0 : i32
    %dma_start3A_371 = arith.constant 0 : i32
    %dma_start3A_372 = tpu.memref_slice %arg6[%dma_start3A_358, %dma_start3A_370, %dma_start3A_371] : memref<14x32x128xf32, #tpu.memory_space<vmem>> -> memref<1x32x128xf32, #tpu.memory_space<vmem>>
    %dma_start3A_373 = tpu.memref_squeeze %dma_start3A_372 : memref<1x32x128xf32, #tpu.memory_space<vmem>> -> memref<32x128xf32, #tpu.memory_space<vmem>>
    tpu.enqueue_dma source(%dma_start3A_373 : memref<32x128xf32, #tpu.memory_space<vmem>>) target(%dma_start3A_369 : memref<32x128xf32, #tpu.memory_space<hbm>>) target_semaphore(%dma_start3A_367 : memref<!tpu.dma_semaphore, #tpu.memory_space<semaphore_mem>>)
    %dma_wait3A_374 = arith.constant 6 : i32
    %dma_wait3A_375 = arith.constant 6 : i32
    %dma_wait3A_376 = arith.constant 0 : i32
    %dma_wait3A_377 = arith.constant 0 : i32
    %dma_wait3A_378 = tpu.memref_slice %arg6[%dma_wait3A_374, %dma_wait3A_376, %dma_wait3A_377] : memref<14x32x128xf32, #tpu.memory_space<vmem>> -> memref<1x32x128xf32, #tpu.memory_space<vmem>>
    %dma_wait3A_379 = tpu.memref_squeeze %dma_wait3A_378 : memref<1x32x128xf32, #tpu.memory_space<vmem>> -> memref<32x128xf32, #tpu.memory_space<vmem>>
    %dma_wait3A_380 = arith.constant 6016 : i32
    %dma_wait3A_381 = tpu.memref_slice %arg5[%dma_wait3A_380] : memref<6400xi32, #tpu.memory_space<vmem>> -> memref<32xi32, #tpu.memory_space<vmem>>
    %dma_wait3A_382 = arith.constant 0 : i32
    %dma_wait3A_383 = arith.constant 0 : i32
    %dma_wait3A_384 = tpu.memref_slice %arg3[%dma_wait3A_382, %dma_wait3A_383] : memref<100000x128xf32, #tpu.memory_space<hbm>> -> memref<100000x128xf32, #tpu.memory_space<hbm>>
    %dma_wait3A_385 = tpu.memref_slice %arg7[%dma_wait3A_375] : memref<14x!tpu.dma_semaphore, #tpu.memory_space<semaphore_mem>> -> memref<1x!tpu.dma_semaphore, #tpu.memory_space<semaphore_mem>>
    %dma_wait3A_386 = tpu.memref_squeeze %dma_wait3A_385 : memref<1x!tpu.dma_semaphore, #tpu.memory_space<semaphore_mem>> -> memref<!tpu.dma_semaphore, #tpu.memory_space<semaphore_mem>>
    tpu.wait_indirect_dma semaphore(%dma_wait3A_386 : memref<!tpu.dma_semaphore, #tpu.memory_space<semaphore_mem>>) src(%dma_wait3A_384 : memref<100000x128xf32, #tpu.memory_space<hbm>>) dst(%dma_wait3A_379 : memref<32x128xf32, #tpu.memory_space<vmem>>)
    %add3A_387 = arith.constant 6016 : i32
    %add3A_388 = arith.addi %mul3A_2, %add3A_387 : i32
    %dma_start3A_389 = arith.constant 6 : i32
    %dma_start3A_390 = arith.constant 6 : i32
    %dma_start3A_391 = arith.constant 0 : i32
    %dma_start3A_392 = arith.constant 0 : i32
    %dma_start3A_393 = tpu.memref_slice %arg6[%dma_start3A_389, %dma_start3A_391, %dma_start3A_392] : memref<14x32x128xf32, #tpu.memory_space<vmem>> -> memref<1x32x128xf32, #tpu.memory_space<vmem>>
    %dma_start3A_394 = tpu.memref_squeeze %dma_start3A_393 : memref<1x32x128xf32, #tpu.memory_space<vmem>> -> memref<32x128xf32, #tpu.memory_space<vmem>>
    %dma_start3A_395 = arith.constant 0 : i32
    %dma_start3A_396 = tpu.memref_slice %arg4[%add3A_388, %dma_start3A_395] : memref<204800x128xf32, #tpu.memory_space<hbm>> -> memref<32x128xf32, #tpu.memory_space<hbm>>
    %dma_start3A_397 = tpu.memref_slice %arg8[%dma_start3A_390] : memref<14x!tpu.dma_semaphore, #tpu.memory_space<semaphore_mem>> -> memref<1x!tpu.dma_semaphore, #tpu.memory_space<semaphore_mem>>
    %dma_start3A_398 = tpu.memref_squeeze %dma_start3A_397 : memref<1x!tpu.dma_semaphore, #tpu.memory_space<semaphore_mem>> -> memref<!tpu.dma_semaphore, #tpu.memory_space<semaphore_mem>>
    %dma_start3A_399 = arith.constant 0 : i32
    %dma_start3A_400 = tpu.memref_slice %arg4[%add3A_388, %dma_start3A_399] : memref<204800x128xf32, #tpu.memory_space<hbm>> -> memref<32x128xf32, #tpu.memory_space<hbm>>
    %dma_start3A_401 = arith.constant 0 : i32
    %dma_start3A_402 = arith.constant 0 : i32
    %dma_start3A_403 = tpu.memref_slice %arg6[%dma_start3A_389, %dma_start3A_401, %dma_start3A_402] : memref<14x32x128xf32, #tpu.memory_space<vmem>> -> memref<1x32x128xf32, #tpu.memory_space<vmem>>
    %dma_start3A_404 = tpu.memref_squeeze %dma_start3A_403 : memref<1x32x128xf32, #tpu.memory_space<vmem>> -> memref<32x128xf32, #tpu.memory_space<vmem>>
    tpu.enqueue_dma source(%dma_start3A_404 : memref<32x128xf32, #tpu.memory_space<vmem>>) target(%dma_start3A_400 : memref<32x128xf32, #tpu.memory_space<hbm>>) target_semaphore(%dma_start3A_398 : memref<!tpu.dma_semaphore, #tpu.memory_space<semaphore_mem>>)
    %dma_wait3A_405 = arith.constant 7 : i32
    %dma_wait3A_406 = arith.constant 7 : i32
    %dma_wait3A_407 = arith.constant 0 : i32
    %dma_wait3A_408 = arith.constant 0 : i32
    %dma_wait3A_409 = tpu.memref_slice %arg6[%dma_wait3A_405, %dma_wait3A_407, %dma_wait3A_408] : memref<14x32x128xf32, #tpu.memory_space<vmem>> -> memref<1x32x128xf32, #tpu.memory_space<vmem>>
    %dma_wait3A_410 = tpu.memref_squeeze %dma_wait3A_409 : memref<1x32x128xf32, #tpu.memory_space<vmem>> -> memref<32x128xf32, #tpu.memory_space<vmem>>
    %dma_wait3A_411 = arith.constant 6048 : i32
    %dma_wait3A_412 = tpu.memref_slice %arg5[%dma_wait3A_411] : memref<6400xi32, #tpu.memory_space<vmem>> -> memref<32xi32, #tpu.memory_space<vmem>>
    %dma_wait3A_413 = arith.constant 0 : i32
    %dma_wait3A_414 = arith.constant 0 : i32
    %dma_wait3A_415 = tpu.memref_slice %arg3[%dma_wait3A_413, %dma_wait3A_414] : memref<100000x128xf32, #tpu.memory_space<hbm>> -> memref<100000x128xf32, #tpu.memory_space<hbm>>
    %dma_wait3A_416 = tpu.memref_slice %arg7[%dma_wait3A_406] : memref<14x!tpu.dma_semaphore, #tpu.memory_space<semaphore_mem>> -> memref<1x!tpu.dma_semaphore, #tpu.memory_space<semaphore_mem>>
    %dma_wait3A_417 = tpu.memref_squeeze %dma_wait3A_416 : memref<1x!tpu.dma_semaphore, #tpu.memory_space<semaphore_mem>> -> memref<!tpu.dma_semaphore, #tpu.memory_space<semaphore_mem>>
    tpu.wait_indirect_dma semaphore(%dma_wait3A_417 : memref<!tpu.dma_semaphore, #tpu.memory_space<semaphore_mem>>) src(%dma_wait3A_415 : memref<100000x128xf32, #tpu.memory_space<hbm>>) dst(%dma_wait3A_410 : memref<32x128xf32, #tpu.memory_space<vmem>>)
    %add3A_418 = arith.constant 6048 : i32
    %add3A_419 = arith.addi %mul3A_2, %add3A_418 : i32
    %dma_start3A_420 = arith.constant 7 : i32
    %dma_start3A_421 = arith.constant 7 : i32
    %dma_start3A_422 = arith.constant 0 : i32
    %dma_start3A_423 = arith.constant 0 : i32
    %dma_start3A_424 = tpu.memref_slice %arg6[%dma_start3A_420, %dma_start3A_422, %dma_start3A_423] : memref<14x32x128xf32, #tpu.memory_space<vmem>> -> memref<1x32x128xf32, #tpu.memory_space<vmem>>
    %dma_start3A_425 = tpu.memref_squeeze %dma_start3A_424 : memref<1x32x128xf32, #tpu.memory_space<vmem>> -> memref<32x128xf32, #tpu.memory_space<vmem>>
    %dma_start3A_426 = arith.constant 0 : i32
    %dma_start3A_427 = tpu.memref_slice %arg4[%add3A_419, %dma_start3A_426] : memref<204800x128xf32, #tpu.memory_space<hbm>> -> memref<32x128xf32, #tpu.memory_space<hbm>>
    %dma_start3A_428 = tpu.memref_slice %arg8[%dma_start3A_421] : memref<14x!tpu.dma_semaphore, #tpu.memory_space<semaphore_mem>> -> memref<1x!tpu.dma_semaphore, #tpu.memory_space<semaphore_mem>>
    %dma_start3A_429 = tpu.memref_squeeze %dma_start3A_428 : memref<1x!tpu.dma_semaphore, #tpu.memory_space<semaphore_mem>> -> memref<!tpu.dma_semaphore, #tpu.memory_space<semaphore_mem>>
    %dma_start3A_430 = arith.constant 0 : i32
    %dma_start3A_431 = tpu.memref_slice %arg4[%add3A_419, %dma_start3A_430] : memref<204800x128xf32, #tpu.memory_space<hbm>> -> memref<32x128xf32, #tpu.memory_space<hbm>>
    %dma_start3A_432 = arith.constant 0 : i32
    %dma_start3A_433 = arith.constant 0 : i32
    %dma_start3A_434 = tpu.memref_slice %arg6[%dma_start3A_420, %dma_start3A_432, %dma_start3A_433] : memref<14x32x128xf32, #tpu.memory_space<vmem>> -> memref<1x32x128xf32, #tpu.memory_space<vmem>>
    %dma_start3A_435 = tpu.memref_squeeze %dma_start3A_434 : memref<1x32x128xf32, #tpu.memory_space<vmem>> -> memref<32x128xf32, #tpu.memory_space<vmem>>
    tpu.enqueue_dma source(%dma_start3A_435 : memref<32x128xf32, #tpu.memory_space<vmem>>) target(%dma_start3A_431 : memref<32x128xf32, #tpu.memory_space<hbm>>) target_semaphore(%dma_start3A_429 : memref<!tpu.dma_semaphore, #tpu.memory_space<semaphore_mem>>)
    %dma_wait3A_436 = arith.constant 8 : i32
    %dma_wait3A_437 = arith.constant 8 : i32
    %dma_wait3A_438 = arith.constant 0 : i32
    %dma_wait3A_439 = arith.constant 0 : i32
    %dma_wait3A_440 = tpu.memref_slice %arg6[%dma_wait3A_436, %dma_wait3A_438, %dma_wait3A_439] : memref<14x32x128xf32, #tpu.memory_space<vmem>> -> memref<1x32x128xf32, #tpu.memory_space<vmem>>
    %dma_wait3A_441 = tpu.memref_squeeze %dma_wait3A_440 : memref<1x32x128xf32, #tpu.memory_space<vmem>> -> memref<32x128xf32, #tpu.memory_space<vmem>>
    %dma_wait3A_442 = arith.constant 6080 : i32
    %dma_wait3A_443 = tpu.memref_slice %arg5[%dma_wait3A_442] : memref<6400xi32, #tpu.memory_space<vmem>> -> memref<32xi32, #tpu.memory_space<vmem>>
    %dma_wait3A_444 = arith.constant 0 : i32
    %dma_wait3A_445 = arith.constant 0 : i32
    %dma_wait3A_446 = tpu.memref_slice %arg3[%dma_wait3A_444, %dma_wait3A_445] : memref<100000x128xf32, #tpu.memory_space<hbm>> -> memref<100000x128xf32, #tpu.memory_space<hbm>>
    %dma_wait3A_447 = tpu.memref_slice %arg7[%dma_wait3A_437] : memref<14x!tpu.dma_semaphore, #tpu.memory_space<semaphore_mem>> -> memref<1x!tpu.dma_semaphore, #tpu.memory_space<semaphore_mem>>
    %dma_wait3A_448 = tpu.memref_squeeze %dma_wait3A_447 : memref<1x!tpu.dma_semaphore, #tpu.memory_space<semaphore_mem>> -> memref<!tpu.dma_semaphore, #tpu.memory_space<semaphore_mem>>
    tpu.wait_indirect_dma semaphore(%dma_wait3A_448 : memref<!tpu.dma_semaphore, #tpu.memory_space<semaphore_mem>>) src(%dma_wait3A_446 : memref<100000x128xf32, #tpu.memory_space<hbm>>) dst(%dma_wait3A_441 : memref<32x128xf32, #tpu.memory_space<vmem>>)
    %add3A_449 = arith.constant 6080 : i32
    %add3A_450 = arith.addi %mul3A_2, %add3A_449 : i32
    %dma_start3A_451 = arith.constant 8 : i32
    %dma_start3A_452 = arith.constant 8 : i32
    %dma_start3A_453 = arith.constant 0 : i32
    %dma_start3A_454 = arith.constant 0 : i32
    %dma_start3A_455 = tpu.memref_slice %arg6[%dma_start3A_451, %dma_start3A_453, %dma_start3A_454] : memref<14x32x128xf32, #tpu.memory_space<vmem>> -> memref<1x32x128xf32, #tpu.memory_space<vmem>>
    %dma_start3A_456 = tpu.memref_squeeze %dma_start3A_455 : memref<1x32x128xf32, #tpu.memory_space<vmem>> -> memref<32x128xf32, #tpu.memory_space<vmem>>
    %dma_start3A_457 = arith.constant 0 : i32
    %dma_start3A_458 = tpu.memref_slice %arg4[%add3A_450, %dma_start3A_457] : memref<204800x128xf32, #tpu.memory_space<hbm>> -> memref<32x128xf32, #tpu.memory_space<hbm>>
    %dma_start3A_459 = tpu.memref_slice %arg8[%dma_start3A_452] : memref<14x!tpu.dma_semaphore, #tpu.memory_space<semaphore_mem>> -> memref<1x!tpu.dma_semaphore, #tpu.memory_space<semaphore_mem>>
    %dma_start3A_460 = tpu.memref_squeeze %dma_start3A_459 : memref<1x!tpu.dma_semaphore, #tpu.memory_space<semaphore_mem>> -> memref<!tpu.dma_semaphore, #tpu.memory_space<semaphore_mem>>
    %dma_start3A_461 = arith.constant 0 : i32
    %dma_start3A_462 = tpu.memref_slice %arg4[%add3A_450, %dma_start3A_461] : memref<204800x128xf32, #tpu.memory_space<hbm>> -> memref<32x128xf32, #tpu.memory_space<hbm>>
    %dma_start3A_463 = arith.constant 0 : i32
    %dma_start3A_464 = arith.constant 0 : i32
    %dma_start3A_465 = tpu.memref_slice %arg6[%dma_start3A_451, %dma_start3A_463, %dma_start3A_464] : memref<14x32x128xf32, #tpu.memory_space<vmem>> -> memref<1x32x128xf32, #tpu.memory_space<vmem>>
    %dma_start3A_466 = tpu.memref_squeeze %dma_start3A_465 : memref<1x32x128xf32, #tpu.memory_space<vmem>> -> memref<32x128xf32, #tpu.memory_space<vmem>>
    tpu.enqueue_dma source(%dma_start3A_466 : memref<32x128xf32, #tpu.memory_space<vmem>>) target(%dma_start3A_462 : memref<32x128xf32, #tpu.memory_space<hbm>>) target_semaphore(%dma_start3A_460 : memref<!tpu.dma_semaphore, #tpu.memory_space<semaphore_mem>>)
    %dma_wait3A_467 = arith.constant 9 : i32
    %dma_wait3A_468 = arith.constant 9 : i32
    %dma_wait3A_469 = arith.constant 0 : i32
    %dma_wait3A_470 = arith.constant 0 : i32
    %dma_wait3A_471 = tpu.memref_slice %arg6[%dma_wait3A_467, %dma_wait3A_469, %dma_wait3A_470] : memref<14x32x128xf32, #tpu.memory_space<vmem>> -> memref<1x32x128xf32, #tpu.memory_space<vmem>>
    %dma_wait3A_472 = tpu.memref_squeeze %dma_wait3A_471 : memref<1x32x128xf32, #tpu.memory_space<vmem>> -> memref<32x128xf32, #tpu.memory_space<vmem>>
    %dma_wait3A_473 = arith.constant 6112 : i32
    %dma_wait3A_474 = tpu.memref_slice %arg5[%dma_wait3A_473] : memref<6400xi32, #tpu.memory_space<vmem>> -> memref<32xi32, #tpu.memory_space<vmem>>
    %dma_wait3A_475 = arith.constant 0 : i32
    %dma_wait3A_476 = arith.constant 0 : i32
    %dma_wait3A_477 = tpu.memref_slice %arg3[%dma_wait3A_475, %dma_wait3A_476] : memref<100000x128xf32, #tpu.memory_space<hbm>> -> memref<100000x128xf32, #tpu.memory_space<hbm>>
    %dma_wait3A_478 = tpu.memref_slice %arg7[%dma_wait3A_468] : memref<14x!tpu.dma_semaphore, #tpu.memory_space<semaphore_mem>> -> memref<1x!tpu.dma_semaphore, #tpu.memory_space<semaphore_mem>>
    %dma_wait3A_479 = tpu.memref_squeeze %dma_wait3A_478 : memref<1x!tpu.dma_semaphore, #tpu.memory_space<semaphore_mem>> -> memref<!tpu.dma_semaphore, #tpu.memory_space<semaphore_mem>>
    tpu.wait_indirect_dma semaphore(%dma_wait3A_479 : memref<!tpu.dma_semaphore, #tpu.memory_space<semaphore_mem>>) src(%dma_wait3A_477 : memref<100000x128xf32, #tpu.memory_space<hbm>>) dst(%dma_wait3A_472 : memref<32x128xf32, #tpu.memory_space<vmem>>)
    %add3A_480 = arith.constant 6112 : i32
    %add3A_481 = arith.addi %mul3A_2, %add3A_480 : i32
    %dma_start3A_482 = arith.constant 9 : i32
    %dma_start3A_483 = arith.constant 9 : i32
    %dma_start3A_484 = arith.constant 0 : i32
    %dma_start3A_485 = arith.constant 0 : i32
    %dma_start3A_486 = tpu.memref_slice %arg6[%dma_start3A_482, %dma_start3A_484, %dma_start3A_485] : memref<14x32x128xf32, #tpu.memory_space<vmem>> -> memref<1x32x128xf32, #tpu.memory_space<vmem>>
    %dma_start3A_487 = tpu.memref_squeeze %dma_start3A_486 : memref<1x32x128xf32, #tpu.memory_space<vmem>> -> memref<32x128xf32, #tpu.memory_space<vmem>>
    %dma_start3A_488 = arith.constant 0 : i32
    %dma_start3A_489 = tpu.memref_slice %arg4[%add3A_481, %dma_start3A_488] : memref<204800x128xf32, #tpu.memory_space<hbm>> -> memref<32x128xf32, #tpu.memory_space<hbm>>
    %dma_start3A_490 = tpu.memref_slice %arg8[%dma_start3A_483] : memref<14x!tpu.dma_semaphore, #tpu.memory_space<semaphore_mem>> -> memref<1x!tpu.dma_semaphore, #tpu.memory_space<semaphore_mem>>
    %dma_start3A_491 = tpu.memref_squeeze %dma_start3A_490 : memref<1x!tpu.dma_semaphore, #tpu.memory_space<semaphore_mem>> -> memref<!tpu.dma_semaphore, #tpu.memory_space<semaphore_mem>>
    %dma_start3A_492 = arith.constant 0 : i32
    %dma_start3A_493 = tpu.memref_slice %arg4[%add3A_481, %dma_start3A_492] : memref<204800x128xf32, #tpu.memory_space<hbm>> -> memref<32x128xf32, #tpu.memory_space<hbm>>
    %dma_start3A_494 = arith.constant 0 : i32
    %dma_start3A_495 = arith.constant 0 : i32
    %dma_start3A_496 = tpu.memref_slice %arg6[%dma_start3A_482, %dma_start3A_494, %dma_start3A_495] : memref<14x32x128xf32, #tpu.memory_space<vmem>> -> memref<1x32x128xf32, #tpu.memory_space<vmem>>
    %dma_start3A_497 = tpu.memref_squeeze %dma_start3A_496 : memref<1x32x128xf32, #tpu.memory_space<vmem>> -> memref<32x128xf32, #tpu.memory_space<vmem>>
    tpu.enqueue_dma source(%dma_start3A_497 : memref<32x128xf32, #tpu.memory_space<vmem>>) target(%dma_start3A_493 : memref<32x128xf32, #tpu.memory_space<hbm>>) target_semaphore(%dma_start3A_491 : memref<!tpu.dma_semaphore, #tpu.memory_space<semaphore_mem>>)
    %dma_wait3A_498 = arith.constant 10 : i32
    %dma_wait3A_499 = arith.constant 10 : i32
    %dma_wait3A_500 = arith.constant 0 : i32
    %dma_wait3A_501 = arith.constant 0 : i32
    %dma_wait3A_502 = tpu.memref_slice %arg6[%dma_wait3A_498, %dma_wait3A_500, %dma_wait3A_501] : memref<14x32x128xf32, #tpu.memory_space<vmem>> -> memref<1x32x128xf32, #tpu.memory_space<vmem>>
    %dma_wait3A_503 = tpu.memref_squeeze %dma_wait3A_502 : memref<1x32x128xf32, #tpu.memory_space<vmem>> -> memref<32x128xf32, #tpu.memory_space<vmem>>
    %dma_wait3A_504 = arith.constant 6144 : i32
    %dma_wait3A_505 = tpu.memref_slice %arg5[%dma_wait3A_504] : memref<6400xi32, #tpu.memory_space<vmem>> -> memref<32xi32, #tpu.memory_space<vmem>>
    %dma_wait3A_506 = arith.constant 0 : i32
    %dma_wait3A_507 = arith.constant 0 : i32
    %dma_wait3A_508 = tpu.memref_slice %arg3[%dma_wait3A_506, %dma_wait3A_507] : memref<100000x128xf32, #tpu.memory_space<hbm>> -> memref<100000x128xf32, #tpu.memory_space<hbm>>
    %dma_wait3A_509 = tpu.memref_slice %arg7[%dma_wait3A_499] : memref<14x!tpu.dma_semaphore, #tpu.memory_space<semaphore_mem>> -> memref<1x!tpu.dma_semaphore, #tpu.memory_space<semaphore_mem>>
    %dma_wait3A_510 = tpu.memref_squeeze %dma_wait3A_509 : memref<1x!tpu.dma_semaphore, #tpu.memory_space<semaphore_mem>> -> memref<!tpu.dma_semaphore, #tpu.memory_space<semaphore_mem>>
    tpu.wait_indirect_dma semaphore(%dma_wait3A_510 : memref<!tpu.dma_semaphore, #tpu.memory_space<semaphore_mem>>) src(%dma_wait3A_508 : memref<100000x128xf32, #tpu.memory_space<hbm>>) dst(%dma_wait3A_503 : memref<32x128xf32, #tpu.memory_space<vmem>>)
    %add3A_511 = arith.constant 6144 : i32
    %add3A_512 = arith.addi %mul3A_2, %add3A_511 : i32
    %dma_start3A_513 = arith.constant 10 : i32
    %dma_start3A_514 = arith.constant 10 : i32
    %dma_start3A_515 = arith.constant 0 : i32
    %dma_start3A_516 = arith.constant 0 : i32
    %dma_start3A_517 = tpu.memref_slice %arg6[%dma_start3A_513, %dma_start3A_515, %dma_start3A_516] : memref<14x32x128xf32, #tpu.memory_space<vmem>> -> memref<1x32x128xf32, #tpu.memory_space<vmem>>
    %dma_start3A_518 = tpu.memref_squeeze %dma_start3A_517 : memref<1x32x128xf32, #tpu.memory_space<vmem>> -> memref<32x128xf32, #tpu.memory_space<vmem>>
    %dma_start3A_519 = arith.constant 0 : i32
    %dma_start3A_520 = tpu.memref_slice %arg4[%add3A_512, %dma_start3A_519] : memref<204800x128xf32, #tpu.memory_space<hbm>> -> memref<32x128xf32, #tpu.memory_space<hbm>>
    %dma_start3A_521 = tpu.memref_slice %arg8[%dma_start3A_514] : memref<14x!tpu.dma_semaphore, #tpu.memory_space<semaphore_mem>> -> memref<1x!tpu.dma_semaphore, #tpu.memory_space<semaphore_mem>>
    %dma_start3A_522 = tpu.memref_squeeze %dma_start3A_521 : memref<1x!tpu.dma_semaphore, #tpu.memory_space<semaphore_mem>> -> memref<!tpu.dma_semaphore, #tpu.memory_space<semaphore_mem>>
    %dma_start3A_523 = arith.constant 0 : i32
    %dma_start3A_524 = tpu.memref_slice %arg4[%add3A_512, %dma_start3A_523] : memref<204800x128xf32, #tpu.memory_space<hbm>> -> memref<32x128xf32, #tpu.memory_space<hbm>>
    %dma_start3A_525 = arith.constant 0 : i32
    %dma_start3A_526 = arith.constant 0 : i32
    %dma_start3A_527 = tpu.memref_slice %arg6[%dma_start3A_513, %dma_start3A_525, %dma_start3A_526] : memref<14x32x128xf32, #tpu.memory_space<vmem>> -> memref<1x32x128xf32, #tpu.memory_space<vmem>>
    %dma_start3A_528 = tpu.memref_squeeze %dma_start3A_527 : memref<1x32x128xf32, #tpu.memory_space<vmem>> -> memref<32x128xf32, #tpu.memory_space<vmem>>
    tpu.enqueue_dma source(%dma_start3A_528 : memref<32x128xf32, #tpu.memory_space<vmem>>) target(%dma_start3A_524 : memref<32x128xf32, #tpu.memory_space<hbm>>) target_semaphore(%dma_start3A_522 : memref<!tpu.dma_semaphore, #tpu.memory_space<semaphore_mem>>)
    %dma_wait3A_529 = arith.constant 11 : i32
    %dma_wait3A_530 = arith.constant 11 : i32
    %dma_wait3A_531 = arith.constant 0 : i32
    %dma_wait3A_532 = arith.constant 0 : i32
    %dma_wait3A_533 = tpu.memref_slice %arg6[%dma_wait3A_529, %dma_wait3A_531, %dma_wait3A_532] : memref<14x32x128xf32, #tpu.memory_space<vmem>> -> memref<1x32x128xf32, #tpu.memory_space<vmem>>
    %dma_wait3A_534 = tpu.memref_squeeze %dma_wait3A_533 : memref<1x32x128xf32, #tpu.memory_space<vmem>> -> memref<32x128xf32, #tpu.memory_space<vmem>>
    %dma_wait3A_535 = arith.constant 6176 : i32
    %dma_wait3A_536 = tpu.memref_slice %arg5[%dma_wait3A_535] : memref<6400xi32, #tpu.memory_space<vmem>> -> memref<32xi32, #tpu.memory_space<vmem>>
    %dma_wait3A_537 = arith.constant 0 : i32
    %dma_wait3A_538 = arith.constant 0 : i32
    %dma_wait3A_539 = tpu.memref_slice %arg3[%dma_wait3A_537, %dma_wait3A_538] : memref<100000x128xf32, #tpu.memory_space<hbm>> -> memref<100000x128xf32, #tpu.memory_space<hbm>>
    %dma_wait3A_540 = tpu.memref_slice %arg7[%dma_wait3A_530] : memref<14x!tpu.dma_semaphore, #tpu.memory_space<semaphore_mem>> -> memref<1x!tpu.dma_semaphore, #tpu.memory_space<semaphore_mem>>
    %dma_wait3A_541 = tpu.memref_squeeze %dma_wait3A_540 : memref<1x!tpu.dma_semaphore, #tpu.memory_space<semaphore_mem>> -> memref<!tpu.dma_semaphore, #tpu.memory_space<semaphore_mem>>
    tpu.wait_indirect_dma semaphore(%dma_wait3A_541 : memref<!tpu.dma_semaphore, #tpu.memory_space<semaphore_mem>>) src(%dma_wait3A_539 : memref<100000x128xf32, #tpu.memory_space<hbm>>) dst(%dma_wait3A_534 : memref<32x128xf32, #tpu.memory_space<vmem>>)
    %add3A_542 = arith.constant 6176 : i32
    %add3A_543 = arith.addi %mul3A_2, %add3A_542 : i32
    %dma_start3A_544 = arith.constant 11 : i32
    %dma_start3A_545 = arith.constant 11 : i32
    %dma_start3A_546 = arith.constant 0 : i32
    %dma_start3A_547 = arith.constant 0 : i32
    %dma_start3A_548 = tpu.memref_slice %arg6[%dma_start3A_544, %dma_start3A_546, %dma_start3A_547] : memref<14x32x128xf32, #tpu.memory_space<vmem>> -> memref<1x32x128xf32, #tpu.memory_space<vmem>>
    %dma_start3A_549 = tpu.memref_squeeze %dma_start3A_548 : memref<1x32x128xf32, #tpu.memory_space<vmem>> -> memref<32x128xf32, #tpu.memory_space<vmem>>
    %dma_start3A_550 = arith.constant 0 : i32
    %dma_start3A_551 = tpu.memref_slice %arg4[%add3A_543, %dma_start3A_550] : memref<204800x128xf32, #tpu.memory_space<hbm>> -> memref<32x128xf32, #tpu.memory_space<hbm>>
    %dma_start3A_552 = tpu.memref_slice %arg8[%dma_start3A_545] : memref<14x!tpu.dma_semaphore, #tpu.memory_space<semaphore_mem>> -> memref<1x!tpu.dma_semaphore, #tpu.memory_space<semaphore_mem>>
    %dma_start3A_553 = tpu.memref_squeeze %dma_start3A_552 : memref<1x!tpu.dma_semaphore, #tpu.memory_space<semaphore_mem>> -> memref<!tpu.dma_semaphore, #tpu.memory_space<semaphore_mem>>
    %dma_start3A_554 = arith.constant 0 : i32
    %dma_start3A_555 = tpu.memref_slice %arg4[%add3A_543, %dma_start3A_554] : memref<204800x128xf32, #tpu.memory_space<hbm>> -> memref<32x128xf32, #tpu.memory_space<hbm>>
    %dma_start3A_556 = arith.constant 0 : i32
    %dma_start3A_557 = arith.constant 0 : i32
    %dma_start3A_558 = tpu.memref_slice %arg6[%dma_start3A_544, %dma_start3A_556, %dma_start3A_557] : memref<14x32x128xf32, #tpu.memory_space<vmem>> -> memref<1x32x128xf32, #tpu.memory_space<vmem>>
    %dma_start3A_559 = tpu.memref_squeeze %dma_start3A_558 : memref<1x32x128xf32, #tpu.memory_space<vmem>> -> memref<32x128xf32, #tpu.memory_space<vmem>>
    tpu.enqueue_dma source(%dma_start3A_559 : memref<32x128xf32, #tpu.memory_space<vmem>>) target(%dma_start3A_555 : memref<32x128xf32, #tpu.memory_space<hbm>>) target_semaphore(%dma_start3A_553 : memref<!tpu.dma_semaphore, #tpu.memory_space<semaphore_mem>>)
    %dma_wait3A_560 = arith.constant 12 : i32
    %dma_wait3A_561 = arith.constant 12 : i32
    %dma_wait3A_562 = arith.constant 0 : i32
    %dma_wait3A_563 = arith.constant 0 : i32
    %dma_wait3A_564 = tpu.memref_slice %arg6[%dma_wait3A_560, %dma_wait3A_562, %dma_wait3A_563] : memref<14x32x128xf32, #tpu.memory_space<vmem>> -> memref<1x32x128xf32, #tpu.memory_space<vmem>>
    %dma_wait3A_565 = tpu.memref_squeeze %dma_wait3A_564 : memref<1x32x128xf32, #tpu.memory_space<vmem>> -> memref<32x128xf32, #tpu.memory_space<vmem>>
    %dma_wait3A_566 = arith.constant 6208 : i32
    %dma_wait3A_567 = tpu.memref_slice %arg5[%dma_wait3A_566] : memref<6400xi32, #tpu.memory_space<vmem>> -> memref<32xi32, #tpu.memory_space<vmem>>
    %dma_wait3A_568 = arith.constant 0 : i32
    %dma_wait3A_569 = arith.constant 0 : i32
    %dma_wait3A_570 = tpu.memref_slice %arg3[%dma_wait3A_568, %dma_wait3A_569] : memref<100000x128xf32, #tpu.memory_space<hbm>> -> memref<100000x128xf32, #tpu.memory_space<hbm>>
    %dma_wait3A_571 = tpu.memref_slice %arg7[%dma_wait3A_561] : memref<14x!tpu.dma_semaphore, #tpu.memory_space<semaphore_mem>> -> memref<1x!tpu.dma_semaphore, #tpu.memory_space<semaphore_mem>>
    %dma_wait3A_572 = tpu.memref_squeeze %dma_wait3A_571 : memref<1x!tpu.dma_semaphore, #tpu.memory_space<semaphore_mem>> -> memref<!tpu.dma_semaphore, #tpu.memory_space<semaphore_mem>>
    tpu.wait_indirect_dma semaphore(%dma_wait3A_572 : memref<!tpu.dma_semaphore, #tpu.memory_space<semaphore_mem>>) src(%dma_wait3A_570 : memref<100000x128xf32, #tpu.memory_space<hbm>>) dst(%dma_wait3A_565 : memref<32x128xf32, #tpu.memory_space<vmem>>)
    %add3A_573 = arith.constant 6208 : i32
    %add3A_574 = arith.addi %mul3A_2, %add3A_573 : i32
    %dma_start3A_575 = arith.constant 12 : i32
    %dma_start3A_576 = arith.constant 12 : i32
    %dma_start3A_577 = arith.constant 0 : i32
    %dma_start3A_578 = arith.constant 0 : i32
    %dma_start3A_579 = tpu.memref_slice %arg6[%dma_start3A_575, %dma_start3A_577, %dma_start3A_578] : memref<14x32x128xf32, #tpu.memory_space<vmem>> -> memref<1x32x128xf32, #tpu.memory_space<vmem>>
    %dma_start3A_580 = tpu.memref_squeeze %dma_start3A_579 : memref<1x32x128xf32, #tpu.memory_space<vmem>> -> memref<32x128xf32, #tpu.memory_space<vmem>>
    %dma_start3A_581 = arith.constant 0 : i32
    %dma_start3A_582 = tpu.memref_slice %arg4[%add3A_574, %dma_start3A_581] : memref<204800x128xf32, #tpu.memory_space<hbm>> -> memref<32x128xf32, #tpu.memory_space<hbm>>
    %dma_start3A_583 = tpu.memref_slice %arg8[%dma_start3A_576] : memref<14x!tpu.dma_semaphore, #tpu.memory_space<semaphore_mem>> -> memref<1x!tpu.dma_semaphore, #tpu.memory_space<semaphore_mem>>
    %dma_start3A_584 = tpu.memref_squeeze %dma_start3A_583 : memref<1x!tpu.dma_semaphore, #tpu.memory_space<semaphore_mem>> -> memref<!tpu.dma_semaphore, #tpu.memory_space<semaphore_mem>>
    %dma_start3A_585 = arith.constant 0 : i32
    %dma_start3A_586 = tpu.memref_slice %arg4[%add3A_574, %dma_start3A_585] : memref<204800x128xf32, #tpu.memory_space<hbm>> -> memref<32x128xf32, #tpu.memory_space<hbm>>
    %dma_start3A_587 = arith.constant 0 : i32
    %dma_start3A_588 = arith.constant 0 : i32
    %dma_start3A_589 = tpu.memref_slice %arg6[%dma_start3A_575, %dma_start3A_587, %dma_start3A_588] : memref<14x32x128xf32, #tpu.memory_space<vmem>> -> memref<1x32x128xf32, #tpu.memory_space<vmem>>
    %dma_start3A_590 = tpu.memref_squeeze %dma_start3A_589 : memref<1x32x128xf32, #tpu.memory_space<vmem>> -> memref<32x128xf32, #tpu.memory_space<vmem>>
    tpu.enqueue_dma source(%dma_start3A_590 : memref<32x128xf32, #tpu.memory_space<vmem>>) target(%dma_start3A_586 : memref<32x128xf32, #tpu.memory_space<hbm>>) target_semaphore(%dma_start3A_584 : memref<!tpu.dma_semaphore, #tpu.memory_space<semaphore_mem>>)
    %dma_wait3A_591 = arith.constant 13 : i32
    %dma_wait3A_592 = arith.constant 13 : i32
    %dma_wait3A_593 = arith.constant 0 : i32
    %dma_wait3A_594 = arith.constant 0 : i32
    %dma_wait3A_595 = tpu.memref_slice %arg6[%dma_wait3A_591, %dma_wait3A_593, %dma_wait3A_594] : memref<14x32x128xf32, #tpu.memory_space<vmem>> -> memref<1x32x128xf32, #tpu.memory_space<vmem>>
    %dma_wait3A_596 = tpu.memref_squeeze %dma_wait3A_595 : memref<1x32x128xf32, #tpu.memory_space<vmem>> -> memref<32x128xf32, #tpu.memory_space<vmem>>
    %dma_wait3A_597 = arith.constant 6240 : i32
    %dma_wait3A_598 = tpu.memref_slice %arg5[%dma_wait3A_597] : memref<6400xi32, #tpu.memory_space<vmem>> -> memref<32xi32, #tpu.memory_space<vmem>>
    %dma_wait3A_599 = arith.constant 0 : i32
    %dma_wait3A_600 = arith.constant 0 : i32
    %dma_wait3A_601 = tpu.memref_slice %arg3[%dma_wait3A_599, %dma_wait3A_600] : memref<100000x128xf32, #tpu.memory_space<hbm>> -> memref<100000x128xf32, #tpu.memory_space<hbm>>
    %dma_wait3A_602 = tpu.memref_slice %arg7[%dma_wait3A_592] : memref<14x!tpu.dma_semaphore, #tpu.memory_space<semaphore_mem>> -> memref<1x!tpu.dma_semaphore, #tpu.memory_space<semaphore_mem>>
    %dma_wait3A_603 = tpu.memref_squeeze %dma_wait3A_602 : memref<1x!tpu.dma_semaphore, #tpu.memory_space<semaphore_mem>> -> memref<!tpu.dma_semaphore, #tpu.memory_space<semaphore_mem>>
    tpu.wait_indirect_dma semaphore(%dma_wait3A_603 : memref<!tpu.dma_semaphore, #tpu.memory_space<semaphore_mem>>) src(%dma_wait3A_601 : memref<100000x128xf32, #tpu.memory_space<hbm>>) dst(%dma_wait3A_596 : memref<32x128xf32, #tpu.memory_space<vmem>>)
    %add3A_604 = arith.constant 6240 : i32
    %add3A_605 = arith.addi %mul3A_2, %add3A_604 : i32
    %dma_start3A_606 = arith.constant 13 : i32
    %dma_start3A_607 = arith.constant 13 : i32
    %dma_start3A_608 = arith.constant 0 : i32
    %dma_start3A_609 = arith.constant 0 : i32
    %dma_start3A_610 = tpu.memref_slice %arg6[%dma_start3A_606, %dma_start3A_608, %dma_start3A_609] : memref<14x32x128xf32, #tpu.memory_space<vmem>> -> memref<1x32x128xf32, #tpu.memory_space<vmem>>
    %dma_start3A_611 = tpu.memref_squeeze %dma_start3A_610 : memref<1x32x128xf32, #tpu.memory_space<vmem>> -> memref<32x128xf32, #tpu.memory_space<vmem>>
    %dma_start3A_612 = arith.constant 0 : i32
    %dma_start3A_613 = tpu.memref_slice %arg4[%add3A_605, %dma_start3A_612] : memref<204800x128xf32, #tpu.memory_space<hbm>> -> memref<32x128xf32, #tpu.memory_space<hbm>>
    %dma_start3A_614 = tpu.memref_slice %arg8[%dma_start3A_607] : memref<14x!tpu.dma_semaphore, #tpu.memory_space<semaphore_mem>> -> memref<1x!tpu.dma_semaphore, #tpu.memory_space<semaphore_mem>>
    %dma_start3A_615 = tpu.memref_squeeze %dma_start3A_614 : memref<1x!tpu.dma_semaphore, #tpu.memory_space<semaphore_mem>> -> memref<!tpu.dma_semaphore, #tpu.memory_space<semaphore_mem>>
    %dma_start3A_616 = arith.constant 0 : i32
    %dma_start3A_617 = tpu.memref_slice %arg4[%add3A_605, %dma_start3A_616] : memref<204800x128xf32, #tpu.memory_space<hbm>> -> memref<32x128xf32, #tpu.memory_space<hbm>>
    %dma_start3A_618 = arith.constant 0 : i32
    %dma_start3A_619 = arith.constant 0 : i32
    %dma_start3A_620 = tpu.memref_slice %arg6[%dma_start3A_606, %dma_start3A_618, %dma_start3A_619] : memref<14x32x128xf32, #tpu.memory_space<vmem>> -> memref<1x32x128xf32, #tpu.memory_space<vmem>>
    %dma_start3A_621 = tpu.memref_squeeze %dma_start3A_620 : memref<1x32x128xf32, #tpu.memory_space<vmem>> -> memref<32x128xf32, #tpu.memory_space<vmem>>
    tpu.enqueue_dma source(%dma_start3A_621 : memref<32x128xf32, #tpu.memory_space<vmem>>) target(%dma_start3A_617 : memref<32x128xf32, #tpu.memory_space<hbm>>) target_semaphore(%dma_start3A_615 : memref<!tpu.dma_semaphore, #tpu.memory_space<semaphore_mem>>)
    %add3A_622 = arith.constant 5824 : i32
    %add3A_623 = arith.addi %mul3A_2, %add3A_622 : i32
    %dma_wait3A_624 = arith.constant 0 : i32
    %dma_wait3A_625 = arith.constant 0 : i32
    %dma_wait3A_626 = arith.constant 0 : i32
    %dma_wait3A_627 = arith.constant 0 : i32
    %dma_wait3A_628 = tpu.memref_slice %arg6[%dma_wait3A_624, %dma_wait3A_626, %dma_wait3A_627] : memref<14x32x128xf32, #tpu.memory_space<vmem>> -> memref<1x32x128xf32, #tpu.memory_space<vmem>>
    %dma_wait3A_629 = tpu.memref_squeeze %dma_wait3A_628 : memref<1x32x128xf32, #tpu.memory_space<vmem>> -> memref<32x128xf32, #tpu.memory_space<vmem>>
    %dma_wait3A_630 = arith.constant 0 : i32
    %dma_wait3A_631 = tpu.memref_slice %arg4[%add3A_623, %dma_wait3A_630] : memref<204800x128xf32, #tpu.memory_space<hbm>> -> memref<32x128xf32, #tpu.memory_space<hbm>>
    %dma_wait3A_632 = tpu.memref_slice %arg8[%dma_wait3A_625] : memref<14x!tpu.dma_semaphore, #tpu.memory_space<semaphore_mem>> -> memref<1x!tpu.dma_semaphore, #tpu.memory_space<semaphore_mem>>
    %dma_wait3A_633 = tpu.memref_squeeze %dma_wait3A_632 : memref<1x!tpu.dma_semaphore, #tpu.memory_space<semaphore_mem>> -> memref<!tpu.dma_semaphore, #tpu.memory_space<semaphore_mem>>
    %dma_wait3A_634 = arith.constant 0 : i32
    %dma_wait3A_635 = tpu.memref_slice %arg4[%add3A_623, %dma_wait3A_634] : memref<204800x128xf32, #tpu.memory_space<hbm>> -> memref<32x128xf32, #tpu.memory_space<hbm>>
    %dma_wait3A_636 = arith.constant 0 : i32
    %dma_wait3A_637 = arith.constant 0 : i32
    %dma_wait3A_638 = tpu.memref_slice %arg6[%dma_wait3A_624, %dma_wait3A_636, %dma_wait3A_637] : memref<14x32x128xf32, #tpu.memory_space<vmem>> -> memref<1x32x128xf32, #tpu.memory_space<vmem>>
    %dma_wait3A_639 = tpu.memref_squeeze %dma_wait3A_638 : memref<1x32x128xf32, #tpu.memory_space<vmem>> -> memref<32x128xf32, #tpu.memory_space<vmem>>
    tpu.wait_dma2 semaphore(%dma_wait3A_633 : memref<!tpu.dma_semaphore, #tpu.memory_space<semaphore_mem>>) src(%dma_wait3A_639 : memref<32x128xf32, #tpu.memory_space<vmem>>) dst(%dma_wait3A_635 : memref<32x128xf32, #tpu.memory_space<hbm>>)
    %dma_start3A_640 = arith.constant 0 : i32
    %dma_start3A_641 = arith.constant 0 : i32
    %dma_start3A_642 = arith.constant 0 : i32
    %dma_start3A_643 = arith.constant 0 : i32
    %dma_start3A_644 = tpu.memref_slice %arg6[%dma_start3A_640, %dma_start3A_642, %dma_start3A_643] : memref<14x32x128xf32, #tpu.memory_space<vmem>> -> memref<1x32x128xf32, #tpu.memory_space<vmem>>
    %dma_start3A_645 = tpu.memref_squeeze %dma_start3A_644 : memref<1x32x128xf32, #tpu.memory_space<vmem>> -> memref<32x128xf32, #tpu.memory_space<vmem>>
    %dma_start3A_646 = arith.constant 6272 : i32
    %dma_start3A_647 = tpu.memref_slice %arg5[%dma_start3A_646] : memref<6400xi32, #tpu.memory_space<vmem>> -> memref<32xi32, #tpu.memory_space<vmem>>
    %dma_start3A_648 = arith.constant 0 : i32
    %dma_start3A_649 = arith.constant 0 : i32
    %dma_start3A_650 = tpu.memref_slice %arg3[%dma_start3A_648, %dma_start3A_649] : memref<100000x128xf32, #tpu.memory_space<hbm>> -> memref<100000x128xf32, #tpu.memory_space<hbm>>
    %dma_start3A_651 = tpu.memref_slice %arg7[%dma_start3A_641] : memref<14x!tpu.dma_semaphore, #tpu.memory_space<semaphore_mem>> -> memref<1x!tpu.dma_semaphore, #tpu.memory_space<semaphore_mem>>
    %dma_start3A_652 = tpu.memref_squeeze %dma_start3A_651 : memref<1x!tpu.dma_semaphore, #tpu.memory_space<semaphore_mem>> -> memref<!tpu.dma_semaphore, #tpu.memory_space<semaphore_mem>>
    tpu.enqueue_indirect_dma source(%dma_start3A_650 : memref<100000x128xf32, #tpu.memory_space<hbm>>) target(%dma_start3A_645 : memref<32x128xf32, #tpu.memory_space<vmem>>) offsets(%dma_start3A_647 : memref<32xi32, #tpu.memory_space<vmem>>) semaphore(%dma_start3A_652 : memref<!tpu.dma_semaphore, #tpu.memory_space<semaphore_mem>>)
    %add3A_653 = arith.constant 5856 : i32
    %add3A_654 = arith.addi %mul3A_2, %add3A_653 : i32
    %dma_wait3A_655 = arith.constant 1 : i32
    %dma_wait3A_656 = arith.constant 1 : i32
    %dma_wait3A_657 = arith.constant 0 : i32
    %dma_wait3A_658 = arith.constant 0 : i32
    %dma_wait3A_659 = tpu.memref_slice %arg6[%dma_wait3A_655, %dma_wait3A_657, %dma_wait3A_658] : memref<14x32x128xf32, #tpu.memory_space<vmem>> -> memref<1x32x128xf32, #tpu.memory_space<vmem>>
    %dma_wait3A_660 = tpu.memref_squeeze %dma_wait3A_659 : memref<1x32x128xf32, #tpu.memory_space<vmem>> -> memref<32x128xf32, #tpu.memory_space<vmem>>
    %dma_wait3A_661 = arith.constant 0 : i32
    %dma_wait3A_662 = tpu.memref_slice %arg4[%add3A_654, %dma_wait3A_661] : memref<204800x128xf32, #tpu.memory_space<hbm>> -> memref<32x128xf32, #tpu.memory_space<hbm>>
    %dma_wait3A_663 = tpu.memref_slice %arg8[%dma_wait3A_656] : memref<14x!tpu.dma_semaphore, #tpu.memory_space<semaphore_mem>> -> memref<1x!tpu.dma_semaphore, #tpu.memory_space<semaphore_mem>>
    %dma_wait3A_664 = tpu.memref_squeeze %dma_wait3A_663 : memref<1x!tpu.dma_semaphore, #tpu.memory_space<semaphore_mem>> -> memref<!tpu.dma_semaphore, #tpu.memory_space<semaphore_mem>>
    %dma_wait3A_665 = arith.constant 0 : i32
    %dma_wait3A_666 = tpu.memref_slice %arg4[%add3A_654, %dma_wait3A_665] : memref<204800x128xf32, #tpu.memory_space<hbm>> -> memref<32x128xf32, #tpu.memory_space<hbm>>
    %dma_wait3A_667 = arith.constant 0 : i32
    %dma_wait3A_668 = arith.constant 0 : i32
    %dma_wait3A_669 = tpu.memref_slice %arg6[%dma_wait3A_655, %dma_wait3A_667, %dma_wait3A_668] : memref<14x32x128xf32, #tpu.memory_space<vmem>> -> memref<1x32x128xf32, #tpu.memory_space<vmem>>
    %dma_wait3A_670 = tpu.memref_squeeze %dma_wait3A_669 : memref<1x32x128xf32, #tpu.memory_space<vmem>> -> memref<32x128xf32, #tpu.memory_space<vmem>>
    tpu.wait_dma2 semaphore(%dma_wait3A_664 : memref<!tpu.dma_semaphore, #tpu.memory_space<semaphore_mem>>) src(%dma_wait3A_670 : memref<32x128xf32, #tpu.memory_space<vmem>>) dst(%dma_wait3A_666 : memref<32x128xf32, #tpu.memory_space<hbm>>)
    %dma_start3A_671 = arith.constant 1 : i32
    %dma_start3A_672 = arith.constant 1 : i32
    %dma_start3A_673 = arith.constant 0 : i32
    %dma_start3A_674 = arith.constant 0 : i32
    %dma_start3A_675 = tpu.memref_slice %arg6[%dma_start3A_671, %dma_start3A_673, %dma_start3A_674] : memref<14x32x128xf32, #tpu.memory_space<vmem>> -> memref<1x32x128xf32, #tpu.memory_space<vmem>>
    %dma_start3A_676 = tpu.memref_squeeze %dma_start3A_675 : memref<1x32x128xf32, #tpu.memory_space<vmem>> -> memref<32x128xf32, #tpu.memory_space<vmem>>
    %dma_start3A_677 = arith.constant 6304 : i32
    %dma_start3A_678 = tpu.memref_slice %arg5[%dma_start3A_677] : memref<6400xi32, #tpu.memory_space<vmem>> -> memref<32xi32, #tpu.memory_space<vmem>>
    %dma_start3A_679 = arith.constant 0 : i32
    %dma_start3A_680 = arith.constant 0 : i32
    %dma_start3A_681 = tpu.memref_slice %arg3[%dma_start3A_679, %dma_start3A_680] : memref<100000x128xf32, #tpu.memory_space<hbm>> -> memref<100000x128xf32, #tpu.memory_space<hbm>>
    %dma_start3A_682 = tpu.memref_slice %arg7[%dma_start3A_672] : memref<14x!tpu.dma_semaphore, #tpu.memory_space<semaphore_mem>> -> memref<1x!tpu.dma_semaphore, #tpu.memory_space<semaphore_mem>>
    %dma_start3A_683 = tpu.memref_squeeze %dma_start3A_682 : memref<1x!tpu.dma_semaphore, #tpu.memory_space<semaphore_mem>> -> memref<!tpu.dma_semaphore, #tpu.memory_space<semaphore_mem>>
    tpu.enqueue_indirect_dma source(%dma_start3A_681 : memref<100000x128xf32, #tpu.memory_space<hbm>>) target(%dma_start3A_676 : memref<32x128xf32, #tpu.memory_space<vmem>>) offsets(%dma_start3A_678 : memref<32xi32, #tpu.memory_space<vmem>>) semaphore(%dma_start3A_683 : memref<!tpu.dma_semaphore, #tpu.memory_space<semaphore_mem>>)
    %add3A_684 = arith.constant 5888 : i32
    %add3A_685 = arith.addi %mul3A_2, %add3A_684 : i32
    %dma_wait3A_686 = arith.constant 2 : i32
    %dma_wait3A_687 = arith.constant 2 : i32
    %dma_wait3A_688 = arith.constant 0 : i32
    %dma_wait3A_689 = arith.constant 0 : i32
    %dma_wait3A_690 = tpu.memref_slice %arg6[%dma_wait3A_686, %dma_wait3A_688, %dma_wait3A_689] : memref<14x32x128xf32, #tpu.memory_space<vmem>> -> memref<1x32x128xf32, #tpu.memory_space<vmem>>
    %dma_wait3A_691 = tpu.memref_squeeze %dma_wait3A_690 : memref<1x32x128xf32, #tpu.memory_space<vmem>> -> memref<32x128xf32, #tpu.memory_space<vmem>>
    %dma_wait3A_692 = arith.constant 0 : i32
    %dma_wait3A_693 = tpu.memref_slice %arg4[%add3A_685, %dma_wait3A_692] : memref<204800x128xf32, #tpu.memory_space<hbm>> -> memref<32x128xf32, #tpu.memory_space<hbm>>
    %dma_wait3A_694 = tpu.memref_slice %arg8[%dma_wait3A_687] : memref<14x!tpu.dma_semaphore, #tpu.memory_space<semaphore_mem>> -> memref<1x!tpu.dma_semaphore, #tpu.memory_space<semaphore_mem>>
    %dma_wait3A_695 = tpu.memref_squeeze %dma_wait3A_694 : memref<1x!tpu.dma_semaphore, #tpu.memory_space<semaphore_mem>> -> memref<!tpu.dma_semaphore, #tpu.memory_space<semaphore_mem>>
    %dma_wait3A_696 = arith.constant 0 : i32
    %dma_wait3A_697 = tpu.memref_slice %arg4[%add3A_685, %dma_wait3A_696] : memref<204800x128xf32, #tpu.memory_space<hbm>> -> memref<32x128xf32, #tpu.memory_space<hbm>>
    %dma_wait3A_698 = arith.constant 0 : i32
    %dma_wait3A_699 = arith.constant 0 : i32
    %dma_wait3A_700 = tpu.memref_slice %arg6[%dma_wait3A_686, %dma_wait3A_698, %dma_wait3A_699] : memref<14x32x128xf32, #tpu.memory_space<vmem>> -> memref<1x32x128xf32, #tpu.memory_space<vmem>>
    %dma_wait3A_701 = tpu.memref_squeeze %dma_wait3A_700 : memref<1x32x128xf32, #tpu.memory_space<vmem>> -> memref<32x128xf32, #tpu.memory_space<vmem>>
    tpu.wait_dma2 semaphore(%dma_wait3A_695 : memref<!tpu.dma_semaphore, #tpu.memory_space<semaphore_mem>>) src(%dma_wait3A_701 : memref<32x128xf32, #tpu.memory_space<vmem>>) dst(%dma_wait3A_697 : memref<32x128xf32, #tpu.memory_space<hbm>>)
    %dma_start3A_702 = arith.constant 2 : i32
    %dma_start3A_703 = arith.constant 2 : i32
    %dma_start3A_704 = arith.constant 0 : i32
    %dma_start3A_705 = arith.constant 0 : i32
    %dma_start3A_706 = tpu.memref_slice %arg6[%dma_start3A_702, %dma_start3A_704, %dma_start3A_705] : memref<14x32x128xf32, #tpu.memory_space<vmem>> -> memref<1x32x128xf32, #tpu.memory_space<vmem>>
    %dma_start3A_707 = tpu.memref_squeeze %dma_start3A_706 : memref<1x32x128xf32, #tpu.memory_space<vmem>> -> memref<32x128xf32, #tpu.memory_space<vmem>>
    %dma_start3A_708 = arith.constant 6336 : i32
    %dma_start3A_709 = tpu.memref_slice %arg5[%dma_start3A_708] : memref<6400xi32, #tpu.memory_space<vmem>> -> memref<32xi32, #tpu.memory_space<vmem>>
    %dma_start3A_710 = arith.constant 0 : i32
    %dma_start3A_711 = arith.constant 0 : i32
    %dma_start3A_712 = tpu.memref_slice %arg3[%dma_start3A_710, %dma_start3A_711] : memref<100000x128xf32, #tpu.memory_space<hbm>> -> memref<100000x128xf32, #tpu.memory_space<hbm>>
    %dma_start3A_713 = tpu.memref_slice %arg7[%dma_start3A_703] : memref<14x!tpu.dma_semaphore, #tpu.memory_space<semaphore_mem>> -> memref<1x!tpu.dma_semaphore, #tpu.memory_space<semaphore_mem>>
    %dma_start3A_714 = tpu.memref_squeeze %dma_start3A_713 : memref<1x!tpu.dma_semaphore, #tpu.memory_space<semaphore_mem>> -> memref<!tpu.dma_semaphore, #tpu.memory_space<semaphore_mem>>
    tpu.enqueue_indirect_dma source(%dma_start3A_712 : memref<100000x128xf32, #tpu.memory_space<hbm>>) target(%dma_start3A_707 : memref<32x128xf32, #tpu.memory_space<vmem>>) offsets(%dma_start3A_709 : memref<32xi32, #tpu.memory_space<vmem>>) semaphore(%dma_start3A_714 : memref<!tpu.dma_semaphore, #tpu.memory_space<semaphore_mem>>)
    %add3A_715 = arith.constant 5920 : i32
    %add3A_716 = arith.addi %mul3A_2, %add3A_715 : i32
    %dma_wait3A_717 = arith.constant 3 : i32
    %dma_wait3A_718 = arith.constant 3 : i32
    %dma_wait3A_719 = arith.constant 0 : i32
    %dma_wait3A_720 = arith.constant 0 : i32
    %dma_wait3A_721 = tpu.memref_slice %arg6[%dma_wait3A_717, %dma_wait3A_719, %dma_wait3A_720] : memref<14x32x128xf32, #tpu.memory_space<vmem>> -> memref<1x32x128xf32, #tpu.memory_space<vmem>>
    %dma_wait3A_722 = tpu.memref_squeeze %dma_wait3A_721 : memref<1x32x128xf32, #tpu.memory_space<vmem>> -> memref<32x128xf32, #tpu.memory_space<vmem>>
    %dma_wait3A_723 = arith.constant 0 : i32
    %dma_wait3A_724 = tpu.memref_slice %arg4[%add3A_716, %dma_wait3A_723] : memref<204800x128xf32, #tpu.memory_space<hbm>> -> memref<32x128xf32, #tpu.memory_space<hbm>>
    %dma_wait3A_725 = tpu.memref_slice %arg8[%dma_wait3A_718] : memref<14x!tpu.dma_semaphore, #tpu.memory_space<semaphore_mem>> -> memref<1x!tpu.dma_semaphore, #tpu.memory_space<semaphore_mem>>
    %dma_wait3A_726 = tpu.memref_squeeze %dma_wait3A_725 : memref<1x!tpu.dma_semaphore, #tpu.memory_space<semaphore_mem>> -> memref<!tpu.dma_semaphore, #tpu.memory_space<semaphore_mem>>
    %dma_wait3A_727 = arith.constant 0 : i32
    %dma_wait3A_728 = tpu.memref_slice %arg4[%add3A_716, %dma_wait3A_727] : memref<204800x128xf32, #tpu.memory_space<hbm>> -> memref<32x128xf32, #tpu.memory_space<hbm>>
    %dma_wait3A_729 = arith.constant 0 : i32
    %dma_wait3A_730 = arith.constant 0 : i32
    %dma_wait3A_731 = tpu.memref_slice %arg6[%dma_wait3A_717, %dma_wait3A_729, %dma_wait3A_730] : memref<14x32x128xf32, #tpu.memory_space<vmem>> -> memref<1x32x128xf32, #tpu.memory_space<vmem>>
    %dma_wait3A_732 = tpu.memref_squeeze %dma_wait3A_731 : memref<1x32x128xf32, #tpu.memory_space<vmem>> -> memref<32x128xf32, #tpu.memory_space<vmem>>
    tpu.wait_dma2 semaphore(%dma_wait3A_726 : memref<!tpu.dma_semaphore, #tpu.memory_space<semaphore_mem>>) src(%dma_wait3A_732 : memref<32x128xf32, #tpu.memory_space<vmem>>) dst(%dma_wait3A_728 : memref<32x128xf32, #tpu.memory_space<hbm>>)
    %dma_start3A_733 = arith.constant 3 : i32
    %dma_start3A_734 = arith.constant 3 : i32
    %dma_start3A_735 = arith.constant 0 : i32
    %dma_start3A_736 = arith.constant 0 : i32
    %dma_start3A_737 = tpu.memref_slice %arg6[%dma_start3A_733, %dma_start3A_735, %dma_start3A_736] : memref<14x32x128xf32, #tpu.memory_space<vmem>> -> memref<1x32x128xf32, #tpu.memory_space<vmem>>
    %dma_start3A_738 = tpu.memref_squeeze %dma_start3A_737 : memref<1x32x128xf32, #tpu.memory_space<vmem>> -> memref<32x128xf32, #tpu.memory_space<vmem>>
    %dma_start3A_739 = arith.constant 6368 : i32
    %dma_start3A_740 = tpu.memref_slice %arg5[%dma_start3A_739] : memref<6400xi32, #tpu.memory_space<vmem>> -> memref<32xi32, #tpu.memory_space<vmem>>
    %dma_start3A_741 = arith.constant 0 : i32
    %dma_start3A_742 = arith.constant 0 : i32
    %dma_start3A_743 = tpu.memref_slice %arg3[%dma_start3A_741, %dma_start3A_742] : memref<100000x128xf32, #tpu.memory_space<hbm>> -> memref<100000x128xf32, #tpu.memory_space<hbm>>
    %dma_start3A_744 = tpu.memref_slice %arg7[%dma_start3A_734] : memref<14x!tpu.dma_semaphore, #tpu.memory_space<semaphore_mem>> -> memref<1x!tpu.dma_semaphore, #tpu.memory_space<semaphore_mem>>
    %dma_start3A_745 = tpu.memref_squeeze %dma_start3A_744 : memref<1x!tpu.dma_semaphore, #tpu.memory_space<semaphore_mem>> -> memref<!tpu.dma_semaphore, #tpu.memory_space<semaphore_mem>>
    tpu.enqueue_indirect_dma source(%dma_start3A_743 : memref<100000x128xf32, #tpu.memory_space<hbm>>) target(%dma_start3A_738 : memref<32x128xf32, #tpu.memory_space<vmem>>) offsets(%dma_start3A_740 : memref<32xi32, #tpu.memory_space<vmem>>) semaphore(%dma_start3A_745 : memref<!tpu.dma_semaphore, #tpu.memory_space<semaphore_mem>>)
    %add3A_746 = arith.constant 5952 : i32
    %add3A_747 = arith.addi %mul3A_2, %add3A_746 : i32
    %dma_wait3A_748 = arith.constant 4 : i32
    %dma_wait3A_749 = arith.constant 4 : i32
    %dma_wait3A_750 = arith.constant 0 : i32
    %dma_wait3A_751 = arith.constant 0 : i32
    %dma_wait3A_752 = tpu.memref_slice %arg6[%dma_wait3A_748, %dma_wait3A_750, %dma_wait3A_751] : memref<14x32x128xf32, #tpu.memory_space<vmem>> -> memref<1x32x128xf32, #tpu.memory_space<vmem>>
    %dma_wait3A_753 = tpu.memref_squeeze %dma_wait3A_752 : memref<1x32x128xf32, #tpu.memory_space<vmem>> -> memref<32x128xf32, #tpu.memory_space<vmem>>
    %dma_wait3A_754 = arith.constant 0 : i32
    %dma_wait3A_755 = tpu.memref_slice %arg4[%add3A_747, %dma_wait3A_754] : memref<204800x128xf32, #tpu.memory_space<hbm>> -> memref<32x128xf32, #tpu.memory_space<hbm>>
    %dma_wait3A_756 = tpu.memref_slice %arg8[%dma_wait3A_749] : memref<14x!tpu.dma_semaphore, #tpu.memory_space<semaphore_mem>> -> memref<1x!tpu.dma_semaphore, #tpu.memory_space<semaphore_mem>>
    %dma_wait3A_757 = tpu.memref_squeeze %dma_wait3A_756 : memref<1x!tpu.dma_semaphore, #tpu.memory_space<semaphore_mem>> -> memref<!tpu.dma_semaphore, #tpu.memory_space<semaphore_mem>>
    %dma_wait3A_758 = arith.constant 0 : i32
    %dma_wait3A_759 = tpu.memref_slice %arg4[%add3A_747, %dma_wait3A_758] : memref<204800x128xf32, #tpu.memory_space<hbm>> -> memref<32x128xf32, #tpu.memory_space<hbm>>
    %dma_wait3A_760 = arith.constant 0 : i32
    %dma_wait3A_761 = arith.constant 0 : i32
    %dma_wait3A_762 = tpu.memref_slice %arg6[%dma_wait3A_748, %dma_wait3A_760, %dma_wait3A_761] : memref<14x32x128xf32, #tpu.memory_space<vmem>> -> memref<1x32x128xf32, #tpu.memory_space<vmem>>
    %dma_wait3A_763 = tpu.memref_squeeze %dma_wait3A_762 : memref<1x32x128xf32, #tpu.memory_space<vmem>> -> memref<32x128xf32, #tpu.memory_space<vmem>>
    tpu.wait_dma2 semaphore(%dma_wait3A_757 : memref<!tpu.dma_semaphore, #tpu.memory_space<semaphore_mem>>) src(%dma_wait3A_763 : memref<32x128xf32, #tpu.memory_space<vmem>>) dst(%dma_wait3A_759 : memref<32x128xf32, #tpu.memory_space<hbm>>)
    %add3A_764 = arith.constant 5984 : i32
    %add3A_765 = arith.addi %mul3A_2, %add3A_764 : i32
    %dma_wait3A_766 = arith.constant 5 : i32
    %dma_wait3A_767 = arith.constant 5 : i32
    %dma_wait3A_768 = arith.constant 0 : i32
    %dma_wait3A_769 = arith.constant 0 : i32
    %dma_wait3A_770 = tpu.memref_slice %arg6[%dma_wait3A_766, %dma_wait3A_768, %dma_wait3A_769] : memref<14x32x128xf32, #tpu.memory_space<vmem>> -> memref<1x32x128xf32, #tpu.memory_space<vmem>>
    %dma_wait3A_771 = tpu.memref_squeeze %dma_wait3A_770 : memref<1x32x128xf32, #tpu.memory_space<vmem>> -> memref<32x128xf32, #tpu.memory_space<vmem>>
    %dma_wait3A_772 = arith.constant 0 : i32
    %dma_wait3A_773 = tpu.memref_slice %arg4[%add3A_765, %dma_wait3A_772] : memref<204800x128xf32, #tpu.memory_space<hbm>> -> memref<32x128xf32, #tpu.memory_space<hbm>>
    %dma_wait3A_774 = tpu.memref_slice %arg8[%dma_wait3A_767] : memref<14x!tpu.dma_semaphore, #tpu.memory_space<semaphore_mem>> -> memref<1x!tpu.dma_semaphore, #tpu.memory_space<semaphore_mem>>
    %dma_wait3A_775 = tpu.memref_squeeze %dma_wait3A_774 : memref<1x!tpu.dma_semaphore, #tpu.memory_space<semaphore_mem>> -> memref<!tpu.dma_semaphore, #tpu.memory_space<semaphore_mem>>
    %dma_wait3A_776 = arith.constant 0 : i32
    %dma_wait3A_777 = tpu.memref_slice %arg4[%add3A_765, %dma_wait3A_776] : memref<204800x128xf32, #tpu.memory_space<hbm>> -> memref<32x128xf32, #tpu.memory_space<hbm>>
    %dma_wait3A_778 = arith.constant 0 : i32
    %dma_wait3A_779 = arith.constant 0 : i32
    %dma_wait3A_780 = tpu.memref_slice %arg6[%dma_wait3A_766, %dma_wait3A_778, %dma_wait3A_779] : memref<14x32x128xf32, #tpu.memory_space<vmem>> -> memref<1x32x128xf32, #tpu.memory_space<vmem>>
    %dma_wait3A_781 = tpu.memref_squeeze %dma_wait3A_780 : memref<1x32x128xf32, #tpu.memory_space<vmem>> -> memref<32x128xf32, #tpu.memory_space<vmem>>
    tpu.wait_dma2 semaphore(%dma_wait3A_775 : memref<!tpu.dma_semaphore, #tpu.memory_space<semaphore_mem>>) src(%dma_wait3A_781 : memref<32x128xf32, #tpu.memory_space<vmem>>) dst(%dma_wait3A_777 : memref<32x128xf32, #tpu.memory_space<hbm>>)
    %add3A_782 = arith.constant 6016 : i32
    %add3A_783 = arith.addi %mul3A_2, %add3A_782 : i32
    %dma_wait3A_784 = arith.constant 6 : i32
    %dma_wait3A_785 = arith.constant 6 : i32
    %dma_wait3A_786 = arith.constant 0 : i32
    %dma_wait3A_787 = arith.constant 0 : i32
    %dma_wait3A_788 = tpu.memref_slice %arg6[%dma_wait3A_784, %dma_wait3A_786, %dma_wait3A_787] : memref<14x32x128xf32, #tpu.memory_space<vmem>> -> memref<1x32x128xf32, #tpu.memory_space<vmem>>
    %dma_wait3A_789 = tpu.memref_squeeze %dma_wait3A_788 : memref<1x32x128xf32, #tpu.memory_space<vmem>> -> memref<32x128xf32, #tpu.memory_space<vmem>>
    %dma_wait3A_790 = arith.constant 0 : i32
    %dma_wait3A_791 = tpu.memref_slice %arg4[%add3A_783, %dma_wait3A_790] : memref<204800x128xf32, #tpu.memory_space<hbm>> -> memref<32x128xf32, #tpu.memory_space<hbm>>
    %dma_wait3A_792 = tpu.memref_slice %arg8[%dma_wait3A_785] : memref<14x!tpu.dma_semaphore, #tpu.memory_space<semaphore_mem>> -> memref<1x!tpu.dma_semaphore, #tpu.memory_space<semaphore_mem>>
    %dma_wait3A_793 = tpu.memref_squeeze %dma_wait3A_792 : memref<1x!tpu.dma_semaphore, #tpu.memory_space<semaphore_mem>> -> memref<!tpu.dma_semaphore, #tpu.memory_space<semaphore_mem>>
    %dma_wait3A_794 = arith.constant 0 : i32
    %dma_wait3A_795 = tpu.memref_slice %arg4[%add3A_783, %dma_wait3A_794] : memref<204800x128xf32, #tpu.memory_space<hbm>> -> memref<32x128xf32, #tpu.memory_space<hbm>>
    %dma_wait3A_796 = arith.constant 0 : i32
    %dma_wait3A_797 = arith.constant 0 : i32
    %dma_wait3A_798 = tpu.memref_slice %arg6[%dma_wait3A_784, %dma_wait3A_796, %dma_wait3A_797] : memref<14x32x128xf32, #tpu.memory_space<vmem>> -> memref<1x32x128xf32, #tpu.memory_space<vmem>>
    %dma_wait3A_799 = tpu.memref_squeeze %dma_wait3A_798 : memref<1x32x128xf32, #tpu.memory_space<vmem>> -> memref<32x128xf32, #tpu.memory_space<vmem>>
    tpu.wait_dma2 semaphore(%dma_wait3A_793 : memref<!tpu.dma_semaphore, #tpu.memory_space<semaphore_mem>>) src(%dma_wait3A_799 : memref<32x128xf32, #tpu.memory_space<vmem>>) dst(%dma_wait3A_795 : memref<32x128xf32, #tpu.memory_space<hbm>>)
    %add3A_800 = arith.constant 6048 : i32
    %add3A_801 = arith.addi %mul3A_2, %add3A_800 : i32
    %dma_wait3A_802 = arith.constant 7 : i32
    %dma_wait3A_803 = arith.constant 7 : i32
    %dma_wait3A_804 = arith.constant 0 : i32
    %dma_wait3A_805 = arith.constant 0 : i32
    %dma_wait3A_806 = tpu.memref_slice %arg6[%dma_wait3A_802, %dma_wait3A_804, %dma_wait3A_805] : memref<14x32x128xf32, #tpu.memory_space<vmem>> -> memref<1x32x128xf32, #tpu.memory_space<vmem>>
    %dma_wait3A_807 = tpu.memref_squeeze %dma_wait3A_806 : memref<1x32x128xf32, #tpu.memory_space<vmem>> -> memref<32x128xf32, #tpu.memory_space<vmem>>
    %dma_wait3A_808 = arith.constant 0 : i32
    %dma_wait3A_809 = tpu.memref_slice %arg4[%add3A_801, %dma_wait3A_808] : memref<204800x128xf32, #tpu.memory_space<hbm>> -> memref<32x128xf32, #tpu.memory_space<hbm>>
    %dma_wait3A_810 = tpu.memref_slice %arg8[%dma_wait3A_803] : memref<14x!tpu.dma_semaphore, #tpu.memory_space<semaphore_mem>> -> memref<1x!tpu.dma_semaphore, #tpu.memory_space<semaphore_mem>>
    %dma_wait3A_811 = tpu.memref_squeeze %dma_wait3A_810 : memref<1x!tpu.dma_semaphore, #tpu.memory_space<semaphore_mem>> -> memref<!tpu.dma_semaphore, #tpu.memory_space<semaphore_mem>>
    %dma_wait3A_812 = arith.constant 0 : i32
    %dma_wait3A_813 = tpu.memref_slice %arg4[%add3A_801, %dma_wait3A_812] : memref<204800x128xf32, #tpu.memory_space<hbm>> -> memref<32x128xf32, #tpu.memory_space<hbm>>
    %dma_wait3A_814 = arith.constant 0 : i32
    %dma_wait3A_815 = arith.constant 0 : i32
    %dma_wait3A_816 = tpu.memref_slice %arg6[%dma_wait3A_802, %dma_wait3A_814, %dma_wait3A_815] : memref<14x32x128xf32, #tpu.memory_space<vmem>> -> memref<1x32x128xf32, #tpu.memory_space<vmem>>
    %dma_wait3A_817 = tpu.memref_squeeze %dma_wait3A_816 : memref<1x32x128xf32, #tpu.memory_space<vmem>> -> memref<32x128xf32, #tpu.memory_space<vmem>>
    tpu.wait_dma2 semaphore(%dma_wait3A_811 : memref<!tpu.dma_semaphore, #tpu.memory_space<semaphore_mem>>) src(%dma_wait3A_817 : memref<32x128xf32, #tpu.memory_space<vmem>>) dst(%dma_wait3A_813 : memref<32x128xf32, #tpu.memory_space<hbm>>)
    %add3A_818 = arith.constant 6080 : i32
    %add3A_819 = arith.addi %mul3A_2, %add3A_818 : i32
    %dma_wait3A_820 = arith.constant 8 : i32
    %dma_wait3A_821 = arith.constant 8 : i32
    %dma_wait3A_822 = arith.constant 0 : i32
    %dma_wait3A_823 = arith.constant 0 : i32
    %dma_wait3A_824 = tpu.memref_slice %arg6[%dma_wait3A_820, %dma_wait3A_822, %dma_wait3A_823] : memref<14x32x128xf32, #tpu.memory_space<vmem>> -> memref<1x32x128xf32, #tpu.memory_space<vmem>>
    %dma_wait3A_825 = tpu.memref_squeeze %dma_wait3A_824 : memref<1x32x128xf32, #tpu.memory_space<vmem>> -> memref<32x128xf32, #tpu.memory_space<vmem>>
    %dma_wait3A_826 = arith.constant 0 : i32
    %dma_wait3A_827 = tpu.memref_slice %arg4[%add3A_819, %dma_wait3A_826] : memref<204800x128xf32, #tpu.memory_space<hbm>> -> memref<32x128xf32, #tpu.memory_space<hbm>>
    %dma_wait3A_828 = tpu.memref_slice %arg8[%dma_wait3A_821] : memref<14x!tpu.dma_semaphore, #tpu.memory_space<semaphore_mem>> -> memref<1x!tpu.dma_semaphore, #tpu.memory_space<semaphore_mem>>
    %dma_wait3A_829 = tpu.memref_squeeze %dma_wait3A_828 : memref<1x!tpu.dma_semaphore, #tpu.memory_space<semaphore_mem>> -> memref<!tpu.dma_semaphore, #tpu.memory_space<semaphore_mem>>
    %dma_wait3A_830 = arith.constant 0 : i32
    %dma_wait3A_831 = tpu.memref_slice %arg4[%add3A_819, %dma_wait3A_830] : memref<204800x128xf32, #tpu.memory_space<hbm>> -> memref<32x128xf32, #tpu.memory_space<hbm>>
    %dma_wait3A_832 = arith.constant 0 : i32
    %dma_wait3A_833 = arith.constant 0 : i32
    %dma_wait3A_834 = tpu.memref_slice %arg6[%dma_wait3A_820, %dma_wait3A_832, %dma_wait3A_833] : memref<14x32x128xf32, #tpu.memory_space<vmem>> -> memref<1x32x128xf32, #tpu.memory_space<vmem>>
    %dma_wait3A_835 = tpu.memref_squeeze %dma_wait3A_834 : memref<1x32x128xf32, #tpu.memory_space<vmem>> -> memref<32x128xf32, #tpu.memory_space<vmem>>
    tpu.wait_dma2 semaphore(%dma_wait3A_829 : memref<!tpu.dma_semaphore, #tpu.memory_space<semaphore_mem>>) src(%dma_wait3A_835 : memref<32x128xf32, #tpu.memory_space<vmem>>) dst(%dma_wait3A_831 : memref<32x128xf32, #tpu.memory_space<hbm>>)
    %add3A_836 = arith.constant 6112 : i32
    %add3A_837 = arith.addi %mul3A_2, %add3A_836 : i32
    %dma_wait3A_838 = arith.constant 9 : i32
    %dma_wait3A_839 = arith.constant 9 : i32
    %dma_wait3A_840 = arith.constant 0 : i32
    %dma_wait3A_841 = arith.constant 0 : i32
    %dma_wait3A_842 = tpu.memref_slice %arg6[%dma_wait3A_838, %dma_wait3A_840, %dma_wait3A_841] : memref<14x32x128xf32, #tpu.memory_space<vmem>> -> memref<1x32x128xf32, #tpu.memory_space<vmem>>
    %dma_wait3A_843 = tpu.memref_squeeze %dma_wait3A_842 : memref<1x32x128xf32, #tpu.memory_space<vmem>> -> memref<32x128xf32, #tpu.memory_space<vmem>>
    %dma_wait3A_844 = arith.constant 0 : i32
    %dma_wait3A_845 = tpu.memref_slice %arg4[%add3A_837, %dma_wait3A_844] : memref<204800x128xf32, #tpu.memory_space<hbm>> -> memref<32x128xf32, #tpu.memory_space<hbm>>
    %dma_wait3A_846 = tpu.memref_slice %arg8[%dma_wait3A_839] : memref<14x!tpu.dma_semaphore, #tpu.memory_space<semaphore_mem>> -> memref<1x!tpu.dma_semaphore, #tpu.memory_space<semaphore_mem>>
    %dma_wait3A_847 = tpu.memref_squeeze %dma_wait3A_846 : memref<1x!tpu.dma_semaphore, #tpu.memory_space<semaphore_mem>> -> memref<!tpu.dma_semaphore, #tpu.memory_space<semaphore_mem>>
    %dma_wait3A_848 = arith.constant 0 : i32
    %dma_wait3A_849 = tpu.memref_slice %arg4[%add3A_837, %dma_wait3A_848] : memref<204800x128xf32, #tpu.memory_space<hbm>> -> memref<32x128xf32, #tpu.memory_space<hbm>>
    %dma_wait3A_850 = arith.constant 0 : i32
    %dma_wait3A_851 = arith.constant 0 : i32
    %dma_wait3A_852 = tpu.memref_slice %arg6[%dma_wait3A_838, %dma_wait3A_850, %dma_wait3A_851] : memref<14x32x128xf32, #tpu.memory_space<vmem>> -> memref<1x32x128xf32, #tpu.memory_space<vmem>>
    %dma_wait3A_853 = tpu.memref_squeeze %dma_wait3A_852 : memref<1x32x128xf32, #tpu.memory_space<vmem>> -> memref<32x128xf32, #tpu.memory_space<vmem>>
    tpu.wait_dma2 semaphore(%dma_wait3A_847 : memref<!tpu.dma_semaphore, #tpu.memory_space<semaphore_mem>>) src(%dma_wait3A_853 : memref<32x128xf32, #tpu.memory_space<vmem>>) dst(%dma_wait3A_849 : memref<32x128xf32, #tpu.memory_space<hbm>>)
    %add3A_854 = arith.constant 6144 : i32
    %add3A_855 = arith.addi %mul3A_2, %add3A_854 : i32
    %dma_wait3A_856 = arith.constant 10 : i32
    %dma_wait3A_857 = arith.constant 10 : i32
    %dma_wait3A_858 = arith.constant 0 : i32
    %dma_wait3A_859 = arith.constant 0 : i32
    %dma_wait3A_860 = tpu.memref_slice %arg6[%dma_wait3A_856, %dma_wait3A_858, %dma_wait3A_859] : memref<14x32x128xf32, #tpu.memory_space<vmem>> -> memref<1x32x128xf32, #tpu.memory_space<vmem>>
    %dma_wait3A_861 = tpu.memref_squeeze %dma_wait3A_860 : memref<1x32x128xf32, #tpu.memory_space<vmem>> -> memref<32x128xf32, #tpu.memory_space<vmem>>
    %dma_wait3A_862 = arith.constant 0 : i32
    %dma_wait3A_863 = tpu.memref_slice %arg4[%add3A_855, %dma_wait3A_862] : memref<204800x128xf32, #tpu.memory_space<hbm>> -> memref<32x128xf32, #tpu.memory_space<hbm>>
    %dma_wait3A_864 = tpu.memref_slice %arg8[%dma_wait3A_857] : memref<14x!tpu.dma_semaphore, #tpu.memory_space<semaphore_mem>> -> memref<1x!tpu.dma_semaphore, #tpu.memory_space<semaphore_mem>>
    %dma_wait3A_865 = tpu.memref_squeeze %dma_wait3A_864 : memref<1x!tpu.dma_semaphore, #tpu.memory_space<semaphore_mem>> -> memref<!tpu.dma_semaphore, #tpu.memory_space<semaphore_mem>>
    %dma_wait3A_866 = arith.constant 0 : i32
    %dma_wait3A_867 = tpu.memref_slice %arg4[%add3A_855, %dma_wait3A_866] : memref<204800x128xf32, #tpu.memory_space<hbm>> -> memref<32x128xf32, #tpu.memory_space<hbm>>
    %dma_wait3A_868 = arith.constant 0 : i32
    %dma_wait3A_869 = arith.constant 0 : i32
    %dma_wait3A_870 = tpu.memref_slice %arg6[%dma_wait3A_856, %dma_wait3A_868, %dma_wait3A_869] : memref<14x32x128xf32, #tpu.memory_space<vmem>> -> memref<1x32x128xf32, #tpu.memory_space<vmem>>
    %dma_wait3A_871 = tpu.memref_squeeze %dma_wait3A_870 : memref<1x32x128xf32, #tpu.memory_space<vmem>> -> memref<32x128xf32, #tpu.memory_space<vmem>>
    tpu.wait_dma2 semaphore(%dma_wait3A_865 : memref<!tpu.dma_semaphore, #tpu.memory_space<semaphore_mem>>) src(%dma_wait3A_871 : memref<32x128xf32, #tpu.memory_space<vmem>>) dst(%dma_wait3A_867 : memref<32x128xf32, #tpu.memory_space<hbm>>)
    %add3A_872 = arith.constant 6176 : i32
    %add3A_873 = arith.addi %mul3A_2, %add3A_872 : i32
    %dma_wait3A_874 = arith.constant 11 : i32
    %dma_wait3A_875 = arith.constant 11 : i32
    %dma_wait3A_876 = arith.constant 0 : i32
    %dma_wait3A_877 = arith.constant 0 : i32
    %dma_wait3A_878 = tpu.memref_slice %arg6[%dma_wait3A_874, %dma_wait3A_876, %dma_wait3A_877] : memref<14x32x128xf32, #tpu.memory_space<vmem>> -> memref<1x32x128xf32, #tpu.memory_space<vmem>>
    %dma_wait3A_879 = tpu.memref_squeeze %dma_wait3A_878 : memref<1x32x128xf32, #tpu.memory_space<vmem>> -> memref<32x128xf32, #tpu.memory_space<vmem>>
    %dma_wait3A_880 = arith.constant 0 : i32
    %dma_wait3A_881 = tpu.memref_slice %arg4[%add3A_873, %dma_wait3A_880] : memref<204800x128xf32, #tpu.memory_space<hbm>> -> memref<32x128xf32, #tpu.memory_space<hbm>>
    %dma_wait3A_882 = tpu.memref_slice %arg8[%dma_wait3A_875] : memref<14x!tpu.dma_semaphore, #tpu.memory_space<semaphore_mem>> -> memref<1x!tpu.dma_semaphore, #tpu.memory_space<semaphore_mem>>
    %dma_wait3A_883 = tpu.memref_squeeze %dma_wait3A_882 : memref<1x!tpu.dma_semaphore, #tpu.memory_space<semaphore_mem>> -> memref<!tpu.dma_semaphore, #tpu.memory_space<semaphore_mem>>
    %dma_wait3A_884 = arith.constant 0 : i32
    %dma_wait3A_885 = tpu.memref_slice %arg4[%add3A_873, %dma_wait3A_884] : memref<204800x128xf32, #tpu.memory_space<hbm>> -> memref<32x128xf32, #tpu.memory_space<hbm>>
    %dma_wait3A_886 = arith.constant 0 : i32
    %dma_wait3A_887 = arith.constant 0 : i32
    %dma_wait3A_888 = tpu.memref_slice %arg6[%dma_wait3A_874, %dma_wait3A_886, %dma_wait3A_887] : memref<14x32x128xf32, #tpu.memory_space<vmem>> -> memref<1x32x128xf32, #tpu.memory_space<vmem>>
    %dma_wait3A_889 = tpu.memref_squeeze %dma_wait3A_888 : memref<1x32x128xf32, #tpu.memory_space<vmem>> -> memref<32x128xf32, #tpu.memory_space<vmem>>
    tpu.wait_dma2 semaphore(%dma_wait3A_883 : memref<!tpu.dma_semaphore, #tpu.memory_space<semaphore_mem>>) src(%dma_wait3A_889 : memref<32x128xf32, #tpu.memory_space<vmem>>) dst(%dma_wait3A_885 : memref<32x128xf32, #tpu.memory_space<hbm>>)
    %add3A_890 = arith.constant 6208 : i32
    %add3A_891 = arith.addi %mul3A_2, %add3A_890 : i32
    %dma_wait3A_892 = arith.constant 12 : i32
    %dma_wait3A_893 = arith.constant 12 : i32
    %dma_wait3A_894 = arith.constant 0 : i32
    %dma_wait3A_895 = arith.constant 0 : i32
    %dma_wait3A_896 = tpu.memref_slice %arg6[%dma_wait3A_892, %dma_wait3A_894, %dma_wait3A_895] : memref<14x32x128xf32, #tpu.memory_space<vmem>> -> memref<1x32x128xf32, #tpu.memory_space<vmem>>
    %dma_wait3A_897 = tpu.memref_squeeze %dma_wait3A_896 : memref<1x32x128xf32, #tpu.memory_space<vmem>> -> memref<32x128xf32, #tpu.memory_space<vmem>>
    %dma_wait3A_898 = arith.constant 0 : i32
    %dma_wait3A_899 = tpu.memref_slice %arg4[%add3A_891, %dma_wait3A_898] : memref<204800x128xf32, #tpu.memory_space<hbm>> -> memref<32x128xf32, #tpu.memory_space<hbm>>
    %dma_wait3A_900 = tpu.memref_slice %arg8[%dma_wait3A_893] : memref<14x!tpu.dma_semaphore, #tpu.memory_space<semaphore_mem>> -> memref<1x!tpu.dma_semaphore, #tpu.memory_space<semaphore_mem>>
    %dma_wait3A_901 = tpu.memref_squeeze %dma_wait3A_900 : memref<1x!tpu.dma_semaphore, #tpu.memory_space<semaphore_mem>> -> memref<!tpu.dma_semaphore, #tpu.memory_space<semaphore_mem>>
    %dma_wait3A_902 = arith.constant 0 : i32
    %dma_wait3A_903 = tpu.memref_slice %arg4[%add3A_891, %dma_wait3A_902] : memref<204800x128xf32, #tpu.memory_space<hbm>> -> memref<32x128xf32, #tpu.memory_space<hbm>>
    %dma_wait3A_904 = arith.constant 0 : i32
    %dma_wait3A_905 = arith.constant 0 : i32
    %dma_wait3A_906 = tpu.memref_slice %arg6[%dma_wait3A_892, %dma_wait3A_904, %dma_wait3A_905] : memref<14x32x128xf32, #tpu.memory_space<vmem>> -> memref<1x32x128xf32, #tpu.memory_space<vmem>>
    %dma_wait3A_907 = tpu.memref_squeeze %dma_wait3A_906 : memref<1x32x128xf32, #tpu.memory_space<vmem>> -> memref<32x128xf32, #tpu.memory_space<vmem>>
    tpu.wait_dma2 semaphore(%dma_wait3A_901 : memref<!tpu.dma_semaphore, #tpu.memory_space<semaphore_mem>>) src(%dma_wait3A_907 : memref<32x128xf32, #tpu.memory_space<vmem>>) dst(%dma_wait3A_903 : memref<32x128xf32, #tpu.memory_space<hbm>>)
    %add3A_908 = arith.constant 6240 : i32
    %add3A_909 = arith.addi %mul3A_2, %add3A_908 : i32
    %dma_wait3A_910 = arith.constant 13 : i32
    %dma_wait3A_911 = arith.constant 13 : i32
    %dma_wait3A_912 = arith.constant 0 : i32
    %dma_wait3A_913 = arith.constant 0 : i32
    %dma_wait3A_914 = tpu.memref_slice %arg6[%dma_wait3A_910, %dma_wait3A_912, %dma_wait3A_913] : memref<14x32x128xf32, #tpu.memory_space<vmem>> -> memref<1x32x128xf32, #tpu.memory_space<vmem>>
    %dma_wait3A_915 = tpu.memref_squeeze %dma_wait3A_914 : memref<1x32x128xf32, #tpu.memory_space<vmem>> -> memref<32x128xf32, #tpu.memory_space<vmem>>
    %dma_wait3A_916 = arith.constant 0 : i32
    %dma_wait3A_917 = tpu.memref_slice %arg4[%add3A_909, %dma_wait3A_916] : memref<204800x128xf32, #tpu.memory_space<hbm>> -> memref<32x128xf32, #tpu.memory_space<hbm>>
    %dma_wait3A_918 = tpu.memref_slice %arg8[%dma_wait3A_911] : memref<14x!tpu.dma_semaphore, #tpu.memory_space<semaphore_mem>> -> memref<1x!tpu.dma_semaphore, #tpu.memory_space<semaphore_mem>>
    %dma_wait3A_919 = tpu.memref_squeeze %dma_wait3A_918 : memref<1x!tpu.dma_semaphore, #tpu.memory_space<semaphore_mem>> -> memref<!tpu.dma_semaphore, #tpu.memory_space<semaphore_mem>>
    %dma_wait3A_920 = arith.constant 0 : i32
    %dma_wait3A_921 = tpu.memref_slice %arg4[%add3A_909, %dma_wait3A_920] : memref<204800x128xf32, #tpu.memory_space<hbm>> -> memref<32x128xf32, #tpu.memory_space<hbm>>
    %dma_wait3A_922 = arith.constant 0 : i32
    %dma_wait3A_923 = arith.constant 0 : i32
    %dma_wait3A_924 = tpu.memref_slice %arg6[%dma_wait3A_910, %dma_wait3A_922, %dma_wait3A_923] : memref<14x32x128xf32, #tpu.memory_space<vmem>> -> memref<1x32x128xf32, #tpu.memory_space<vmem>>
    %dma_wait3A_925 = tpu.memref_squeeze %dma_wait3A_924 : memref<1x32x128xf32, #tpu.memory_space<vmem>> -> memref<32x128xf32, #tpu.memory_space<vmem>>
    tpu.wait_dma2 semaphore(%dma_wait3A_919 : memref<!tpu.dma_semaphore, #tpu.memory_space<semaphore_mem>>) src(%dma_wait3A_925 : memref<32x128xf32, #tpu.memory_space<vmem>>) dst(%dma_wait3A_921 : memref<32x128xf32, #tpu.memory_space<hbm>>)
    %dma_wait3A_926 = arith.constant 0 : i32
    %dma_wait3A_927 = arith.constant 0 : i32
    %dma_wait3A_928 = arith.constant 0 : i32
    %dma_wait3A_929 = arith.constant 0 : i32
    %dma_wait3A_930 = tpu.memref_slice %arg6[%dma_wait3A_926, %dma_wait3A_928, %dma_wait3A_929] : memref<14x32x128xf32, #tpu.memory_space<vmem>> -> memref<1x32x128xf32, #tpu.memory_space<vmem>>
    %dma_wait3A_931 = tpu.memref_squeeze %dma_wait3A_930 : memref<1x32x128xf32, #tpu.memory_space<vmem>> -> memref<32x128xf32, #tpu.memory_space<vmem>>
    %dma_wait3A_932 = arith.constant 6272 : i32
    %dma_wait3A_933 = tpu.memref_slice %arg5[%dma_wait3A_932] : memref<6400xi32, #tpu.memory_space<vmem>> -> memref<32xi32, #tpu.memory_space<vmem>>
    %dma_wait3A_934 = arith.constant 0 : i32
    %dma_wait3A_935 = arith.constant 0 : i32
    %dma_wait3A_936 = tpu.memref_slice %arg3[%dma_wait3A_934, %dma_wait3A_935] : memref<100000x128xf32, #tpu.memory_space<hbm>> -> memref<100000x128xf32, #tpu.memory_space<hbm>>
    %dma_wait3A_937 = tpu.memref_slice %arg7[%dma_wait3A_927] : memref<14x!tpu.dma_semaphore, #tpu.memory_space<semaphore_mem>> -> memref<1x!tpu.dma_semaphore, #tpu.memory_space<semaphore_mem>>
    %dma_wait3A_938 = tpu.memref_squeeze %dma_wait3A_937 : memref<1x!tpu.dma_semaphore, #tpu.memory_space<semaphore_mem>> -> memref<!tpu.dma_semaphore, #tpu.memory_space<semaphore_mem>>
    tpu.wait_indirect_dma semaphore(%dma_wait3A_938 : memref<!tpu.dma_semaphore, #tpu.memory_space<semaphore_mem>>) src(%dma_wait3A_936 : memref<100000x128xf32, #tpu.memory_space<hbm>>) dst(%dma_wait3A_931 : memref<32x128xf32, #tpu.memory_space<vmem>>)
    %add3A_939 = arith.constant 6272 : i32
    %add3A_940 = arith.addi %mul3A_2, %add3A_939 : i32
    %dma_start3A_941 = arith.constant 0 : i32
    %dma_start3A_942 = arith.constant 0 : i32
    %dma_start3A_943 = arith.constant 0 : i32
    %dma_start3A_944 = arith.constant 0 : i32
    %dma_start3A_945 = tpu.memref_slice %arg6[%dma_start3A_941, %dma_start3A_943, %dma_start3A_944] : memref<14x32x128xf32, #tpu.memory_space<vmem>> -> memref<1x32x128xf32, #tpu.memory_space<vmem>>
    %dma_start3A_946 = tpu.memref_squeeze %dma_start3A_945 : memref<1x32x128xf32, #tpu.memory_space<vmem>> -> memref<32x128xf32, #tpu.memory_space<vmem>>
    %dma_start3A_947 = arith.constant 0 : i32
    %dma_start3A_948 = tpu.memref_slice %arg4[%add3A_940, %dma_start3A_947] : memref<204800x128xf32, #tpu.memory_space<hbm>> -> memref<32x128xf32, #tpu.memory_space<hbm>>
    %dma_start3A_949 = tpu.memref_slice %arg8[%dma_start3A_942] : memref<14x!tpu.dma_semaphore, #tpu.memory_space<semaphore_mem>> -> memref<1x!tpu.dma_semaphore, #tpu.memory_space<semaphore_mem>>
    %dma_start3A_950 = tpu.memref_squeeze %dma_start3A_949 : memref<1x!tpu.dma_semaphore, #tpu.memory_space<semaphore_mem>> -> memref<!tpu.dma_semaphore, #tpu.memory_space<semaphore_mem>>
    %dma_start3A_951 = arith.constant 0 : i32
    %dma_start3A_952 = tpu.memref_slice %arg4[%add3A_940, %dma_start3A_951] : memref<204800x128xf32, #tpu.memory_space<hbm>> -> memref<32x128xf32, #tpu.memory_space<hbm>>
    %dma_start3A_953 = arith.constant 0 : i32
    %dma_start3A_954 = arith.constant 0 : i32
    %dma_start3A_955 = tpu.memref_slice %arg6[%dma_start3A_941, %dma_start3A_953, %dma_start3A_954] : memref<14x32x128xf32, #tpu.memory_space<vmem>> -> memref<1x32x128xf32, #tpu.memory_space<vmem>>
    %dma_start3A_956 = tpu.memref_squeeze %dma_start3A_955 : memref<1x32x128xf32, #tpu.memory_space<vmem>> -> memref<32x128xf32, #tpu.memory_space<vmem>>
    tpu.enqueue_dma source(%dma_start3A_956 : memref<32x128xf32, #tpu.memory_space<vmem>>) target(%dma_start3A_952 : memref<32x128xf32, #tpu.memory_space<hbm>>) target_semaphore(%dma_start3A_950 : memref<!tpu.dma_semaphore, #tpu.memory_space<semaphore_mem>>)
    %dma_wait3A_957 = arith.constant 1 : i32
    %dma_wait3A_958 = arith.constant 1 : i32
    %dma_wait3A_959 = arith.constant 0 : i32
    %dma_wait3A_960 = arith.constant 0 : i32
    %dma_wait3A_961 = tpu.memref_slice %arg6[%dma_wait3A_957, %dma_wait3A_959, %dma_wait3A_960] : memref<14x32x128xf32, #tpu.memory_space<vmem>> -> memref<1x32x128xf32, #tpu.memory_space<vmem>>
    %dma_wait3A_962 = tpu.memref_squeeze %dma_wait3A_961 : memref<1x32x128xf32, #tpu.memory_space<vmem>> -> memref<32x128xf32, #tpu.memory_space<vmem>>
    %dma_wait3A_963 = arith.constant 6304 : i32
    %dma_wait3A_964 = tpu.memref_slice %arg5[%dma_wait3A_963] : memref<6400xi32, #tpu.memory_space<vmem>> -> memref<32xi32, #tpu.memory_space<vmem>>
    %dma_wait3A_965 = arith.constant 0 : i32
    %dma_wait3A_966 = arith.constant 0 : i32
    %dma_wait3A_967 = tpu.memref_slice %arg3[%dma_wait3A_965, %dma_wait3A_966] : memref<100000x128xf32, #tpu.memory_space<hbm>> -> memref<100000x128xf32, #tpu.memory_space<hbm>>
    %dma_wait3A_968 = tpu.memref_slice %arg7[%dma_wait3A_958] : memref<14x!tpu.dma_semaphore, #tpu.memory_space<semaphore_mem>> -> memref<1x!tpu.dma_semaphore, #tpu.memory_space<semaphore_mem>>
    %dma_wait3A_969 = tpu.memref_squeeze %dma_wait3A_968 : memref<1x!tpu.dma_semaphore, #tpu.memory_space<semaphore_mem>> -> memref<!tpu.dma_semaphore, #tpu.memory_space<semaphore_mem>>
    tpu.wait_indirect_dma semaphore(%dma_wait3A_969 : memref<!tpu.dma_semaphore, #tpu.memory_space<semaphore_mem>>) src(%dma_wait3A_967 : memref<100000x128xf32, #tpu.memory_space<hbm>>) dst(%dma_wait3A_962 : memref<32x128xf32, #tpu.memory_space<vmem>>)
    %add3A_970 = arith.constant 6304 : i32
    %add3A_971 = arith.addi %mul3A_2, %add3A_970 : i32
    %dma_start3A_972 = arith.constant 1 : i32
    %dma_start3A_973 = arith.constant 1 : i32
    %dma_start3A_974 = arith.constant 0 : i32
    %dma_start3A_975 = arith.constant 0 : i32
    %dma_start3A_976 = tpu.memref_slice %arg6[%dma_start3A_972, %dma_start3A_974, %dma_start3A_975] : memref<14x32x128xf32, #tpu.memory_space<vmem>> -> memref<1x32x128xf32, #tpu.memory_space<vmem>>
    %dma_start3A_977 = tpu.memref_squeeze %dma_start3A_976 : memref<1x32x128xf32, #tpu.memory_space<vmem>> -> memref<32x128xf32, #tpu.memory_space<vmem>>
    %dma_start3A_978 = arith.constant 0 : i32
    %dma_start3A_979 = tpu.memref_slice %arg4[%add3A_971, %dma_start3A_978] : memref<204800x128xf32, #tpu.memory_space<hbm>> -> memref<32x128xf32, #tpu.memory_space<hbm>>
    %dma_start3A_980 = tpu.memref_slice %arg8[%dma_start3A_973] : memref<14x!tpu.dma_semaphore, #tpu.memory_space<semaphore_mem>> -> memref<1x!tpu.dma_semaphore, #tpu.memory_space<semaphore_mem>>
    %dma_start3A_981 = tpu.memref_squeeze %dma_start3A_980 : memref<1x!tpu.dma_semaphore, #tpu.memory_space<semaphore_mem>> -> memref<!tpu.dma_semaphore, #tpu.memory_space<semaphore_mem>>
    %dma_start3A_982 = arith.constant 0 : i32
    %dma_start3A_983 = tpu.memref_slice %arg4[%add3A_971, %dma_start3A_982] : memref<204800x128xf32, #tpu.memory_space<hbm>> -> memref<32x128xf32, #tpu.memory_space<hbm>>
    %dma_start3A_984 = arith.constant 0 : i32
    %dma_start3A_985 = arith.constant 0 : i32
    %dma_start3A_986 = tpu.memref_slice %arg6[%dma_start3A_972, %dma_start3A_984, %dma_start3A_985] : memref<14x32x128xf32, #tpu.memory_space<vmem>> -> memref<1x32x128xf32, #tpu.memory_space<vmem>>
    %dma_start3A_987 = tpu.memref_squeeze %dma_start3A_986 : memref<1x32x128xf32, #tpu.memory_space<vmem>> -> memref<32x128xf32, #tpu.memory_space<vmem>>
    tpu.enqueue_dma source(%dma_start3A_987 : memref<32x128xf32, #tpu.memory_space<vmem>>) target(%dma_start3A_983 : memref<32x128xf32, #tpu.memory_space<hbm>>) target_semaphore(%dma_start3A_981 : memref<!tpu.dma_semaphore, #tpu.memory_space<semaphore_mem>>)
    %dma_wait3A_988 = arith.constant 2 : i32
    %dma_wait3A_989 = arith.constant 2 : i32
    %dma_wait3A_990 = arith.constant 0 : i32
    %dma_wait3A_991 = arith.constant 0 : i32
    %dma_wait3A_992 = tpu.memref_slice %arg6[%dma_wait3A_988, %dma_wait3A_990, %dma_wait3A_991] : memref<14x32x128xf32, #tpu.memory_space<vmem>> -> memref<1x32x128xf32, #tpu.memory_space<vmem>>
    %dma_wait3A_993 = tpu.memref_squeeze %dma_wait3A_992 : memref<1x32x128xf32, #tpu.memory_space<vmem>> -> memref<32x128xf32, #tpu.memory_space<vmem>>
    %dma_wait3A_994 = arith.constant 6336 : i32
    %dma_wait3A_995 = tpu.memref_slice %arg5[%dma_wait3A_994] : memref<6400xi32, #tpu.memory_space<vmem>> -> memref<32xi32, #tpu.memory_space<vmem>>
    %dma_wait3A_996 = arith.constant 0 : i32
    %dma_wait3A_997 = arith.constant 0 : i32
    %dma_wait3A_998 = tpu.memref_slice %arg3[%dma_wait3A_996, %dma_wait3A_997] : memref<100000x128xf32, #tpu.memory_space<hbm>> -> memref<100000x128xf32, #tpu.memory_space<hbm>>
    %dma_wait3A_999 = tpu.memref_slice %arg7[%dma_wait3A_989] : memref<14x!tpu.dma_semaphore, #tpu.memory_space<semaphore_mem>> -> memref<1x!tpu.dma_semaphore, #tpu.memory_space<semaphore_mem>>
    %dma_wait3A_1000 = tpu.memref_squeeze %dma_wait3A_999 : memref<1x!tpu.dma_semaphore, #tpu.memory_space<semaphore_mem>> -> memref<!tpu.dma_semaphore, #tpu.memory_space<semaphore_mem>>
    tpu.wait_indirect_dma semaphore(%dma_wait3A_1000 : memref<!tpu.dma_semaphore, #tpu.memory_space<semaphore_mem>>) src(%dma_wait3A_998 : memref<100000x128xf32, #tpu.memory_space<hbm>>) dst(%dma_wait3A_993 : memref<32x128xf32, #tpu.memory_space<vmem>>)
    %add3A_1001 = arith.constant 6336 : i32
    %add3A_1002 = arith.addi %mul3A_2, %add3A_1001 : i32
    %dma_start3A_1003 = arith.constant 2 : i32
    %dma_start3A_1004 = arith.constant 2 : i32
    %dma_start3A_1005 = arith.constant 0 : i32
    %dma_start3A_1006 = arith.constant 0 : i32
    %dma_start3A_1007 = tpu.memref_slice %arg6[%dma_start3A_1003, %dma_start3A_1005, %dma_start3A_1006] : memref<14x32x128xf32, #tpu.memory_space<vmem>> -> memref<1x32x128xf32, #tpu.memory_space<vmem>>
    %dma_start3A_1008 = tpu.memref_squeeze %dma_start3A_1007 : memref<1x32x128xf32, #tpu.memory_space<vmem>> -> memref<32x128xf32, #tpu.memory_space<vmem>>
    %dma_start3A_1009 = arith.constant 0 : i32
    %dma_start3A_1010 = tpu.memref_slice %arg4[%add3A_1002, %dma_start3A_1009] : memref<204800x128xf32, #tpu.memory_space<hbm>> -> memref<32x128xf32, #tpu.memory_space<hbm>>
    %dma_start3A_1011 = tpu.memref_slice %arg8[%dma_start3A_1004] : memref<14x!tpu.dma_semaphore, #tpu.memory_space<semaphore_mem>> -> memref<1x!tpu.dma_semaphore, #tpu.memory_space<semaphore_mem>>
    %dma_start3A_1012 = tpu.memref_squeeze %dma_start3A_1011 : memref<1x!tpu.dma_semaphore, #tpu.memory_space<semaphore_mem>> -> memref<!tpu.dma_semaphore, #tpu.memory_space<semaphore_mem>>
    %dma_start3A_1013 = arith.constant 0 : i32
    %dma_start3A_1014 = tpu.memref_slice %arg4[%add3A_1002, %dma_start3A_1013] : memref<204800x128xf32, #tpu.memory_space<hbm>> -> memref<32x128xf32, #tpu.memory_space<hbm>>
    %dma_start3A_1015 = arith.constant 0 : i32
    %dma_start3A_1016 = arith.constant 0 : i32
    %dma_start3A_1017 = tpu.memref_slice %arg6[%dma_start3A_1003, %dma_start3A_1015, %dma_start3A_1016] : memref<14x32x128xf32, #tpu.memory_space<vmem>> -> memref<1x32x128xf32, #tpu.memory_space<vmem>>
    %dma_start3A_1018 = tpu.memref_squeeze %dma_start3A_1017 : memref<1x32x128xf32, #tpu.memory_space<vmem>> -> memref<32x128xf32, #tpu.memory_space<vmem>>
    tpu.enqueue_dma source(%dma_start3A_1018 : memref<32x128xf32, #tpu.memory_space<vmem>>) target(%dma_start3A_1014 : memref<32x128xf32, #tpu.memory_space<hbm>>) target_semaphore(%dma_start3A_1012 : memref<!tpu.dma_semaphore, #tpu.memory_space<semaphore_mem>>)
    %dma_wait3A_1019 = arith.constant 3 : i32
    %dma_wait3A_1020 = arith.constant 3 : i32
    %dma_wait3A_1021 = arith.constant 0 : i32
    %dma_wait3A_1022 = arith.constant 0 : i32
    %dma_wait3A_1023 = tpu.memref_slice %arg6[%dma_wait3A_1019, %dma_wait3A_1021, %dma_wait3A_1022] : memref<14x32x128xf32, #tpu.memory_space<vmem>> -> memref<1x32x128xf32, #tpu.memory_space<vmem>>
    %dma_wait3A_1024 = tpu.memref_squeeze %dma_wait3A_1023 : memref<1x32x128xf32, #tpu.memory_space<vmem>> -> memref<32x128xf32, #tpu.memory_space<vmem>>
    %dma_wait3A_1025 = arith.constant 6368 : i32
    %dma_wait3A_1026 = tpu.memref_slice %arg5[%dma_wait3A_1025] : memref<6400xi32, #tpu.memory_space<vmem>> -> memref<32xi32, #tpu.memory_space<vmem>>
    %dma_wait3A_1027 = arith.constant 0 : i32
    %dma_wait3A_1028 = arith.constant 0 : i32
    %dma_wait3A_1029 = tpu.memref_slice %arg3[%dma_wait3A_1027, %dma_wait3A_1028] : memref<100000x128xf32, #tpu.memory_space<hbm>> -> memref<100000x128xf32, #tpu.memory_space<hbm>>
    %dma_wait3A_1030 = tpu.memref_slice %arg7[%dma_wait3A_1020] : memref<14x!tpu.dma_semaphore, #tpu.memory_space<semaphore_mem>> -> memref<1x!tpu.dma_semaphore, #tpu.memory_space<semaphore_mem>>
    %dma_wait3A_1031 = tpu.memref_squeeze %dma_wait3A_1030 : memref<1x!tpu.dma_semaphore, #tpu.memory_space<semaphore_mem>> -> memref<!tpu.dma_semaphore, #tpu.memory_space<semaphore_mem>>
    tpu.wait_indirect_dma semaphore(%dma_wait3A_1031 : memref<!tpu.dma_semaphore, #tpu.memory_space<semaphore_mem>>) src(%dma_wait3A_1029 : memref<100000x128xf32, #tpu.memory_space<hbm>>) dst(%dma_wait3A_1024 : memref<32x128xf32, #tpu.memory_space<vmem>>)
    %add3A_1032 = arith.constant 6368 : i32
    %add3A_1033 = arith.addi %mul3A_2, %add3A_1032 : i32
    %dma_start3A_1034 = arith.constant 3 : i32
    %dma_start3A_1035 = arith.constant 3 : i32
    %dma_start3A_1036 = arith.constant 0 : i32
    %dma_start3A_1037 = arith.constant 0 : i32
    %dma_start3A_1038 = tpu.memref_slice %arg6[%dma_start3A_1034, %dma_start3A_1036, %dma_start3A_1037] : memref<14x32x128xf32, #tpu.memory_space<vmem>> -> memref<1x32x128xf32, #tpu.memory_space<vmem>>
    %dma_start3A_1039 = tpu.memref_squeeze %dma_start3A_1038 : memref<1x32x128xf32, #tpu.memory_space<vmem>> -> memref<32x128xf32, #tpu.memory_space<vmem>>
    %dma_start3A_1040 = arith.constant 0 : i32
    %dma_start3A_1041 = tpu.memref_slice %arg4[%add3A_1033, %dma_start3A_1040] : memref<204800x128xf32, #tpu.memory_space<hbm>> -> memref<32x128xf32, #tpu.memory_space<hbm>>
    %dma_start3A_1042 = tpu.memref_slice %arg8[%dma_start3A_1035] : memref<14x!tpu.dma_semaphore, #tpu.memory_space<semaphore_mem>> -> memref<1x!tpu.dma_semaphore, #tpu.memory_space<semaphore_mem>>
    %dma_start3A_1043 = tpu.memref_squeeze %dma_start3A_1042 : memref<1x!tpu.dma_semaphore, #tpu.memory_space<semaphore_mem>> -> memref<!tpu.dma_semaphore, #tpu.memory_space<semaphore_mem>>
    %dma_start3A_1044 = arith.constant 0 : i32
    %dma_start3A_1045 = tpu.memref_slice %arg4[%add3A_1033, %dma_start3A_1044] : memref<204800x128xf32, #tpu.memory_space<hbm>> -> memref<32x128xf32, #tpu.memory_space<hbm>>
    %dma_start3A_1046 = arith.constant 0 : i32
    %dma_start3A_1047 = arith.constant 0 : i32
    %dma_start3A_1048 = tpu.memref_slice %arg6[%dma_start3A_1034, %dma_start3A_1046, %dma_start3A_1047] : memref<14x32x128xf32, #tpu.memory_space<vmem>> -> memref<1x32x128xf32, #tpu.memory_space<vmem>>
    %dma_start3A_1049 = tpu.memref_squeeze %dma_start3A_1048 : memref<1x32x128xf32, #tpu.memory_space<vmem>> -> memref<32x128xf32, #tpu.memory_space<vmem>>
    tpu.enqueue_dma source(%dma_start3A_1049 : memref<32x128xf32, #tpu.memory_space<vmem>>) target(%dma_start3A_1045 : memref<32x128xf32, #tpu.memory_space<hbm>>) target_semaphore(%dma_start3A_1043 : memref<!tpu.dma_semaphore, #tpu.memory_space<semaphore_mem>>)
    %add3A_1050 = arith.constant 6272 : i32
    %add3A_1051 = arith.addi %mul3A_2, %add3A_1050 : i32
    %dma_wait3A_1052 = arith.constant 0 : i32
    %dma_wait3A_1053 = arith.constant 0 : i32
    %dma_wait3A_1054 = arith.constant 0 : i32
    %dma_wait3A_1055 = arith.constant 0 : i32
    %dma_wait3A_1056 = tpu.memref_slice %arg6[%dma_wait3A_1052, %dma_wait3A_1054, %dma_wait3A_1055] : memref<14x32x128xf32, #tpu.memory_space<vmem>> -> memref<1x32x128xf32, #tpu.memory_space<vmem>>
    %dma_wait3A_1057 = tpu.memref_squeeze %dma_wait3A_1056 : memref<1x32x128xf32, #tpu.memory_space<vmem>> -> memref<32x128xf32, #tpu.memory_space<vmem>>
    %dma_wait3A_1058 = arith.constant 0 : i32
    %dma_wait3A_1059 = tpu.memref_slice %arg4[%add3A_1051, %dma_wait3A_1058] : memref<204800x128xf32, #tpu.memory_space<hbm>> -> memref<32x128xf32, #tpu.memory_space<hbm>>
    %dma_wait3A_1060 = tpu.memref_slice %arg8[%dma_wait3A_1053] : memref<14x!tpu.dma_semaphore, #tpu.memory_space<semaphore_mem>> -> memref<1x!tpu.dma_semaphore, #tpu.memory_space<semaphore_mem>>
    %dma_wait3A_1061 = tpu.memref_squeeze %dma_wait3A_1060 : memref<1x!tpu.dma_semaphore, #tpu.memory_space<semaphore_mem>> -> memref<!tpu.dma_semaphore, #tpu.memory_space<semaphore_mem>>
    %dma_wait3A_1062 = arith.constant 0 : i32
    %dma_wait3A_1063 = tpu.memref_slice %arg4[%add3A_1051, %dma_wait3A_1062] : memref<204800x128xf32, #tpu.memory_space<hbm>> -> memref<32x128xf32, #tpu.memory_space<hbm>>
    %dma_wait3A_1064 = arith.constant 0 : i32
    %dma_wait3A_1065 = arith.constant 0 : i32
    %dma_wait3A_1066 = tpu.memref_slice %arg6[%dma_wait3A_1052, %dma_wait3A_1064, %dma_wait3A_1065] : memref<14x32x128xf32, #tpu.memory_space<vmem>> -> memref<1x32x128xf32, #tpu.memory_space<vmem>>
    %dma_wait3A_1067 = tpu.memref_squeeze %dma_wait3A_1066 : memref<1x32x128xf32, #tpu.memory_space<vmem>> -> memref<32x128xf32, #tpu.memory_space<vmem>>
    tpu.wait_dma2 semaphore(%dma_wait3A_1061 : memref<!tpu.dma_semaphore, #tpu.memory_space<semaphore_mem>>) src(%dma_wait3A_1067 : memref<32x128xf32, #tpu.memory_space<vmem>>) dst(%dma_wait3A_1063 : memref<32x128xf32, #tpu.memory_space<hbm>>)
    %add3A_1068 = arith.constant 6304 : i32
    %add3A_1069 = arith.addi %mul3A_2, %add3A_1068 : i32
    %dma_wait3A_1070 = arith.constant 1 : i32
    %dma_wait3A_1071 = arith.constant 1 : i32
    %dma_wait3A_1072 = arith.constant 0 : i32
    %dma_wait3A_1073 = arith.constant 0 : i32
    %dma_wait3A_1074 = tpu.memref_slice %arg6[%dma_wait3A_1070, %dma_wait3A_1072, %dma_wait3A_1073] : memref<14x32x128xf32, #tpu.memory_space<vmem>> -> memref<1x32x128xf32, #tpu.memory_space<vmem>>
    %dma_wait3A_1075 = tpu.memref_squeeze %dma_wait3A_1074 : memref<1x32x128xf32, #tpu.memory_space<vmem>> -> memref<32x128xf32, #tpu.memory_space<vmem>>
    %dma_wait3A_1076 = arith.constant 0 : i32
    %dma_wait3A_1077 = tpu.memref_slice %arg4[%add3A_1069, %dma_wait3A_1076] : memref<204800x128xf32, #tpu.memory_space<hbm>> -> memref<32x128xf32, #tpu.memory_space<hbm>>
    %dma_wait3A_1078 = tpu.memref_slice %arg8[%dma_wait3A_1071] : memref<14x!tpu.dma_semaphore, #tpu.memory_space<semaphore_mem>> -> memref<1x!tpu.dma_semaphore, #tpu.memory_space<semaphore_mem>>
    %dma_wait3A_1079 = tpu.memref_squeeze %dma_wait3A_1078 : memref<1x!tpu.dma_semaphore, #tpu.memory_space<semaphore_mem>> -> memref<!tpu.dma_semaphore, #tpu.memory_space<semaphore_mem>>
    %dma_wait3A_1080 = arith.constant 0 : i32
    %dma_wait3A_1081 = tpu.memref_slice %arg4[%add3A_1069, %dma_wait3A_1080] : memref<204800x128xf32, #tpu.memory_space<hbm>> -> memref<32x128xf32, #tpu.memory_space<hbm>>
    %dma_wait3A_1082 = arith.constant 0 : i32
    %dma_wait3A_1083 = arith.constant 0 : i32
    %dma_wait3A_1084 = tpu.memref_slice %arg6[%dma_wait3A_1070, %dma_wait3A_1082, %dma_wait3A_1083] : memref<14x32x128xf32, #tpu.memory_space<vmem>> -> memref<1x32x128xf32, #tpu.memory_space<vmem>>
    %dma_wait3A_1085 = tpu.memref_squeeze %dma_wait3A_1084 : memref<1x32x128xf32, #tpu.memory_space<vmem>> -> memref<32x128xf32, #tpu.memory_space<vmem>>
    tpu.wait_dma2 semaphore(%dma_wait3A_1079 : memref<!tpu.dma_semaphore, #tpu.memory_space<semaphore_mem>>) src(%dma_wait3A_1085 : memref<32x128xf32, #tpu.memory_space<vmem>>) dst(%dma_wait3A_1081 : memref<32x128xf32, #tpu.memory_space<hbm>>)
    %add3A_1086 = arith.constant 6336 : i32
    %add3A_1087 = arith.addi %mul3A_2, %add3A_1086 : i32
    %dma_wait3A_1088 = arith.constant 2 : i32
    %dma_wait3A_1089 = arith.constant 2 : i32
    %dma_wait3A_1090 = arith.constant 0 : i32
    %dma_wait3A_1091 = arith.constant 0 : i32
    %dma_wait3A_1092 = tpu.memref_slice %arg6[%dma_wait3A_1088, %dma_wait3A_1090, %dma_wait3A_1091] : memref<14x32x128xf32, #tpu.memory_space<vmem>> -> memref<1x32x128xf32, #tpu.memory_space<vmem>>
    %dma_wait3A_1093 = tpu.memref_squeeze %dma_wait3A_1092 : memref<1x32x128xf32, #tpu.memory_space<vmem>> -> memref<32x128xf32, #tpu.memory_space<vmem>>
    %dma_wait3A_1094 = arith.constant 0 : i32
    %dma_wait3A_1095 = tpu.memref_slice %arg4[%add3A_1087, %dma_wait3A_1094] : memref<204800x128xf32, #tpu.memory_space<hbm>> -> memref<32x128xf32, #tpu.memory_space<hbm>>
    %dma_wait3A_1096 = tpu.memref_slice %arg8[%dma_wait3A_1089] : memref<14x!tpu.dma_semaphore, #tpu.memory_space<semaphore_mem>> -> memref<1x!tpu.dma_semaphore, #tpu.memory_space<semaphore_mem>>
    %dma_wait3A_1097 = tpu.memref_squeeze %dma_wait3A_1096 : memref<1x!tpu.dma_semaphore, #tpu.memory_space<semaphore_mem>> -> memref<!tpu.dma_semaphore, #tpu.memory_space<semaphore_mem>>
    %dma_wait3A_1098 = arith.constant 0 : i32
    %dma_wait3A_1099 = tpu.memref_slice %arg4[%add3A_1087, %dma_wait3A_1098] : memref<204800x128xf32, #tpu.memory_space<hbm>> -> memref<32x128xf32, #tpu.memory_space<hbm>>
    %dma_wait3A_1100 = arith.constant 0 : i32
    %dma_wait3A_1101 = arith.constant 0 : i32
    %dma_wait3A_1102 = tpu.memref_slice %arg6[%dma_wait3A_1088, %dma_wait3A_1100, %dma_wait3A_1101] : memref<14x32x128xf32, #tpu.memory_space<vmem>> -> memref<1x32x128xf32, #tpu.memory_space<vmem>>
    %dma_wait3A_1103 = tpu.memref_squeeze %dma_wait3A_1102 : memref<1x32x128xf32, #tpu.memory_space<vmem>> -> memref<32x128xf32, #tpu.memory_space<vmem>>
    tpu.wait_dma2 semaphore(%dma_wait3A_1097 : memref<!tpu.dma_semaphore, #tpu.memory_space<semaphore_mem>>) src(%dma_wait3A_1103 : memref<32x128xf32, #tpu.memory_space<vmem>>) dst(%dma_wait3A_1099 : memref<32x128xf32, #tpu.memory_space<hbm>>)
    %add3A_1104 = arith.constant 6368 : i32
    %add3A_1105 = arith.addi %mul3A_2, %add3A_1104 : i32
    %dma_wait3A_1106 = arith.constant 3 : i32
    %dma_wait3A_1107 = arith.constant 3 : i32
    %dma_wait3A_1108 = arith.constant 0 : i32
    %dma_wait3A_1109 = arith.constant 0 : i32
    %dma_wait3A_1110 = tpu.memref_slice %arg6[%dma_wait3A_1106, %dma_wait3A_1108, %dma_wait3A_1109] : memref<14x32x128xf32, #tpu.memory_space<vmem>> -> memref<1x32x128xf32, #tpu.memory_space<vmem>>
    %dma_wait3A_1111 = tpu.memref_squeeze %dma_wait3A_1110 : memref<1x32x128xf32, #tpu.memory_space<vmem>> -> memref<32x128xf32, #tpu.memory_space<vmem>>
    %dma_wait3A_1112 = arith.constant 0 : i32
    %dma_wait3A_1113 = tpu.memref_slice %arg4[%add3A_1105, %dma_wait3A_1112] : memref<204800x128xf32, #tpu.memory_space<hbm>> -> memref<32x128xf32, #tpu.memory_space<hbm>>
    %dma_wait3A_1114 = tpu.memref_slice %arg8[%dma_wait3A_1107] : memref<14x!tpu.dma_semaphore, #tpu.memory_space<semaphore_mem>> -> memref<1x!tpu.dma_semaphore, #tpu.memory_space<semaphore_mem>>
    %dma_wait3A_1115 = tpu.memref_squeeze %dma_wait3A_1114 : memref<1x!tpu.dma_semaphore, #tpu.memory_space<semaphore_mem>> -> memref<!tpu.dma_semaphore, #tpu.memory_space<semaphore_mem>>
    %dma_wait3A_1116 = arith.constant 0 : i32
    %dma_wait3A_1117 = tpu.memref_slice %arg4[%add3A_1105, %dma_wait3A_1116] : memref<204800x128xf32, #tpu.memory_space<hbm>> -> memref<32x128xf32, #tpu.memory_space<hbm>>
    %dma_wait3A_1118 = arith.constant 0 : i32
    %dma_wait3A_1119 = arith.constant 0 : i32
    %dma_wait3A_1120 = tpu.memref_slice %arg6[%dma_wait3A_1106, %dma_wait3A_1118, %dma_wait3A_1119] : memref<14x32x128xf32, #tpu.memory_space<vmem>> -> memref<1x32x128xf32, #tpu.memory_space<vmem>>
    %dma_wait3A_1121 = tpu.memref_squeeze %dma_wait3A_1120 : memref<1x32x128xf32, #tpu.memory_space<vmem>> -> memref<32x128xf32, #tpu.memory_space<vmem>>
    tpu.wait_dma2 semaphore(%dma_wait3A_1115 : memref<!tpu.dma_semaphore, #tpu.memory_space<semaphore_mem>>) src(%dma_wait3A_1121 : memref<32x128xf32, #tpu.memory_space<vmem>>) dst(%dma_wait3A_1117 : memref<32x128xf32, #tpu.memory_space<hbm>>)
    return
  }
}

</mosaic_0001>

<sc_bundles>
// kernel: _embed.3.cloned.1.call-start
scs
__scs_entry_jumppad:
0x0: {  	(pc) =	sbr.rel $0x88, $3  }
0x1: {  	(tag) =	ssettag $0x0;
	lr =	simm.s32 $0x1  }
0x2: {  	[smem:$0x3F9F] =	sst lr;
	_ =	strace $0xD0000000  }
0x3: {  	_ = 	snop  }
0x4: {  	_ = 	snop  }
0x5: {  	_ = 	snop  }
0x6: {  	_ = 	snop  }
0x7: {  	_ = 	snop  }
__scs_overlays_trampoline_lowered:
0x8: {  	[smem:$0x3FAE] =	sst s0  }
0x9: {  	[smem:$0x3FAF] =	sst s1  }
0xa: {  	[smem:$0x3FB0] =	sst s2  }
0xb: {  	[smem:$0x3FB1] =	sst s3  }
0xc: {  	[smem:$0x3FB2] =	sst s4  }
0xd: {  	[smem:$0x3FB3] =	sst s5  }
0xe: {  	[smem:$0x3FB4] =	sst s6  }
0xf: {  	[smem:$0x3FB5] =	sst s7  }
0x10: {  	[smem:$0x3FB6] =	sst s8  }
0x11: {  	[smem:$0x3FB7] =	sst s9;
	s0 =	simm.s32 @!p0 $0x0  }
0x12: {  	s1 =	sld [smem:$0x3F9D];
	s0 =	simm.s32 @p0 $0x1  }
0x13: {  	[smem:$0x3FB8] =	sst s0;
	s0 =	simm.s32 @!p1 $0x0  }
0x14: {  	s2 =	sld [smem:$0x3F9C];
	s0 =	simm.s32 @p1 $0x1  }
0x15: {  	[smem:$0x3FB9] =	sst s0;
	s0 =	simm.s32 @!p2 $0x0  }
0x16: {  	s3 =	sld [smem:$0x3FDB];
	s0 =	simm.s32 @p2 $0x1  }
0x17: {  	s4 =	simm.s32 $0x1BF5;
	[smem:$0x3FBB] =	sst s0  }
0x18: {  	s0 =	sld [smem:$0x3F9E];
	_ =	swait.ge [sflag:s4], $0x0  }
0x19: {  	s7 =	sld [smem:$0x3F9F]  }
0x1a: {  	s8 =	sadd.s32 $0xFFFFE003, lr  }
0x1b: {  	s9 =	sadd.s32 $0xFFFFFEF7, lr;
	s5 =	simm.s32 $0xFFFFFFFF;
	p2 =	slt.u32 s8, $0xFFFFF086  }
0x1c: {  	p1 =	slt.u32 s9, $0xF7A;
	s5 =	simm.s32 @!p2 $0x0  }
0x1d: {  	s5 =	simm.s32 @p1 $0x1;
	p0 =	seq.s32 s7, s2  }
0x1e: {  	s7 =	smul.u32 @!p0 $0xF7A, s2;
	p2 =	seq.s32 @!p0 s5, $0x0  }
0x1f: {  	s9 =	smul.u32 $0xF7A, s1;
	s8 =	simm.s32 @!p0 $0x1BF5;
	p2 =	por !p2, p0  }
0x20: {  	[sflag:s8] =	ssyncset.s32 @!p0 $0xFFFFF086;
	s6 =	sadd.s32 @!p0 s3, s7;
	s7 =	simm.s32 @!p0 $0x108  }
0x21: {  	s3 =	sadd.s32 s3, s9;
	s6 =	sadd.s32 @!p0 $0x88, s6;
	s7 =	simm.s32 @p2 $0x1082  }
0x22: {  	[simem:s7], [sflag:s8] =	dma.local @!p0 [hbm:s6], $0xF7A  }
0x23: {  	s9 =	sor.u32 $0xD0000000, s2;
	s6 =	simm.s32 $0x108;
	_ =	swait.ge @!p0 [sflag:s8], $0x0  }
0x24: {  	s3 =	sadd.s32 $0x88, s3;
	s6 =	simm.s32 @!p1 $0x1082;
	[sflag:s4] =	ssyncset.s32 $0xFFFFF086  }
0x25: {  	[simem:s6], [sflag:s4] =	dma.local [hbm:s3], $0xF7A  }
0x26: {  	[smem:$0x3F9F] =	sst s1;
	(tag) =	ssettag s2;
	_ =	strace s9  }
0x27: {  	s1 =	sld [smem:$0x3FAF]  }
0x28: {  	s2 =	sld [smem:$0x3FB0]  }
0x29: {  	s4 =	sld [smem:$0x3FB2]  }
0x2a: {  	p0 =	seq.s32 s5, $0x0;
	s5 =	sld [smem:$0x3FB3]  }
0x2b: {  	s6 =	sld [smem:$0x3FB4]  }
0x2c: {  	s7 =	sld [smem:$0x3FB5]  }
0x2d: {  	s3 =	simm.s32 $0x108;
	s8 =	sld [smem:$0x3FB6]  }
0x2e: {  	s3 =	simm.s32 @!p0 $0x1082;
	s9 =	sld [smem:$0x3FB7]  }
0x2f: {  	lr =	sadd.s32 s0, s3;
	s0 =	sld [smem:$0x3FAE]  }
0x30: {  	s3 =	sld [smem:$0x3FB1]  }
0x31: {  	[smem:$0x3FBA] =	sst s10  }
0x32: {  	s10 =	sld [smem:$0x3FB8];
	_ =	sdelay $0x3  }
0x33: {  	p0 =	seq.s32 s10, $0x1;
	s10 =	sld [smem:$0x3FBA];
	_ =	sdelay $0x3  }
0x34: {  	[smem:$0x3FBA] =	sst s10  }
0x35: {  	s10 =	sld [smem:$0x3FB9];
	_ =	sdelay $0x3  }
0x36: {  	p1 =	seq.s32 s10, $0x1;
	s10 =	sld [smem:$0x3FBA];
	_ =	sdelay $0x3  }
0x37: {  	[smem:$0x3FBA] =	sst s10  }
0x38: {  	s10 =	sld [smem:$0x3FBB]  }
0x39: {  	_ = 	snop;
	(pc) =	sbr.ind lr, $3  }
0x3a: {  	_ = 	snop  }
0x3b: {  	_ = 	snop  }
0x3c: {  	p2 =	seq.s32 s10, $0x1;
	s10 =	sld [smem:$0x3FBA]  }
0x3d: {  	_ =	shalt  }
0x3e: {  	_ =	shalt  }
0x3f: {  	_ =	shalt  }
0x40: {  	_ =	shalt  }
0x41: {  	_ =	shalt  }
0x42: {  	_ =	shalt  }
0x43: {  	_ =	shalt  }
0x44: {  	_ =	shalt  }
0x45: {  	_ =	shalt  }
0x46: {  	_ =	shalt  }
0x47: {  	_ =	shalt  }
0x48: {  	_ =	shalt  }
0x49: {  	_ =	shalt  }
0x4a: {  	_ =	shalt  }
0x4b: {  	_ =	shalt  }
0x4c: {  	_ =	shalt  }
0x4d: {  	_ =	shalt  }
0x4e: {  	_ =	shalt  }
0x4f: {  	_ =	shalt  }
0x50: {  	_ =	shalt  }
0x51: {  	_ =	shalt  }
0x52: {  	_ =	shalt  }
0x53: {  	_ =	shalt  }
0x54: {  	_ =	shalt  }
0x55: {  	_ =	shalt  }
0x56: {  	_ =	shalt  }
0x57: {  	_ =	shalt  }
0x58: {  	_ =	shalt  }
0x59: {  	_ =	shalt  }
0x5a: {  	_ =	shalt  }
0x5b: {  	_ =	shalt  }
0x5c: {  	_ =	shalt  }
0x5d: {  	_ =	shalt  }
0x5e: {  	_ =	shalt  }
0x5f: {  	_ =	shalt  }
0x60: {  	_ =	shalt  }
0x61: {  	_ =	shalt  }
0x62: {  	_ =	shalt  }
0x63: {  	_ =	shalt  }
0x64: {  	_ =	shalt  }
0x65: {  	_ =	shalt  }
0x66: {  	_ =	shalt  }
0x67: {  	_ =	shalt  }
0x68: {  	_ =	shalt  }
0x69: {  	_ =	shalt  }
0x6a: {  	_ =	shalt  }
0x6b: {  	_ =	shalt  }
0x6c: {  	_ =	shalt  }
0x6d: {  	_ =	shalt  }
0x6e: {  	_ =	shalt  }
0x6f: {  	_ =	shalt  }
0x70: {  	_ =	shalt  }
0x71: {  	_ =	shalt  }
0x72: {  	_ =	shalt  }
0x73: {  	_ =	shalt  }
0x74: {  	_ =	shalt  }
0x75: {  	_ =	shalt  }
0x76: {  	_ =	shalt  }
0x77: {  	_ =	shalt  }
0x78: {  	_ =	shalt  }
0x79: {  	_ =	shalt  }
0x7a: {  	_ =	shalt  }
0x7b: {  	_ =	shalt  }
0x7c: {  	_ =	shalt  }
0x7d: {  	_ =	shalt  }
0x7e: {  	_ =	shalt  }
0x7f: {  	_ =	shalt  }
0x80: {  	_ =	shalt  }
0x81: {  	_ =	shalt  }
0x82: {  	_ =	shalt  }
0x83: {  	_ =	shalt  }
0x84: {  	_ =	shalt  }
0x85: {  	_ =	shalt  }
0x86: {  	_ =	shalt  }
0x87: {  	_ =	shalt  }
.Lfunc_end0:
.L_simem_size_0:
called_computation_lowered:
.L_overlay_start_0:
0x88: {  	s2 =	sld [smem:$0x3FD9]  }
0x89: {  	s3 =	sld [smem:$0x3FFE];
	_ =	sdelay $0x1  }
0x8a: {  	s1 =	srdreg.scid  }
0x8b: {  	s0 =	sand.u32 $0x1, s1  }
0x8c: {  	s18 =	sshll.u32 s0, $0xA;
	s2 =	sadd.s32 s3, s2  }
0x8d: {  	s2 =	sadd.s32 s2, s18  }
0x8e: {  	[smem:$0x3FC6] =	sst s2  }
0x8f: {  	_ = 	snop  }
0x90: {  	s2 =	sld [smem:$0x3FC9]  }
0x91: {  	s19 =	sld [smem:$0x3FC8]  }
0x92: {  	s4 =	sld [smem:$0x3FD0];
	(tm) =	ssettm $0x1  }
0x93: {  	s5 =	sld [smem:$0x3FFB];
	_ =	sdelay $0x3  }
0x94: {  	_ =	strace s5  }
0x95: {  	s5 =	sld [smem:$0x3FFC];
	_ =	sdelay $0x3  }
0x96: {  	_ =	strace s5  }
0x97: {  	s5 =	sld [smem:$0x3FFD];
	_ =	sdelay $0x3  }
0x98: {  	_ =	strace s5  }
0x99: {  	_ =	strace $0x8FFFFFFF  }
0x9a: {  	s20 =	sld [smem:$0x3FDB];
	_ =	sdelay $0x1  }
0x9b: {  	s6 =	simm.s32 $_scs_section_size  }
0x9c: {  	s7 =	simm.s32 $_size__tile_overlayer_lowered;
	s8 =	simm.s32 $_tile_overlayer_lowered  }
0x9d: {  	s23 =	simm.s32 $0x1BFF;
	s22 =	sshll.u32 s8, $0x1;
	s5 =	sadd.s32 s6, s20  }
0x9e: {  	s9 =	simm.s32 $0x0;
	s21 =	sshll.u32 s7, $0x1;
	s7 =	sadd.s32 s22, s5  }
0x9f: {  	[timem:s9], [sflag:s23] =	dma.local [hbm:s7], s21  }
0xa0: {  	_ =	swait.ge [sflag:s23], s21  }
0xa1: {  	s6 =	ssub.s32 $0x0, s21;
	[sflag:s23] =	ssyncset.done $0x0  }
0xa2: {  	[sflag:s23] =	ssyncadd.s32 s6;
	_ =	sdelay $0x1  }
0xa3: {  	s24 =	simm.s32 $0x1B8B  }
0xa4: {  	_ =	swait.ge [sflag:s24], $0x1  }
0xa5: {  	[sflag:s24] =	ssyncset.done $0x0  }
0xa6: {  	s25 =	simm.s32 $0x1B8E;
	[sflag:s24] =	ssyncadd.s32 $0xFFFFFFFF  }
0xa7: {  	s26 =	simm.s32 $execute0_lowered;
	[smem:$0x3FD2] =	sst s25  }
0xa8: {  	s6 =	sshll.u32 s26, $0x1;
	_ =	strace $0x80000046;
	[dreg:$0x1] =	wrdreg $0xFFFFFFFF  }
0xa9: {  	s28 =	simm.s32 $_size_execute0_lowered;
	s5 =	sadd.s32 s5, s6;
	[dreg:$0x0] =	wrdreg $0x0  }
0xaa: {  	s6 =	sshll.u32 s28, $0x1;
	[dreg:$0x2] =	wrdreg s5  }
0xab: {  	[dreg:$0x3] =	wrdreg s6  }
0xac: {  	[dreg:$0x4] =	wrdreg $0xC0  }
0xad: {  	_ =	task [dreg:s9], $0x5FFFF  }
0xae: {  	[dreg:$0x1] =	wrdreg $0xFFFFFFFF  }
0xaf: {  	[dreg:$0x0] =	wrdreg $0x60  }
0xb0: {  	[dreg:$0x2] =	wrdreg s2  }
0xb1: {  	[dreg:$0x3] =	wrdreg s19  }
0xb2: {  	[dreg:$0x4] =	wrdreg s4  }
0xb3: {  	[dreg:$0x5] =	wrdreg $0x9  }
0xb4: {  	_ =	task.clear_ibuf [dreg:s9], $0x6FFFF;
	_ =	strace $0x90000046  }
0xb5: {  	s29 =	simm.s32 $0x9;
	_ =	strace $0x80000048  }
0xb6: {  	_ =	swait.ge [sflag:s29], $0x1  }
0xb7: {  	[sflag:s29] =	ssyncadd.s32 $0xFFFFFFFF  }
0xb8: {  	_ =	strace $0x90000048  }
0xb9: {  	_ =	sfence  }
0xba: {  	s30 =	sld [smem:$0x0];
	_ =	sdelay $0x2  }
0xbb: {  	s31 =	sshll.u32 s1, $0xD;
	s1 =	sshrl.u32 s1, $0x2  }
0xbc: {  	s3 =	sand.u32 $0x4000, s31;
	s1 =	sadd.s32 s1, s30  }
0xbd: {  	s0 =	sor.u32 s3, s0;
	s1 =	sshll.u32 s1, $0x11  }
0xbe: {  	s0 =	sor.u32 s1, s0  }
0xbf: {  	s0 =	sadd.s32 $0x8F2B, s0  }
0xc0: {  	[sflag:s0] =	ssyncadd.remote.s32 $0x1  }
0xc1: {  	_ =	sfence.sel $0xFFFF  }
0xc2: {  	[dreg:$0x0] =	wrdreg $0xFFFFFFFF;
	(pc) =	sbr.abs _section_cstart, $3  }
0xc3: {  	[dreg:$0x1] =	wrdreg $0xFFFFFFFF  }
0xc4: {  	_ =	task.clear_ibuf [dreg:s9], $0x2FFFF;
	_ =	strace $0x9FFFFFFF  }
0xc5: {  	(tm) =	ssettm $0x7FFFFFFF  }
tec
execute0_lowered:
.L_overlay_start_1:
0x0: {  	(tag) =	ssettag $0x1  }
0x1: {  	s0 =	rddreg [dreg:$0x0]  }
0x2: {  	s2 =	rddreg [dreg:$0x1]  }
0x3: {  	s1 =	rddreg [dreg:$0x2]  }
0x4: {  	s3 =	srdreg.scid;
	s10 =	stileid.u32  }
0x5: {  	s4 =	sand.u32 $0x1, s3;
	s5 =	sshll.u32 s10, $0x1;
	s6 =	sshrl.u32 s10, $0x2  }
0x6: {  	s3 =	simm.s32 $0x0;
	s5 =	sor.u32 s4, s5;
	s6 =	smul.u32 $0xC800, s6  }
0x7: {  	[smem:$0x7FF] =	sst s3;
	s8 =	ssub.s32 $0x2, s4;
	s7 =	sshll.u32 s5, $0x7  }
0x8: {  	s5 =	smul.u32 $0xC8000, s5;
	s9 =	sshrl.u32 s8, $0x1;
	s7 =	sand.u32 $0x380, s7  }
0x9: {  	_ =	strace $0x80000047;
	s8 =	ssub.s32 s8, s9;
	s6 =	sor.u32 s6, s7  }
0xa: {  	s5 =	sshrl.u32 s5, $0x3;
	s31 =	smax.u32 s8, $0x1;
	s6 =	sshrl.u32 s6, $0x3  }
0xb: {  	s5 =	sadd.s32 s1, s5;
	[dreg:$0x17] =	wrdreg s31;
	s0 =	sadd.s32 s0, s6  }
0xc: {  	s9 =	sadd.s32 $0x16C00, s5;
	[dreg:$0x4] =	wrdreg s0  }
0xd: {  	s11 =	sadd.s32 $0x16E00, s5;
	[dreg:$0x5] =	wrdreg s9  }
0xe: {  	s12 =	sadd.s32 $0x17000, s5;
	[dreg:$0x6] =	wrdreg s11  }
0xf: {  	s13 =	sadd.s32 $0x17200, s5;
	[dreg:$0x7] =	wrdreg s12  }
0x10: {  	s14 =	sadd.s32 $0x17400, s5;
	[dreg:$0x8] =	wrdreg s13  }
0x11: {  	s15 =	sadd.s32 $0x17600, s5;
	[dreg:$0x9] =	wrdreg s14  }
0x12: {  	s16 =	sadd.s32 $0x17800, s5;
	[dreg:$0xa] =	wrdreg s15  }
0x13: {  	s17 =	sadd.s32 $0x17A00, s5;
	[dreg:$0xb] =	wrdreg s16  }
0x14: {  	s18 =	sadd.s32 $0x17C00, s5;
	[dreg:$0xc] =	wrdreg s17  }
0x15: {  	s19 =	sadd.s32 $0x17E00, s5;
	[dreg:$0xd] =	wrdreg s18  }
0x16: {  	s20 =	sadd.s32 $0x18000, s5;
	[dreg:$0xe] =	wrdreg s19  }
0x17: {  	s29 =	simm.s32 $0x20;
	s21 =	sadd.s32 $0x18200, s5;
	[dreg:$0xf] =	wrdreg s20  }
0x18: {  	s23 =	smul.u32 $0x32000, s10;
	s22 =	sadd.s32 $0x18400, s5;
	[dreg:$0x10] =	wrdreg s21  }
0x19: {  	s10 =	simm.s32 $0x1A;
	s24 =	sadd.s32 $0x18600, s5;
	[dreg:$0x11] =	wrdreg s22  }
0x1a: {  	s4 =	smul.u32 $0x19000, s4;
	s25 =	sadd.s32 $0x18800, s5;
	[dreg:$0x12] =	wrdreg s24  }
0x1b: {  	s7 =	simm.s32 $0x17;
	s26 =	sadd.s32 $0x18A00, s5;
	[dreg:$0x13] =	wrdreg s25  }
0x1c: {  	s8 =	simm.s32 $0x18;
	s28 =	sadd.s32 $0x18C00, s5;
	[dreg:$0x14] =	wrdreg s26  }
0x1d: {  	s30 =	sadd.s32 $0x18E00, s5;
	s5 =	simm.s32 $0x15;
	[dreg:$0x15] =	wrdreg s28  }
0x1e: {  	s6 =	simm.s32 $0x16;
	s0 =	sadd.s32 s23, s1;
	[dreg:$0x16] =	wrdreg s30  }
0x1f: {  	s26 =	simm.s32 $0x13;
	s9 =	simm.s32 $0x19;
	s0 =	sadd.s32 s4, s0  }
0x20: {  	s11 =	simm.s32 $0x1B;
	s12 =	simm.s32 $0x1C;
	s0 =	sadd.s32 $0x1A00, s0  }
0x21: {  	s4 =	simm.s32 $0x14;
	[dreg:$0x18] =	wrdreg s0;
	s0 =	simm.s32 $0x0  }
.LBB2_1:
0x22: {  	[dreg:$0x19] =	wrdreg s0  }
0x23: {  	s13 =	rddreg [dreg:$0x4]  }
0x24: {  	s14 =	simm.s32 $0x80;
	s15 =	simm.s32 $0x400;
	s21 =	simm.s32 $0x1D  }
0x25: {  	[tilespmem:s3], [sflag:$0x1D] =	stream.strided.gather [hbm4b:s13+s14], $0x1900, s15, s14, $0x38;
	[tilespmem:$0xF900] =	vst v63  }
0x26: {  	_ =	swait.ge [sflag:s21], $0x1900  }
0x27: {  	[sflag:s21] =	ssyncset.done $0x0  }
0x28: {  	s15 =	simm.s32 $0x1900;
	[sflag:s21] =	ssyncadd.s32 $0xFFFFE700  }
0x29: {  	[tilespmem:s15], [sflag:$0x1] =	stream.indirect.gather [hbm4b:s2+s29], $0x80, s3, s29, $0xb8;
	[tilespmem:$0xF900] =	vst v63  }
0x2a: {  	s16 =	simm.s32 $0x2900  }
0x2b: {  	[tilespmem:s16], [sflag:$0x2] =	stream.indirect.gather [hbm4b:s2+s29], $0x80, s29, s29, $0xb8;
	[tilespmem:$0xF900] =	vst v63  }
0x2c: {  	s22 =	simm.s32 $0x40;
	s17 =	simm.s32 $0x3900  }
0x2d: {  	[tilespmem:s17], [sflag:$0x3] =	stream.indirect.gather [hbm4b:s2+s29], $0x80, s22, s29, $0xb8;
	[tilespmem:$0xF900] =	vst v63  }
0x2e: {  	s23 =	simm.s32 $0x60;
	s18 =	simm.s32 $0x4900  }
0x2f: {  	[tilespmem:s18], [sflag:$0x4] =	stream.indirect.gather [hbm4b:s2+s29], $0x80, s23, s29, $0xb8;
	[tilespmem:$0xF900] =	vst v63  }
0x30: {  	s19 =	simm.s32 $0x5900  }
0x31: {  	[tilespmem:s19], [sflag:$0x5] =	stream.indirect.gather [hbm4b:s2+s29], $0x80, s14, s29, $0xb8;
	[tilespmem:$0xF900] =	vst v63  }
0x32: {  	s24 =	simm.s32 $0xA0;
	s20 =	simm.s32 $0x6900  }
0x33: {  	[tilespmem:s20], [sflag:$0x6] =	stream.indirect.gather [hbm4b:s2+s29], $0x80, s24, s29, $0xb8;
	[tilespmem:$0xF900] =	vst v63  }
0x34: {  	s25 =	simm.s32 $0xC0;
	s21 =	simm.s32 $0x7900  }
0x35: {  	[tilespmem:s21], [sflag:$0x7] =	stream.indirect.gather [hbm4b:s2+s29], $0x80, s25, s29, $0xb8;
	[tilespmem:$0xF900] =	vst v63  }
0x36: {  	s28 =	simm.s32 $0xE0;
	s22 =	simm.s32 $0x8900  }
0x37: {  	[tilespmem:s22], [sflag:$0x8] =	stream.indirect.gather [hbm4b:s2+s29], $0x80, s28, s29, $0xb8;
	[tilespmem:$0xF900] =	vst v63  }
0x38: {  	s30 =	simm.s32 $0x100;
	s23 =	simm.s32 $0x9900  }
0x39: {  	[tilespmem:s23], [sflag:$0x9] =	stream.indirect.gather [hbm4b:s2+s29], $0x80, s30, s29, $0xb8;
	[tilespmem:$0xF900] =	vst v63  }
0x3a: {  	s31 =	simm.s32 $0x120;
	s24 =	simm.s32 $0xA900  }
0x3b: {  	[tilespmem:s24], [sflag:$0xA] =	stream.indirect.gather [hbm4b:s2+s29], $0x80, s31, s29, $0xb8;
	[tilespmem:$0xF900] =	vst v63  }
0x3c: {  	s0 =	simm.s32 $0x140;
	s25 =	simm.s32 $0xB900  }
0x3d: {  	[tilespmem:s25], [sflag:$0xB] =	stream.indirect.gather [hbm4b:s2+s29], $0x80, s0, s29, $0xb8;
	[tilespmem:$0xF900] =	vst v63  }
0x3e: {  	s1 =	simm.s32 $0x160;
	s28 =	simm.s32 $0xC900  }
0x3f: {  	[tilespmem:s28], [sflag:$0xC] =	stream.indirect.gather [hbm4b:s2+s29], $0x80, s1, s29, $0xb8;
	[tilespmem:$0xF900] =	vst v63  }
0x40: {  	s14 =	simm.s32 $0x180;
	s30 =	simm.s32 $0xD900  }
0x41: {  	[tilespmem:s30], [sflag:$0xD] =	stream.indirect.gather [hbm4b:s2+s29], $0x80, s14, s29, $0xb8;
	[tilespmem:$0xF900] =	vst v63  }
0x42: {  	s31 =	simm.s32 $0x1;
	s0 =	simm.s32 $0xE900;
	s1 =	simm.s32 $0x1A0  }
0x43: {  	[tilespmem:s0], [sflag:$0xE] =	stream.indirect.gather [hbm4b:s2+s29], $0x80, s1, s29, $0xb8;
	[tilespmem:$0xF900] =	vst v63  }
0x44: {  	_ =	swait.ge [sflag:s31], $0x1000  }
0x45: {  	[sflag:s31] =	ssyncset.done $0x0;
	s14 =	rddreg [dreg:$0x18]  }
0x46: {  	[sflag:s31] =	ssyncadd.s32 $0xFFFFF000;
	s1 =	sadd.s32 $0xFFFFE600, s14;
	s31 =	simm.s32 $0x2  }
0x47: {  	[hbm4b:s1+s3] =	stream.linear.scatter [tilespmem:s15], [sflag:$0xF], $0x1000, $0x38;
	[tilespmem:$0xF900] =	vst v63  }
0x48: {  	_ =	swait.ge [sflag:s31], $0x1000  }
0x49: {  	[sflag:s31] =	ssyncset.done $0x0  }
0x4a: {  	s1 =	sadd.s32 $0xFFFFE800, s14;
	[sflag:s31] =	ssyncadd.s32 $0xFFFFF000;
	s31 =	simm.s32 $0x3  }
0x4b: {  	[hbm4b:s1+s3] =	stream.linear.scatter [tilespmem:s16], [sflag:$0x10], $0x1000, $0x38;
	[tilespmem:$0xF900] =	vst v63  }
0x4c: {  	_ =	swait.ge [sflag:s31], $0x1000  }
0x4d: {  	[sflag:s31] =	ssyncset.done $0x0  }
0x4e: {  	s1 =	sadd.s32 $0xFFFFEA00, s14;
	[sflag:s31] =	ssyncadd.s32 $0xFFFFF000;
	s31 =	simm.s32 $0x4  }
0x4f: {  	[hbm4b:s1+s3] =	stream.linear.scatter [tilespmem:s17], [sflag:$0x11], $0x1000, $0x38;
	[tilespmem:$0xF900] =	vst v63  }
0x50: {  	_ =	swait.ge [sflag:s31], $0x1000  }
0x51: {  	[sflag:s31] =	ssyncset.done $0x0  }
0x52: {  	s1 =	sadd.s32 $0xFFFFEC00, s14;
	[sflag:s31] =	ssyncadd.s32 $0xFFFFF000;
	s31 =	simm.s32 $0x5  }
0x53: {  	[hbm4b:s1+s3] =	stream.linear.scatter [tilespmem:s18], [sflag:$0x12], $0x1000, $0x38;
	[tilespmem:$0xF900] =	vst v63  }
0x54: {  	_ =	swait.ge [sflag:s31], $0x1000  }
0x55: {  	[sflag:s31] =	ssyncset.done $0x0  }
0x56: {  	s1 =	sadd.s32 $0xFFFFEE00, s14;
	[sflag:s31] =	ssyncadd.s32 $0xFFFFF000;
	s31 =	simm.s32 $0x6  }
0x57: {  	[hbm4b:s1+s3] =	stream.linear.scatter [tilespmem:s19], [sflag:$0x13], $0x1000, $0x38;
	[tilespmem:$0xF900] =	vst v63  }
0x58: {  	_ =	swait.ge [sflag:s31], $0x1000  }
0x59: {  	[sflag:s31] =	ssyncset.done $0x0  }
0x5a: {  	s1 =	sadd.s32 $0xFFFFF000, s14;
	[sflag:s31] =	ssyncadd.s32 $0xFFFFF000;
	s31 =	simm.s32 $0x7  }
0x5b: {  	[hbm4b:s1+s3] =	stream.linear.scatter [tilespmem:s20], [sflag:$0x14], $0x1000, $0x38;
	[tilespmem:$0xF900] =	vst v63  }
0x5c: {  	_ =	swait.ge [sflag:s31], $0x1000  }
0x5d: {  	[sflag:s31] =	ssyncset.done $0x0  }
0x5e: {  	s1 =	sadd.s32 $0xFFFFF200, s14;
	[sflag:s31] =	ssyncadd.s32 $0xFFFFF000;
	s31 =	simm.s32 $0x8  }
0x5f: {  	[hbm4b:s1+s3] =	stream.linear.scatter [tilespmem:s21], [sflag:$0x15], $0x1000, $0x38;
	[tilespmem:$0xF900] =	vst v63  }
0x60: {  	_ =	swait.ge [sflag:s31], $0x1000  }
0x61: {  	[sflag:s31] =	ssyncset.done $0x0  }
0x62: {  	s1 =	sadd.s32 $0xFFFFF400, s14;
	[sflag:s31] =	ssyncadd.s32 $0xFFFFF000;
	s31 =	simm.s32 $0x9  }
0x63: {  	[hbm4b:s1+s3] =	stream.linear.scatter [tilespmem:s22], [sflag:$0x16], $0x1000, $0x38;
	[tilespmem:$0xF900] =	vst v63  }
0x64: {  	_ =	swait.ge [sflag:s31], $0x1000  }
0x65: {  	[sflag:s31] =	ssyncset.done $0x0  }
0x66: {  	s1 =	sadd.s32 $0xFFFFF600, s14;
	[sflag:s31] =	ssyncadd.s32 $0xFFFFF000;
	s31 =	simm.s32 $0xA  }
0x67: {  	[hbm4b:s1+s3] =	stream.linear.scatter [tilespmem:s23], [sflag:$0x17], $0x1000, $0x38;
	[tilespmem:$0xF900] =	vst v63  }
0x68: {  	_ =	swait.ge [sflag:s31], $0x1000  }
0x69: {  	[sflag:s31] =	ssyncset.done $0x0  }
0x6a: {  	s1 =	sadd.s32 $0xFFFFF800, s14;
	[sflag:s31] =	ssyncadd.s32 $0xFFFFF000;
	s31 =	simm.s32 $0xB  }
0x6b: {  	[hbm4b:s1+s3] =	stream.linear.scatter [tilespmem:s24], [sflag:$0x18], $0x1000, $0x38;
	[tilespmem:$0xF900] =	vst v63  }
0x6c: {  	_ =	swait.ge [sflag:s31], $0x1000  }
0x6d: {  	[sflag:s31] =	ssyncset.done $0x0  }
0x6e: {  	s1 =	sadd.s32 $0xFFFFFA00, s14;
	[sflag:s31] =	ssyncadd.s32 $0xFFFFF000;
	s31 =	simm.s32 $0xC  }
0x6f: {  	[hbm4b:s1+s3] =	stream.linear.scatter [tilespmem:s25], [sflag:$0x19], $0x1000, $0x38;
	[tilespmem:$0xF900] =	vst v63  }
0x70: {  	_ =	swait.ge [sflag:s31], $0x1000  }
0x71: {  	[sflag:s31] =	ssyncset.done $0x0  }
0x72: {  	s1 =	sadd.s32 $0xFFFFFC00, s14;
	[sflag:s31] =	ssyncadd.s32 $0xFFFFF000;
	s31 =	simm.s32 $0xD  }
0x73: {  	[hbm4b:s1+s3] =	stream.linear.scatter [tilespmem:s28], [sflag:$0x1A], $0x1000, $0x38;
	[tilespmem:$0xF900] =	vst v63  }
0x74: {  	_ =	swait.ge [sflag:s31], $0x1000  }
0x75: {  	[sflag:s31] =	ssyncset.done $0x0  }
0x76: {  	s13 =	simm.s32 $0xE;
	s1 =	sadd.s32 $0xFFFFFE00, s14;
	[sflag:s31] =	ssyncadd.s32 $0xFFFFF000  }
0x77: {  	[hbm4b:s1+s3] =	stream.linear.scatter [tilespmem:s30], [sflag:$0x1B], $0x1000, $0x38;
	[tilespmem:$0xF900] =	vst v63  }
0x78: {  	_ =	swait.ge [sflag:s13], $0x1000  }
0x79: {  	[sflag:s13] =	ssyncset.done $0x0  }
0x7a: {  	s31 =	simm.s32 $0xF;
	[sflag:s13] =	ssyncadd.s32 $0xFFFFF000  }
0x7b: {  	[hbm4b:s14+s3] =	stream.linear.scatter [tilespmem:s0], [sflag:$0x1C], $0x1000, $0x38;
	[tilespmem:$0xF900] =	vst v63  }
0x7c: {  	_ =	swait.ge [sflag:s31], $0x1000  }
0x7d: {  	[sflag:s31] =	ssyncset.done $0x0  }
0x7e: {  	s1 =	simm.s32 $0x1C0;
	[sflag:s31] =	ssyncadd.s32 $0xFFFFF000;
	s31 =	simm.s32 $0x10  }
0x7f: {  	[tilespmem:s15], [sflag:$0x1] =	stream.indirect.gather [hbm4b:s2+s29], $0x80, s1, s29, $0xb8;
	[tilespmem:$0xF900] =	vst v63  }
0x80: {  	_ =	swait.ge [sflag:s31], $0x1000  }
0x81: {  	[sflag:s31] =	ssyncset.done $0x0  }
0x82: {  	s13 =	simm.s32 $0x11;
	s1 =	simm.s32 $0x1E0;
	[sflag:s31] =	ssyncadd.s32 $0xFFFFF000  }
0x83: {  	[tilespmem:s16], [sflag:$0x2] =	stream.indirect.gather [hbm4b:s2+s29], $0x80, s1, s29, $0xb8;
	[tilespmem:$0xF900] =	vst v63  }
0x84: {  	_ =	swait.ge [sflag:s13], $0x1000  }
0x85: {  	[sflag:s13] =	ssyncset.done $0x0  }
0x86: {  	s15 =	simm.s32 $0x200;
	s16 =	simm.s32 $0x12;
	[sflag:s13] =	ssyncadd.s32 $0xFFFFF000  }
0x87: {  	[tilespmem:s17], [sflag:$0x3] =	stream.indirect.gather [hbm4b:s2+s29], $0x80, s15, s29, $0xb8;
	[tilespmem:$0xF900] =	vst v63  }
0x88: {  	_ =	swait.ge [sflag:s16], $0x1000  }
0x89: {  	[sflag:s16] =	ssyncset.done $0x0  }
0x8a: {  	s17 =	simm.s32 $0x220;
	[sflag:s16] =	ssyncadd.s32 $0xFFFFF000  }
0x8b: {  	[tilespmem:s18], [sflag:$0x4] =	stream.indirect.gather [hbm4b:s2+s29], $0x80, s17, s29, $0xb8;
	[tilespmem:$0xF900] =	vst v63  }
0x8c: {  	_ =	swait.ge [sflag:s26], $0x1000  }
0x8d: {  	[sflag:s26] =	ssyncset.done $0x0  }
0x8e: {  	s18 =	simm.s32 $0x240;
	[sflag:s26] =	ssyncadd.s32 $0xFFFFF000  }
0x8f: {  	[tilespmem:s19], [sflag:$0x5] =	stream.indirect.gather [hbm4b:s2+s29], $0x80, s18, s29, $0xb8;
	[tilespmem:$0xF900] =	vst v63  }
0x90: {  	_ =	swait.ge [sflag:s4], $0x1000  }
0x91: {  	[sflag:s4] =	ssyncset.done $0x0  }
0x92: {  	s19 =	simm.s32 $0x260;
	[sflag:s4] =	ssyncadd.s32 $0xFFFFF000  }
0x93: {  	[tilespmem:s20], [sflag:$0x6] =	stream.indirect.gather [hbm4b:s2+s29], $0x80, s19, s29, $0xb8;
	[tilespmem:$0xF900] =	vst v63  }
0x94: {  	_ =	swait.ge [sflag:s5], $0x1000  }
0x95: {  	[sflag:s5] =	ssyncset.done $0x0  }
0x96: {  	s20 =	simm.s32 $0x280;
	[sflag:s5] =	ssyncadd.s32 $0xFFFFF000  }
0x97: {  	[tilespmem:s21], [sflag:$0x7] =	stream.indirect.gather [hbm4b:s2+s29], $0x80, s20, s29, $0xb8;
	[tilespmem:$0xF900] =	vst v63  }
0x98: {  	_ =	swait.ge [sflag:s6], $0x1000  }
0x99: {  	[sflag:s6] =	ssyncset.done $0x0  }
0x9a: {  	s21 =	simm.s32 $0x2A0;
	[sflag:s6] =	ssyncadd.s32 $0xFFFFF000  }
0x9b: {  	[tilespmem:s22], [sflag:$0x8] =	stream.indirect.gather [hbm4b:s2+s29], $0x80, s21, s29, $0xb8;
	[tilespmem:$0xF900] =	vst v63  }
0x9c: {  	_ =	swait.ge [sflag:s7], $0x1000  }
0x9d: {  	[sflag:s7] =	ssyncset.done $0x0  }
0x9e: {  	s22 =	simm.s32 $0x2C0;
	[sflag:s7] =	ssyncadd.s32 $0xFFFFF000  }
0x9f: {  	[tilespmem:s23], [sflag:$0x9] =	stream.indirect.gather [hbm4b:s2+s29], $0x80, s22, s29, $0xb8;
	[tilespmem:$0xF900] =	vst v63  }
0xa0: {  	_ =	swait.ge [sflag:s8], $0x1000  }
0xa1: {  	[sflag:s8] =	ssyncset.done $0x0  }
0xa2: {  	s23 =	simm.s32 $0x2E0;
	[sflag:s8] =	ssyncadd.s32 $0xFFFFF000  }
0xa3: {  	[tilespmem:s24], [sflag:$0xA] =	stream.indirect.gather [hbm4b:s2+s29], $0x80, s23, s29, $0xb8;
	[tilespmem:$0xF900] =	vst v63  }
0xa4: {  	_ =	swait.ge [sflag:s9], $0x1000  }
0xa5: {  	[sflag:s9] =	ssyncset.done $0x0  }
0xa6: {  	s24 =	simm.s32 $0x300;
	[sflag:s9] =	ssyncadd.s32 $0xFFFFF000  }
0xa7: {  	[tilespmem:s25], [sflag:$0xB] =	stream.indirect.gather [hbm4b:s2+s29], $0x80, s24, s29, $0xb8;
	[tilespmem:$0xF900] =	vst v63  }
0xa8: {  	_ =	swait.ge [sflag:s10], $0x1000  }
0xa9: {  	[sflag:s10] =	ssyncset.done $0x0  }
0xaa: {  	s25 =	simm.s32 $0x320;
	[sflag:s10] =	ssyncadd.s32 $0xFFFFF000  }
0xab: {  	[tilespmem:s28], [sflag:$0xC] =	stream.indirect.gather [hbm4b:s2+s29], $0x80, s25, s29, $0xb8;
	[tilespmem:$0xF900] =	vst v63  }
0xac: {  	_ =	swait.ge [sflag:s11], $0x1000  }
0xad: {  	[sflag:s11] =	ssyncset.done $0x0  }
0xae: {  	s31 =	simm.s32 $0x340;
	[sflag:s11] =	ssyncadd.s32 $0xFFFFF000  }
0xaf: {  	[tilespmem:s30], [sflag:$0xD] =	stream.indirect.gather [hbm4b:s2+s29], $0x80, s31, s29, $0xb8;
	[tilespmem:$0xF900] =	vst v63  }
0xb0: {  	_ =	swait.ge [sflag:s12], $0x1000  }
0xb1: {  	s14 =	sadd.s32 $0x1C00, s14;
	[sflag:s12] =	ssyncset.done $0x0  }
0xb2: {  	s13 =	simm.s32 $0x700;
	s15 =	simm.s32 $0x360;
	[sflag:s12] =	ssyncadd.s32 $0xFFFFF000  }
.LBB2_2:
0xb3: {  	s0 =	simm.s32 $0xE900  }
0xb4: {  	[tilespmem:s0], [sflag:$0xE] =	stream.indirect.gather [hbm4b:s2+s29], $0x80, s15, s29, $0xb8;
	[tilespmem:$0xF900] =	vst v63  }
0xb5: {  	s1 =	simm.s32 $0x1;
	s15 =	smov.u32 s13  }
0xb6: {  	p0 =	sne.s32 s13, $0x5400;
	s13 =	sadd.s32 $0x700, s13;
	_ =	swait.ge [sflag:s1], $0x1000  }
0xb7: {  	s16 =	sadd.s32 $0xFFFFE600, s14;
	[sflag:s1] =	ssyncset.done $0x0  }
0xb8: {  	s17 =	simm.s32 $0x1900;
	[sflag:s1] =	ssyncadd.s32 $0xFFFFF000;
	s1 =	simm.s32 $0x2  }
0xb9: {  	[hbm4b:s16+s3] =	stream.linear.scatter [tilespmem:s17], [sflag:$0xF], $0x1000, $0x38;
	[tilespmem:$0xF900] =	vst v63  }
0xba: {  	_ =	swait.ge [sflag:s1], $0x1000  }
0xbb: {  	s18 =	simm.s32 $0x2900;
	[sflag:s1] =	ssyncset.done $0x0  }
0xbc: {  	s16 =	sadd.s32 $0xFFFFE800, s14;
	[sflag:s1] =	ssyncadd.s32 $0xFFFFF000;
	s1 =	simm.s32 $0x3  }
0xbd: {  	[hbm4b:s16+s3] =	stream.linear.scatter [tilespmem:s18], [sflag:$0x10], $0x1000, $0x38;
	[tilespmem:$0xF900] =	vst v63  }
0xbe: {  	_ =	swait.ge [sflag:s1], $0x1000  }
0xbf: {  	s25 =	simm.s32 $0x3900;
	[sflag:s1] =	ssyncset.done $0x0  }
0xc0: {  	s16 =	sadd.s32 $0xFFFFEA00, s14;
	[sflag:s1] =	ssyncadd.s32 $0xFFFFF000;
	s1 =	simm.s32 $0x4  }
0xc1: {  	[hbm4b:s16+s3] =	stream.linear.scatter [tilespmem:s25], [sflag:$0x11], $0x1000, $0x38;
	[tilespmem:$0xF900] =	vst v63  }
0xc2: {  	_ =	swait.ge [sflag:s1], $0x1000  }
0xc3: {  	s19 =	simm.s32 $0x4900;
	[sflag:s1] =	ssyncset.done $0x0  }
0xc4: {  	s16 =	sadd.s32 $0xFFFFEC00, s14;
	[sflag:s1] =	ssyncadd.s32 $0xFFFFF000;
	s1 =	simm.s32 $0x5  }
0xc5: {  	[hbm4b:s16+s3] =	stream.linear.scatter [tilespmem:s19], [sflag:$0x12], $0x1000, $0x38;
	[tilespmem:$0xF900] =	vst v63  }
0xc6: {  	_ =	swait.ge [sflag:s1], $0x1000  }
0xc7: {  	s20 =	simm.s32 $0x5900;
	[sflag:s1] =	ssyncset.done $0x0  }
0xc8: {  	s16 =	sadd.s32 $0xFFFFEE00, s14;
	[sflag:s1] =	ssyncadd.s32 $0xFFFFF000;
	s1 =	simm.s32 $0x6  }
0xc9: {  	[hbm4b:s16+s3] =	stream.linear.scatter [tilespmem:s20], [sflag:$0x13], $0x1000, $0x38;
	[tilespmem:$0xF900] =	vst v63  }
0xca: {  	_ =	swait.ge [sflag:s1], $0x1000  }
0xcb: {  	s21 =	simm.s32 $0x6900;
	[sflag:s1] =	ssyncset.done $0x0  }
0xcc: {  	s16 =	sadd.s32 $0xFFFFF000, s14;
	[sflag:s1] =	ssyncadd.s32 $0xFFFFF000;
	s1 =	simm.s32 $0x7  }
0xcd: {  	[hbm4b:s16+s3] =	stream.linear.scatter [tilespmem:s21], [sflag:$0x14], $0x1000, $0x38;
	[tilespmem:$0xF900] =	vst v63  }
0xce: {  	_ =	swait.ge [sflag:s1], $0x1000  }
0xcf: {  	s22 =	simm.s32 $0x7900;
	[sflag:s1] =	ssyncset.done $0x0  }
0xd0: {  	s16 =	sadd.s32 $0xFFFFF200, s14;
	[sflag:s1] =	ssyncadd.s32 $0xFFFFF000;
	s1 =	simm.s32 $0x8  }
0xd1: {  	[hbm4b:s16+s3] =	stream.linear.scatter [tilespmem:s22], [sflag:$0x15], $0x1000, $0x38;
	[tilespmem:$0xF900] =	vst v63  }
0xd2: {  	_ =	swait.ge [sflag:s1], $0x1000  }
0xd3: {  	s23 =	simm.s32 $0x8900;
	[sflag:s1] =	ssyncset.done $0x0  }
0xd4: {  	s16 =	sadd.s32 $0xFFFFF400, s14;
	[sflag:s1] =	ssyncadd.s32 $0xFFFFF000;
	s1 =	simm.s32 $0x9  }
0xd5: {  	[hbm4b:s16+s3] =	stream.linear.scatter [tilespmem:s23], [sflag:$0x16], $0x1000, $0x38;
	[tilespmem:$0xF900] =	vst v63  }
0xd6: {  	_ =	swait.ge [sflag:s1], $0x1000  }
0xd7: {  	s28 =	simm.s32 $0x9900;
	[sflag:s1] =	ssyncset.done $0x0  }
0xd8: {  	s16 =	sadd.s32 $0xFFFFF600, s14;
	[sflag:s1] =	ssyncadd.s32 $0xFFFFF000;
	s1 =	simm.s32 $0xA  }
0xd9: {  	[hbm4b:s16+s3] =	stream.linear.scatter [tilespmem:s28], [sflag:$0x17], $0x1000, $0x38;
	[tilespmem:$0xF900] =	vst v63  }
0xda: {  	_ =	swait.ge [sflag:s1], $0x1000  }
0xdb: {  	s24 =	simm.s32 $0xA900;
	[sflag:s1] =	ssyncset.done $0x0  }
0xdc: {  	s16 =	sadd.s32 $0xFFFFF800, s14;
	[sflag:s1] =	ssyncadd.s32 $0xFFFFF000;
	s1 =	simm.s32 $0xB  }
0xdd: {  	[hbm4b:s16+s3] =	stream.linear.scatter [tilespmem:s24], [sflag:$0x18], $0x1000, $0x38;
	[tilespmem:$0xF900] =	vst v63  }
0xde: {  	_ =	swait.ge [sflag:s1], $0x1000  }
0xdf: {  	s30 =	simm.s32 $0xB900;
	[sflag:s1] =	ssyncset.done $0x0  }
0xe0: {  	s16 =	sadd.s32 $0xFFFFFA00, s14;
	[sflag:s1] =	ssyncadd.s32 $0xFFFFF000;
	s1 =	simm.s32 $0xC  }
0xe1: {  	[hbm4b:s16+s3] =	stream.linear.scatter [tilespmem:s30], [sflag:$0x19], $0x1000, $0x38;
	[tilespmem:$0xF900] =	vst v63  }
0xe2: {  	_ =	swait.ge [sflag:s1], $0x1000  }
0xe3: {  	s31 =	simm.s32 $0xC900;
	[sflag:s1] =	ssyncset.done $0x0  }
0xe4: {  	s16 =	sadd.s32 $0xFFFFFC00, s14;
	[sflag:s1] =	ssyncadd.s32 $0xFFFFF000;
	s1 =	simm.s32 $0xD  }
0xe5: {  	[hbm4b:s16+s3] =	stream.linear.scatter [tilespmem:s31], [sflag:$0x1A], $0x1000, $0x38;
	[tilespmem:$0xF900] =	vst v63  }
0xe6: {  	_ =	swait.ge [sflag:s1], $0x1000  }
0xe7: {  	[sflag:s1] =	ssyncset.done $0x0  }
0xe8: {  	s16 =	sadd.s32 $0xFFFFFE00, s14;
	[sflag:s1] =	ssyncadd.s32 $0xFFFFF000;
	s1 =	simm.s32 $0xD900  }
0xe9: {  	[hbm4b:s16+s3] =	stream.linear.scatter [tilespmem:s1], [sflag:$0x1B], $0x1000, $0x38;
	[tilespmem:$0xF900] =	vst v63  }
0xea: {  	s16 =	simm.s32 $0xE  }
0xeb: {  	_ =	swait.ge [sflag:s16], $0x1000  }
0xec: {  	[sflag:s16] =	ssyncset.done $0x0  }
0xed: {  	[sflag:s16] =	ssyncadd.s32 $0xFFFFF000  }
0xee: {  	[hbm4b:s14+s3] =	stream.linear.scatter [tilespmem:s0], [sflag:$0x1C], $0x1000, $0x38;
	[tilespmem:$0xF900] =	vst v63  }
0xef: {  	s0 =	simm.s32 $0xF  }
0xf0: {  	_ =	swait.ge [sflag:s0], $0x1000  }
0xf1: {  	s15 =	sshra.s32 s15, $0x2;
	[sflag:s0] =	ssyncset.done $0x0  }
0xf2: {  	s16 =	sadd.s32 $0x1C0, s15;
	[sflag:s0] =	ssyncadd.s32 $0xFFFFF000;
	s0 =	simm.s32 $0x10  }
0xf3: {  	[tilespmem:s17], [sflag:$0x1] =	stream.indirect.gather [hbm4b:s2+s29], $0x80, s16, s29, $0xb8;
	[tilespmem:$0xF900] =	vst v63  }
0xf4: {  	_ =	swait.ge [sflag:s0], $0x1000  }
0xf5: {  	[sflag:s0] =	ssyncset.done $0x0  }
0xf6: {  	s16 =	sadd.s32 $0x1E0, s15;
	[sflag:s0] =	ssyncadd.s32 $0xFFFFF000;
	s0 =	simm.s32 $0x11  }
0xf7: {  	[tilespmem:s18], [sflag:$0x2] =	stream.indirect.gather [hbm4b:s2+s29], $0x80, s16, s29, $0xb8;
	[tilespmem:$0xF900] =	vst v63  }
0xf8: {  	_ =	swait.ge [sflag:s0], $0x1000  }
0xf9: {  	[sflag:s0] =	ssyncset.done $0x0  }
0xfa: {  	s16 =	sadd.s32 $0x200, s15;
	[sflag:s0] =	ssyncadd.s32 $0xFFFFF000;
	s0 =	simm.s32 $0x12  }
0xfb: {  	[tilespmem:s25], [sflag:$0x3] =	stream.indirect.gather [hbm4b:s2+s29], $0x80, s16, s29, $0xb8;
	[tilespmem:$0xF900] =	vst v63  }
0xfc: {  	_ =	swait.ge [sflag:s0], $0x1000  }
0xfd: {  	[sflag:s0] =	ssyncset.done $0x0  }
0xfe: {  	s16 =	sadd.s32 $0x220, s15;
	[sflag:s0] =	ssyncadd.s32 $0xFFFFF000  }
0xff: {  	[tilespmem:s19], [sflag:$0x4] =	stream.indirect.gather [hbm4b:s2+s29], $0x80, s16, s29, $0xb8;
	[tilespmem:$0xF900] =	vst v63  }
0x100: {  	_ =	swait.ge [sflag:s26], $0x1000  }
0x101: {  	[sflag:s26] =	ssyncset.done $0x0  }
0x102: {  	s18 =	simm.s32 $0x5900;
	s16 =	sadd.s32 $0x240, s15;
	[sflag:s26] =	ssyncadd.s32 $0xFFFFF000  }
0x103: {  	[tilespmem:s20], [sflag:$0x5] =	stream.indirect.gather [hbm4b:s2+s29], $0x80, s16, s29, $0xb8;
	[tilespmem:$0xF900] =	vst v63  }
0x104: {  	_ =	swait.ge [sflag:s4], $0x1000  }
0x105: {  	[sflag:s4] =	ssyncset.done $0x0  }
0x106: {  	s19 =	simm.s32 $0x6900;
	s16 =	sadd.s32 $0x260, s15;
	[sflag:s4] =	ssyncadd.s32 $0xFFFFF000  }
0x107: {  	[tilespmem:s21], [sflag:$0x6] =	stream.indirect.gather [hbm4b:s2+s29], $0x80, s16, s29, $0xb8;
	[tilespmem:$0xF900] =	vst v63  }
0x108: {  	_ =	swait.ge [sflag:s5], $0x1000  }
0x109: {  	[sflag:s5] =	ssyncset.done $0x0  }
0x10a: {  	s20 =	simm.s32 $0x7900;
	s16 =	sadd.s32 $0x280, s15;
	[sflag:s5] =	ssyncadd.s32 $0xFFFFF000  }
0x10b: {  	[tilespmem:s22], [sflag:$0x7] =	stream.indirect.gather [hbm4b:s2+s29], $0x80, s16, s29, $0xb8;
	[tilespmem:$0xF900] =	vst v63  }
0x10c: {  	_ =	swait.ge [sflag:s6], $0x1000  }
0x10d: {  	[sflag:s6] =	ssyncset.done $0x0  }
0x10e: {  	s21 =	simm.s32 $0x8900;
	s16 =	sadd.s32 $0x2A0, s15;
	[sflag:s6] =	ssyncadd.s32 $0xFFFFF000  }
0x10f: {  	[tilespmem:s23], [sflag:$0x8] =	stream.indirect.gather [hbm4b:s2+s29], $0x80, s16, s29, $0xb8;
	[tilespmem:$0xF900] =	vst v63  }
0x110: {  	_ =	swait.ge [sflag:s7], $0x1000  }
0x111: {  	[sflag:s7] =	ssyncset.done $0x0  }
0x112: {  	s22 =	simm.s32 $0x9900;
	s16 =	sadd.s32 $0x2C0, s15;
	[sflag:s7] =	ssyncadd.s32 $0xFFFFF000  }
0x113: {  	[tilespmem:s28], [sflag:$0x9] =	stream.indirect.gather [hbm4b:s2+s29], $0x80, s16, s29, $0xb8;
	[tilespmem:$0xF900] =	vst v63  }
0x114: {  	_ =	swait.ge [sflag:s8], $0x1000  }
0x115: {  	[sflag:s8] =	ssyncset.done $0x0  }
0x116: {  	s23 =	simm.s32 $0xA900;
	s16 =	sadd.s32 $0x2E0, s15;
	[sflag:s8] =	ssyncadd.s32 $0xFFFFF000  }
0x117: {  	[tilespmem:s24], [sflag:$0xA] =	stream.indirect.gather [hbm4b:s2+s29], $0x80, s16, s29, $0xb8;
	[tilespmem:$0xF900] =	vst v63  }
0x118: {  	_ =	swait.ge [sflag:s9], $0x1000  }
0x119: {  	[sflag:s9] =	ssyncset.done $0x0  }
0x11a: {  	s16 =	sadd.s32 $0x300, s15;
	s24 =	simm.s32 $0xB900;
	[sflag:s9] =	ssyncadd.s32 $0xFFFFF000  }
0x11b: {  	[tilespmem:s30], [sflag:$0xB] =	stream.indirect.gather [hbm4b:s2+s29], $0x80, s16, s29, $0xb8;
	[tilespmem:$0xF900] =	vst v63  }
0x11c: {  	_ =	swait.ge [sflag:s10], $0x1000  }
0x11d: {  	[sflag:s10] =	ssyncset.done $0x0  }
0x11e: {  	s25 =	simm.s32 $0xC900;
	s16 =	sadd.s32 $0x320, s15;
	[sflag:s10] =	ssyncadd.s32 $0xFFFFF000  }
0x11f: {  	[tilespmem:s31], [sflag:$0xC] =	stream.indirect.gather [hbm4b:s2+s29], $0x80, s16, s29, $0xb8;
	[tilespmem:$0xF900] =	vst v63  }
0x120: {  	_ =	swait.ge [sflag:s11], $0x1000  }
0x121: {  	s28 =	simm.s32 $0xD900;
	[sflag:s11] =	ssyncset.done $0x0  }
.Ltmp0:
0x122: {  	s16 =	sadd.s32 $0x340, s15;
	[sflag:s11] =	ssyncadd.s32 $0xFFFFF000;
	(pc) =	sbr.rel @p0 .LBB2_2-.Ltmp0, $4  }
0x123: {  	[tilespmem:s1], [sflag:$0xD] =	stream.indirect.gather [hbm4b:s2+s29], $0x80, s16, s29, $0xb8;
	[tilespmem:$0xF900] =	vst v63  }
0x124: {  	_ =	swait.ge [sflag:s12], $0x1000  }
0x125: {  	[sflag:s12] =	ssyncset.done $0x0  }
0x126: {  	s14 =	sadd.s32 $0x1C00, s14;
	s15 =	sadd.s32 $0x360, s15;
	[sflag:s12] =	ssyncadd.s32 $0xFFFFF000  }
0x127: {  	s14 =	simm.s32 $0xE900;
	s1 =	simm.s32 $0x1  }
0x128: {  	[tilespmem:s14], [sflag:$0xE] =	stream.indirect.gather [hbm4b:s2+s29], $0x80, s15, s29, $0xb8;
	[tilespmem:$0xF900] =	vst v63  }
0x129: {  	_ =	swait.ge [sflag:s1], $0x1000  }
0x12a: {  	s0 =	simm.s32 $0x1900;
	[sflag:s1] =	ssyncset.done $0x0  }
0x12b: {  	s30 =	simm.s32 $0x2;
	s13 =	rddreg [dreg:$0x5];
	[sflag:s1] =	ssyncadd.s32 $0xFFFFF000  }
0x12c: {  	[hbm4b:s13+s3] =	stream.linear.scatter [tilespmem:s0], [sflag:$0xF], $0x1000, $0x38;
	[tilespmem:$0xF900] =	vst v63  }
0x12d: {  	_ =	swait.ge [sflag:s30], $0x1000  }
0x12e: {  	s31 =	simm.s32 $0x3;
	[sflag:s30] =	ssyncset.done $0x0  }
0x12f: {  	s15 =	simm.s32 $0x2900;
	s16 =	rddreg [dreg:$0x6];
	[sflag:s30] =	ssyncadd.s32 $0xFFFFF000  }
0x130: {  	[hbm4b:s16+s3] =	stream.linear.scatter [tilespmem:s15], [sflag:$0x10], $0x1000, $0x38;
	[tilespmem:$0xF900] =	vst v63  }
0x131: {  	_ =	swait.ge [sflag:s31], $0x1000  }
0x132: {  	s0 =	simm.s32 $0x4;
	[sflag:s31] =	ssyncset.done $0x0  }
0x133: {  	s16 =	simm.s32 $0x3900;
	s17 =	rddreg [dreg:$0x7];
	[sflag:s31] =	ssyncadd.s32 $0xFFFFF000  }
0x134: {  	[hbm4b:s17+s3] =	stream.linear.scatter [tilespmem:s16], [sflag:$0x11], $0x1000, $0x38;
	[tilespmem:$0xF900] =	vst v63  }
0x135: {  	_ =	swait.ge [sflag:s0], $0x1000  }
0x136: {  	[sflag:s0] =	ssyncset.done $0x0  }
0x137: {  	s17 =	simm.s32 $0x4900;
	s13 =	rddreg [dreg:$0x8];
	[sflag:s0] =	ssyncadd.s32 $0xFFFFF000  }
0x138: {  	[hbm4b:s13+s3] =	stream.linear.scatter [tilespmem:s17], [sflag:$0x12], $0x1000, $0x38;
	[tilespmem:$0xF900] =	vst v63  }
0x139: {  	s13 =	simm.s32 $0x5  }
0x13a: {  	_ =	swait.ge [sflag:s13], $0x1000  }
0x13b: {  	[sflag:s13] =	ssyncset.done $0x0  }
0x13c: {  	[sflag:s13] =	ssyncadd.s32 $0xFFFFF000;
	s13 =	rddreg [dreg:$0x9]  }
0x13d: {  	[hbm4b:s13+s3] =	stream.linear.scatter [tilespmem:s18], [sflag:$0x13], $0x1000, $0x38;
	[tilespmem:$0xF900] =	vst v63  }
0x13e: {  	s18 =	simm.s32 $0x6  }
0x13f: {  	_ =	swait.ge [sflag:s18], $0x1000  }
0x140: {  	[sflag:s18] =	ssyncset.done $0x0  }
0x141: {  	[sflag:s18] =	ssyncadd.s32 $0xFFFFF000;
	s18 =	rddreg [dreg:$0xa]  }
0x142: {  	[hbm4b:s18+s3] =	stream.linear.scatter [tilespmem:s19], [sflag:$0x14], $0x1000, $0x38;
	[tilespmem:$0xF900] =	vst v63  }
0x143: {  	s18 =	simm.s32 $0x7  }
0x144: {  	_ =	swait.ge [sflag:s18], $0x1000  }
0x145: {  	[sflag:s18] =	ssyncset.done $0x0  }
0x146: {  	s19 =	rddreg [dreg:$0xb];
	[sflag:s18] =	ssyncadd.s32 $0xFFFFF000  }
0x147: {  	[hbm4b:s19+s3] =	stream.linear.scatter [tilespmem:s20], [sflag:$0x15], $0x1000, $0x38;
	[tilespmem:$0xF900] =	vst v63  }
0x148: {  	s20 =	simm.s32 $0x8  }
0x149: {  	_ =	swait.ge [sflag:s20], $0x1000  }
0x14a: {  	[sflag:s20] =	ssyncset.done $0x0  }
0x14b: {  	s19 =	simm.s32 $0x9;
	s18 =	rddreg [dreg:$0xc];
	[sflag:s20] =	ssyncadd.s32 $0xFFFFF000  }
0x14c: {  	[hbm4b:s18+s3] =	stream.linear.scatter [tilespmem:s21], [sflag:$0x16], $0x1000, $0x38;
	[tilespmem:$0xF900] =	vst v63  }
0x14d: {  	_ =	swait.ge [sflag:s19], $0x1000  }
0x14e: {  	[sflag:s19] =	ssyncset.done $0x0  }
0x14f: {  	s21 =	simm.s32 $0xA;
	s20 =	rddreg [dreg:$0xd];
	[sflag:s19] =	ssyncadd.s32 $0xFFFFF000  }
0x150: {  	[hbm4b:s20+s3] =	stream.linear.scatter [tilespmem:s22], [sflag:$0x17], $0x1000, $0x38;
	[tilespmem:$0xF900] =	vst v63  }
0x151: {  	_ =	swait.ge [sflag:s21], $0x1000  }
0x152: {  	[sflag:s21] =	ssyncset.done $0x0  }
0x153: {  	s22 =	rddreg [dreg:$0xe];
	[sflag:s21] =	ssyncadd.s32 $0xFFFFF000  }
0x154: {  	[hbm4b:s22+s3] =	stream.linear.scatter [tilespmem:s23], [sflag:$0x18], $0x1000, $0x38;
	[tilespmem:$0xF900] =	vst v63  }
0x155: {  	s23 =	simm.s32 $0xB  }
0x156: {  	_ =	swait.ge [sflag:s23], $0x1000  }
0x157: {  	[sflag:s23] =	ssyncset.done $0x0  }
0x158: {  	s19 =	simm.s32 $0xC;
	s18 =	rddreg [dreg:$0xf];
	[sflag:s23] =	ssyncadd.s32 $0xFFFFF000  }
0x159: {  	[hbm4b:s18+s3] =	stream.linear.scatter [tilespmem:s24], [sflag:$0x19], $0x1000, $0x38;
	[tilespmem:$0xF900] =	vst v63  }
0x15a: {  	_ =	swait.ge [sflag:s19], $0x1000  }
0x15b: {  	[sflag:s19] =	ssyncset.done $0x0  }
0x15c: {  	s21 =	simm.s32 $0xD;
	s20 =	rddreg [dreg:$0x10];
	[sflag:s19] =	ssyncadd.s32 $0xFFFFF000  }
0x15d: {  	[hbm4b:s20+s3] =	stream.linear.scatter [tilespmem:s25], [sflag:$0x1A], $0x1000, $0x38;
	[tilespmem:$0xF900] =	vst v63  }
0x15e: {  	_ =	swait.ge [sflag:s21], $0x1000  }
0x15f: {  	[sflag:s21] =	ssyncset.done $0x0  }
0x160: {  	s23 =	simm.s32 $0xE;
	s22 =	rddreg [dreg:$0x11];
	[sflag:s21] =	ssyncadd.s32 $0xFFFFF000  }
0x161: {  	[hbm4b:s22+s3] =	stream.linear.scatter [tilespmem:s28], [sflag:$0x1B], $0x1000, $0x38;
	[tilespmem:$0xF900] =	vst v63  }
0x162: {  	_ =	swait.ge [sflag:s23], $0x1000  }
0x163: {  	[sflag:s23] =	ssyncset.done $0x0  }
0x164: {  	s24 =	rddreg [dreg:$0x12];
	[sflag:s23] =	ssyncadd.s32 $0xFFFFF000  }
0x165: {  	[hbm4b:s24+s3] =	stream.linear.scatter [tilespmem:s14], [sflag:$0x1C], $0x1000, $0x38;
	[tilespmem:$0xF900] =	vst v63  }
0x166: {  	s14 =	simm.s32 $0xF  }
0x167: {  	_ =	swait.ge [sflag:s14], $0x1000  }
0x168: {  	s18 =	simm.s32 $0x10;
	[sflag:s14] =	ssyncset.done $0x0  }
0x169: {  	s25 =	simm.s32 $0x1880;
	s28 =	simm.s32 $0x1900;
	[sflag:s14] =	ssyncadd.s32 $0xFFFFF000  }
0x16a: {  	[tilespmem:s28], [sflag:$0x1] =	stream.indirect.gather [hbm4b:s2+s29], $0x80, s25, s29, $0xb8;
	[tilespmem:$0xF900] =	vst v63  }
0x16b: {  	_ =	swait.ge [sflag:s18], $0x1000  }
0x16c: {  	[sflag:s18] =	ssyncset.done $0x0  }
0x16d: {  	s19 =	simm.s32 $0x18A0;
	[sflag:s18] =	ssyncadd.s32 $0xFFFFF000  }
0x16e: {  	[tilespmem:s15], [sflag:$0x2] =	stream.indirect.gather [hbm4b:s2+s29], $0x80, s19, s29, $0xb8;
	[tilespmem:$0xF900] =	vst v63  }
0x16f: {  	s19 =	simm.s32 $0x11  }
0x170: {  	_ =	swait.ge [sflag:s19], $0x1000  }
0x171: {  	[sflag:s19] =	ssyncset.done $0x0  }
0x172: {  	s20 =	simm.s32 $0x18C0;
	[sflag:s19] =	ssyncadd.s32 $0xFFFFF000  }
0x173: {  	[tilespmem:s16], [sflag:$0x3] =	stream.indirect.gather [hbm4b:s2+s29], $0x80, s20, s29, $0xb8;
	[tilespmem:$0xF900] =	vst v63  }
0x174: {  	s20 =	simm.s32 $0x12  }
0x175: {  	_ =	swait.ge [sflag:s20], $0x1000  }
0x176: {  	[sflag:s20] =	ssyncset.done $0x0  }
0x177: {  	s22 =	simm.s32 $0x18E0;
	[sflag:s20] =	ssyncadd.s32 $0xFFFFF000  }
0x178: {  	[tilespmem:s17], [sflag:$0x4] =	stream.indirect.gather [hbm4b:s2+s29], $0x80, s22, s29, $0xb8;
	[tilespmem:$0xF900] =	vst v63  }
0x179: {  	_ =	swait.ge [sflag:s26], $0x1000  }
0x17a: {  	[sflag:s26] =	ssyncset.done $0x0  }
0x17b: {  	[sflag:s26] =	ssyncadd.s32 $0xFFFFF000  }
0x17c: {  	_ =	swait.ge [sflag:s4], $0x1000  }
0x17d: {  	[sflag:s4] =	ssyncset.done $0x0  }
0x17e: {  	[sflag:s4] =	ssyncadd.s32 $0xFFFFF000  }
0x17f: {  	_ =	swait.ge [sflag:s5], $0x1000  }
0x180: {  	[sflag:s5] =	ssyncset.done $0x0  }
0x181: {  	[sflag:s5] =	ssyncadd.s32 $0xFFFFF000  }
0x182: {  	_ =	swait.ge [sflag:s6], $0x1000  }
0x183: {  	[sflag:s6] =	ssyncset.done $0x0  }
0x184: {  	[sflag:s6] =	ssyncadd.s32 $0xFFFFF000  }
0x185: {  	_ =	swait.ge [sflag:s7], $0x1000  }
0x186: {  	[sflag:s7] =	ssyncset.done $0x0  }
0x187: {  	[sflag:s7] =	ssyncadd.s32 $0xFFFFF000  }
0x188: {  	_ =	swait.ge [sflag:s8], $0x1000  }
0x189: {  	[sflag:s8] =	ssyncset.done $0x0  }
0x18a: {  	[sflag:s8] =	ssyncadd.s32 $0xFFFFF000  }
0x18b: {  	_ =	swait.ge [sflag:s9], $0x1000  }
0x18c: {  	[sflag:s9] =	ssyncset.done $0x0  }
0x18d: {  	[sflag:s9] =	ssyncadd.s32 $0xFFFFF000  }
0x18e: {  	_ =	swait.ge [sflag:s10], $0x1000  }
0x18f: {  	[sflag:s10] =	ssyncset.done $0x0  }
0x190: {  	[sflag:s10] =	ssyncadd.s32 $0xFFFFF000  }
0x191: {  	_ =	swait.ge [sflag:s11], $0x1000  }
0x192: {  	[sflag:s11] =	ssyncset.done $0x0  }
0x193: {  	[sflag:s11] =	ssyncadd.s32 $0xFFFFF000  }
0x194: {  	_ =	swait.ge [sflag:s12], $0x1000  }
0x195: {  	[sflag:s12] =	ssyncset.done $0x0  }
0x196: {  	[sflag:s12] =	ssyncadd.s32 $0xFFFFF000  }
0x197: {  	_ =	swait.ge [sflag:s1], $0x1000  }
0x198: {  	[sflag:s1] =	ssyncset.done $0x0  }
0x199: {  	s23 =	rddreg [dreg:$0x13];
	[sflag:s1] =	ssyncadd.s32 $0xFFFFF000  }
0x19a: {  	[hbm4b:s23+s3] =	stream.linear.scatter [tilespmem:s28], [sflag:$0xF], $0x1000, $0x38;
	[tilespmem:$0xF900] =	vst v63  }
0x19b: {  	_ =	swait.ge [sflag:s30], $0x1000  }
0x19c: {  	[sflag:s30] =	ssyncset.done $0x0  }
0x19d: {  	s24 =	rddreg [dreg:$0x14];
	[sflag:s30] =	ssyncadd.s32 $0xFFFFF000  }
0x19e: {  	[hbm4b:s24+s3] =	stream.linear.scatter [tilespmem:s15], [sflag:$0x10], $0x1000, $0x38;
	[tilespmem:$0xF900] =	vst v63  }
0x19f: {  	_ =	swait.ge [sflag:s31], $0x1000  }
0x1a0: {  	[sflag:s31] =	ssyncset.done $0x0  }
0x1a1: {  	s25 =	rddreg [dreg:$0x15];
	[sflag:s31] =	ssyncadd.s32 $0xFFFFF000  }
0x1a2: {  	[hbm4b:s25+s3] =	stream.linear.scatter [tilespmem:s16], [sflag:$0x11], $0x1000, $0x38;
	[tilespmem:$0xF900] =	vst v63  }
0x1a3: {  	_ =	swait.ge [sflag:s0], $0x1000  }
0x1a4: {  	[sflag:s0] =	ssyncset.done $0x0  }
0x1a5: {  	s28 =	rddreg [dreg:$0x16];
	[sflag:s0] =	ssyncadd.s32 $0xFFFFF000  }
0x1a6: {  	[hbm4b:s28+s3] =	stream.linear.scatter [tilespmem:s17], [sflag:$0x12], $0x1000, $0x38;
	[tilespmem:$0xF900] =	vst v63  }
0x1a7: {  	_ =	swait.ge [sflag:s14], $0x1000  }
0x1a8: {  	[sflag:s14] =	ssyncset.done $0x0  }
0x1a9: {  	[sflag:s14] =	ssyncadd.s32 $0xFFFFF000  }
0x1aa: {  	_ =	swait.ge [sflag:s18], $0x1000  }
0x1ab: {  	[sflag:s18] =	ssyncset.done $0x0  }
0x1ac: {  	[sflag:s18] =	ssyncadd.s32 $0xFFFFF000  }
0x1ad: {  	_ =	swait.ge [sflag:s19], $0x1000  }
0x1ae: {  	[sflag:s19] =	ssyncset.done $0x0  }
0x1af: {  	[sflag:s19] =	ssyncadd.s32 $0xFFFFF000  }
0x1b0: {  	_ =	swait.ge [sflag:s20], $0x1000  }
0x1b1: {  	s30 =	rddreg [dreg:$0x19]  }
0x1b2: {  	s31 =	rddreg [dreg:$0x17];
	s0 =	sadd.s32 $0x1, s30  }
0x1b3: {  	p0 =	sne.s32 s0, s31  }
.Ltmp1:
0x1b4: {  	_ = 	snop;
	(pc) =	sbr.rel @p0 .LBB2_1-.Ltmp1, $3  }
0x1b5: {  	_ =	sdelay $0x1  }
0x1b6: {  	[sflag:s20] =	ssyncset.done $0x0  }
0x1b7: {  	[sflag:s20] =	ssyncadd.s32 $0xFFFFF000  }
0x1b8: {  	_ =	sfence.sel $0x180000  }
0x1b9: {  	[bflag:$0x0] =	sbarrier.arrive $0xFFFF  }
0x1ba: {  	_ =	strace $0x90000047  }
0x1bb: {  	s0 =	stileid.u32;
	[bflag:$0x2] =	sbarrier.arrive $0xFFFF  }
0x1bc: {  	p0 =	sne.s32 s0, $0x0;
	s0 =	rddreg [dreg:$0x3]  }
0x1bd: {  	s0 =	sadd.s32 @!p0 $0x100000, s0  }
0x1be: {  	[sflag:s0] =	ssyncadd.tile.s32 @!p0 $0x1;
	_ =	shalt  }
.Lfunc_end2:
_tile_overlayer_lowered:
.L_overlay_start_2:
0x1bf: {  	(tag) =	ssettag $0x2  }
0x1c0: {  	s0 =	rddreg [dreg:$0x0];
	s2 =	stileid.u32  }
0x1c1: {  	s1 =	rddreg [dreg:$0x1];
	p0 =	sne.s32 s2, $0x0  }
0x1c2: {  	s3 =	rddreg [dreg:$0x2];
	[bflag:$0x3] =	sbarrier.arrive $0xFFFF;
	s2 =	simm.s32 @!p0 $0x1C1D  }
0x1c3: {  	[timem:s3], [sflag:s2] =	dma.local @!p0 [hbm:s0], s1  }
0x1c4: {  	s0 =	simm.s32 @!p0 $0x1D  }
0x1c5: {  	_ =	swait.ge @!p0 [sflag:s0], s1  }
0x1c6: {  	s1 =	ssub.s32 @!p0 $0x0, s1;
	[sflag:s0] =	ssyncset.done @!p0 $0x0  }
0x1c7: {  	[sflag:s0] =	ssyncadd.s32 @!p0 s1  }
0x1c8: {  	[bflag:$0x3] =	sbarrier.arrive $0xFFFF  }
0x1c9: {  	_ =	shalt  }

</sc_bundles>
